<compile_context>
chip_gen: v7x
topology: tpu7x:2x2x1
jax: 0.10.2.dev20260603
libtpu: 0.0.44.dev20260713+nightly
codegen_flags: <defaults>
</compile_context>

<pallas_src>
import functools

import jax
import jax.numpy as jnp
from jax.experimental import pallas as pl

_NPROP_K = 512


def _fps_kernel(x_ref, out_ref, *, npoint):
    B, _, N = x_ref.shape
    x = x_ref[:, 0, :]
    y = x_ref[:, 1, :]
    z = x_ref[:, 2, :]
    iota = jax.lax.broadcasted_iota(jnp.int32, (B, N), 1)
    iota_np = jax.lax.broadcasted_iota(jnp.int32, (B, npoint), 1)

    out_ref[:, :] = jnp.zeros((B, npoint), jnp.int32)

    def body(i, carry):
        dist, far = carry
        farb = jnp.broadcast_to(far, (B, npoint))
        out_ref[:, :] = out_ref[:, :] + jnp.where(iota_np == i, farb, 0)
        mask = iota == far
        cx = jnp.sum(jnp.where(mask, x, 0.0), axis=1, keepdims=True)
        cy = jnp.sum(jnp.where(mask, y, 0.0), axis=1, keepdims=True)
        cz = jnp.sum(jnp.where(mask, z, 0.0), axis=1, keepdims=True)
        dx = x - cx
        dy = y - cy
        dz = z - cz
        d = dx * dx + (dy * dy + dz * dz)
        dist = jnp.minimum(dist, d)
        m = jnp.max(dist, axis=1, keepdims=True)
        far = jnp.min(jnp.where(dist == m, iota, N), axis=1, keepdims=True)
        return dist, far

    dist0 = jnp.full((B, N), 1e10, jnp.float32)
    far0 = jnp.zeros((B, 1), jnp.int32)
    jax.lax.fori_loop(0, npoint, body, (dist0, far0))


def _fps(xyz3, npoint):
    B, _, N = xyz3.shape
    return pl.pallas_call(
        functools.partial(_fps_kernel, npoint=npoint),
        out_shape=jax.ShapeDtypeStruct((B, npoint), jnp.int32),
    )(xyz3)


def _ballq_kernel(d_ref, out_ref, *, r2, K):
    _, TS, N = d_ref.shape
    dd = d_ref[0]
    iota = jax.lax.broadcasted_iota(jnp.int32, (TS, N), 1)
    cand = jnp.where(dd > r2, N, iota)
    cols = []
    prev = jnp.full((TS, 1), -1, jnp.int32)
    for _ in range(K):
        cur = jnp.min(jnp.where(cand > prev, cand, N), axis=1, keepdims=True)
        cols.append(cur)
        prev = cur
    g = jnp.concatenate(cols, axis=1)
    first = jnp.broadcast_to(cols[0], (TS, K))
    out_ref[0] = jnp.where(g == N, first, g)


def _ball_query_select(d, radius, K):
    B, S, N = d.shape
    TS = min(S, 256)
    return pl.pallas_call(
        functools.partial(_ballq_kernel, r2=radius ** 2, K=K),
        grid=(B, S // TS),
        in_specs=[pl.BlockSpec((1, TS, N), lambda b, s: (b, s, 0))],
        out_specs=pl.BlockSpec((1, TS, K), lambda b, s: (b, s, 0)),
        out_shape=jax.ShapeDtypeStruct((B, S, K), jnp.int32),
    )(d)


def _knn3_kernel(d_ref, idx_ref, val_ref, *, K):
    _, TS, N = d_ref.shape
    dd = d_ref[0]
    iota = jax.lax.broadcasted_iota(jnp.int32, (TS, N), 1)
    active = iota == iota
    icols, vcols = [], []
    for _ in range(K):
        dmask = jnp.where(active, dd, jnp.inf)
        v = jnp.min(dmask, axis=1, keepdims=True)
        i = jnp.min(jnp.where(dmask == v, iota, N), axis=1, keepdims=True)
        icols.append(i)
        vcols.append(v)
        active = jnp.logical_and(active, iota != i)
    idx_ref[0] = jnp.concatenate(icols, axis=1)
    val_ref[0] = jnp.concatenate(vcols, axis=1)


def _knn3_select(d, K=3):
    B, N1, N2 = d.shape
    TS = min(N1, 512)
    return pl.pallas_call(
        functools.partial(_knn3_kernel, K=K),
        grid=(B, N1 // TS),
        in_specs=[pl.BlockSpec((1, TS, N2), lambda b, s: (b, s, 0))],
        out_specs=[
            pl.BlockSpec((1, TS, K), lambda b, s: (b, s, 0)),
            pl.BlockSpec((1, TS, K), lambda b, s: (b, s, 0)),
        ],
        out_shape=[
            jax.ShapeDtypeStruct((B, N1, K), jnp.int32),
            jax.ShapeDtypeStruct((B, N1, K), jnp.float32),
        ],
    )(d)


def _square_distance(src, dst):
    return (
        jnp.sum(src ** 2, -1)[:, :, None]
        + jnp.sum(dst ** 2, -1)[:, None, :]
        - 2.0 * jnp.einsum('bnc,bmc->bnm', src, dst)
    )


def _index_points(points, idx):
    return jax.vmap(lambda p, i: p[i])(points, idx)


def _query_ball_point(radius, nsample, xyz, new_xyz):
    sqrdists = _square_distance(new_xyz, xyz)
    return _ball_query_select(sqrdists, radius, nsample)


def _bn(x, gamma, beta, axes):
    mean = jnp.mean(x, axis=axes, keepdims=True)
    var = jnp.var(x, axis=axes, keepdims=True)
    shape = [1] * x.ndim
    shape[1] = -1
    return (x - mean) / jnp.sqrt(var + 1e-5) * gamma.reshape(shape) + beta.reshape(shape)


def _sa_msg(branches, npoint, radius_list, nsample_list, xyz, points):
    xyz_t = jnp.transpose(xyz, (0, 2, 1))
    pts_t = jnp.transpose(points, (0, 2, 1))
    fps_idx = _fps(jax.lax.stop_gradient(xyz), npoint)
    new_xyz = _index_points(xyz_t, fps_idx)
    outs = []
    for layers, radius, K in zip(branches, radius_list, nsample_list):
        gi = _query_ball_point(radius, K, xyz_t, new_xyz)
        gxyz = _index_points(xyz_t, gi) - new_xyz[:, :, None, :]
        g = jnp.concatenate([_index_points(pts_t, gi), gxyz], axis=-1)
        g = jnp.transpose(g, (0, 3, 2, 1))
        for (W, b, gamma, beta) in layers:
            g = jnp.einsum('oc,bcks->boks', W, g) + b[None, :, None, None]
            g = jax.nn.relu(_bn(g, gamma, beta, (0, 2, 3)))
        outs.append(jnp.max(g, axis=2))
    return jnp.transpose(new_xyz, (0, 2, 1)), jnp.concatenate(outs, axis=1)


def _fp(layers, xyz1, xyz2, points1, points2):
    x1 = jnp.transpose(xyz1, (0, 2, 1))
    x2 = jnp.transpose(xyz2, (0, 2, 1))
    p2 = jnp.transpose(points2, (0, 2, 1))
    d = _square_distance(x1, x2)
    idx, d3 = _knn3_select(d)
    rec = 1.0 / (d3 + 1e-8)
    w = rec / jnp.sum(rec, axis=-1, keepdims=True)
    interp = jnp.sum(_index_points(p2, idx) * w[..., None], axis=2)
    if points1 is not None:
        newp = jnp.concatenate([jnp.transpose(points1, (0, 2, 1)), interp], axis=-1)
    else:
        newp = interp
    g = jnp.transpose(newp, (0, 2, 1))
    for (W, b, gamma, beta) in layers:
        g = jnp.einsum('oc,bcn->bon', W, g) + b[None, :, None]
        g = jax.nn.relu(_bn(g, gamma, beta, (0, 2)))
    return g


def _get_proposal(xyz, points, centroids, nsample=_NPROP_K):
    xt = jnp.transpose(xyz, (0, 2, 1))
    ct = jnp.transpose(centroids, (0, 2, 1))
    d = _square_distance(ct, xt)
    neg, idx = jax.lax.top_k(-d, nsample)
    gxyz = _index_points(xt, idx) - ct[:, :, None, :]
    dist = jnp.sqrt(jnp.maximum(-neg, 0.0))[..., None]
    gpts = _index_points(jnp.transpose(points, (0, 2, 1)), idx)
    props = jnp.concatenate([gxyz, dist, gpts], axis=-1)
    return jnp.transpose(props, (0, 1, 3, 2)), idx


def kernel(xyz, centroids, params):
    l0_points = xyz
    l0_xyz = xyz[:, :3, :]
    l1_xyz, l1_points = _sa_msg(params['sa1'], 1024, [2.5, 5.0], [16, 32], l0_xyz, l0_points)
    l2_xyz, l2_points = _sa_msg(params['sa2'], 512, [5.0, 10.0], [16, 32], l1_xyz, l1_points)
    l3_xyz, l3_points = _sa_msg(params['sa3'], 256, [10.0, 20.0], [16, 32], l2_xyz, l2_points)
    l2_points = _fp(params['fp3'], l2_xyz, l3_xyz, l2_points, l3_points)
    l1_points = _fp(params['fp2'], l1_xyz, l2_xyz, l1_points, l2_points)
    l0_points = _fp(params['fp1'], l0_xyz, l1_xyz, l0_points, l1_points)
    cen = jnp.transpose(centroids.reshape(-1, 14, 3), (0, 2, 1))
    proposals, proposal_index = _get_proposal(l0_xyz, l0_points, cen)
    B = l0_points.shape[0]
    K = proposals.shape[-1]
    p = proposals.reshape(-1, proposals.shape[-2], K)
    W1, b1, g1, be1 = params['conv1']
    x = jnp.einsum('oc,bck->bok', W1, p) + b1[None, :, None]
    x = jax.nn.relu(_bn(x, g1, be1, (0, 2)))
    W2, b2 = params['conv2']
    x = jnp.einsum('oc,bck->bok', W2, x) + b2[None, :, None]
    x = jax.nn.log_softmax(x, axis=1)
    x = jnp.transpose(x, (0, 2, 1)).reshape(B, -1, K, 16)
    return x, proposal_index

# --- scband reference (transcript-rebuilt; emitter-appended) ---
"""Pipeline reference for scband-get-model-50002009260617 (READ-ONLY COPY).

The authoritative reference and input builder live on the scoring server;
editing this copy changes nothing except your own understanding.
"""

import jax, jax.numpy as jnp
import numpy as np

NPROP_K = 512

def square_distance(src, dst):
    return jnp.sum(src ** 2, -1)[:, :, None] + jnp.sum(dst ** 2, -1)[:, None, :] - 2.0 * jnp.einsum('bnc,bmc->bnm', src, dst)

def index_points(points, idx):
    return jax.vmap(lambda p, i: p[i])(points, idx)

def farthest_point_sample(xyz, npoint):
    B, N, _ = xyz.shape
    def body(i, state):
        cent, dist, far = state
        cent = cent.at[:, i].set(far)
        c = jnp.take_along_axis(xyz, far[:, None, None], axis=1)
        d = jnp.sum((xyz - c) ** 2, -1)
        dist = jnp.minimum(dist, d)
        far = jnp.argmax(dist, axis=-1).astype(jnp.int32)
        return (cent, dist, far)
    cent0 = jnp.zeros((B, npoint), dtype=jnp.int32)
    dist0 = jnp.full((B, N), 1e10, dtype=jnp.float32)
    far0 = jnp.zeros((B,), dtype=jnp.int32)
    cent, _, _ = jax.lax.fori_loop(0, npoint, body, (cent0, dist0, far0))
    return cent

def query_ball_point(radius, nsample, xyz, new_xyz):
    B, N, _ = xyz.shape
    S = new_xyz.shape[1]
    sqrdists = square_distance(new_xyz, xyz)
    gi = jnp.broadcast_to(jnp.arange(N, dtype=jnp.int32), (B, S, N))
    gi = jnp.where(sqrdists > radius ** 2, N, gi)
    gi = jnp.sort(gi, axis=-1)[:, :, :nsample]
    first = gi[:, :, :1]
    gi = jnp.where(gi == N, first, gi)
    return gi

def bn(x, gamma, beta, axes):
    mean = jnp.mean(x, axis=axes, keepdims=True)
    var = jnp.var(x, axis=axes, keepdims=True)
    shape = [1] * x.ndim
    shape[1] = -1
    return (x - mean) / jnp.sqrt(var + 1e-5) * gamma.reshape(shape) + beta.reshape(shape)

def sa_msg(branches, npoint, radius_list, nsample_list, xyz, points):
    xyz_t = jnp.transpose(xyz, (0, 2, 1))
    pts_t = jnp.transpose(points, (0, 2, 1))
    fps_idx = farthest_point_sample(jax.lax.stop_gradient(xyz_t), npoint)
    new_xyz = index_points(xyz_t, fps_idx)
    outs = []
    for layers, radius, K in zip(branches, radius_list, nsample_list):
        gi = query_ball_point(radius, K, xyz_t, new_xyz)
        gxyz = index_points(xyz_t, gi) - new_xyz[:, :, None, :]
        g = jnp.concatenate([index_points(pts_t, gi), gxyz], axis=-1)
        g = jnp.transpose(g, (0, 3, 2, 1))
        for (W, b, gamma, beta) in layers:
            g = jnp.einsum('oc,bcks->boks', W, g) + b[None, :, None, None]
            g = jax.nn.relu(bn(g, gamma, beta, (0, 2, 3)))
        outs.append(jnp.max(g, axis=2))
    return jnp.transpose(new_xyz, (0, 2, 1)), jnp.concatenate(outs, axis=1)

def fp(layers, xyz1, xyz2, points1, points2):
    x1 = jnp.transpose(xyz1, (0, 2, 1))
    x2 = jnp.transpose(xyz2, (0, 2, 1))
    p2 = jnp.transpose(points2, (0, 2, 1))
    d = square_distance(x1, x2)
    idx = jnp.argsort(d, axis=-1)[:, :, :3]
    d3 = jnp.take_along_axis(d, idx, axis=-1)
    rec = 1.0 / (d3 + 1e-8)
    w = rec / jnp.sum(rec, axis=-1, keepdims=True)
    interp = jnp.sum(index_points(p2, idx) * w[..., None], axis=2)
    if points1 is not None:
        newp = jnp.concatenate([jnp.transpose(points1, (0, 2, 1)), interp], axis=-1)
    else:
        newp = interp
    g = jnp.transpose(newp, (0, 2, 1))
    for (W, b, gamma, beta) in layers:
        g = jnp.einsum('oc,bcn->bon', W, g) + b[None, :, None]
        g = jax.nn.relu(bn(g, gamma, beta, (0, 2)))
    return g

def get_proposal(xyz, points, centroids, nsample=NPROP_K):
    xt = jnp.transpose(xyz, (0, 2, 1))
    ct = jnp.transpose(centroids, (0, 2, 1))
    d = square_distance(ct, xt)
    neg, idx = jax.lax.top_k(-d, nsample)
    gxyz = index_points(xt, idx) - ct[:, :, None, :]
    dist = jnp.sqrt(jnp.maximum(-neg, 0.0))[..., None]
    gpts = index_points(jnp.transpose(points, (0, 2, 1)), idx)
    props = jnp.concatenate([gxyz, dist, gpts], axis=-1)
    return jnp.transpose(props, (0, 1, 3, 2)), idx

def _forward(xyz, centroids, params):
    l0_points = xyz
    l0_xyz = xyz[:, :3, :]
    l1_xyz, l1_points = sa_msg(params['sa1'], 1024, [2.5, 5.0], [16, 32], l0_xyz, l0_points)
    l2_xyz, l2_points = sa_msg(params['sa2'], 512, [5.0, 10.0], [16, 32], l1_xyz, l1_points)
    l3_xyz, l3_points = sa_msg(params['sa3'], 256, [10.0, 20.0], [16, 32], l2_xyz, l2_points)
    l2_points = fp(params['fp3'], l2_xyz, l3_xyz, l2_points, l3_points)
    l1_points = fp(params['fp2'], l1_xyz, l2_xyz, l1_points, l2_points)
    l0_points = fp(params['fp1'], l0_xyz, l1_xyz, l0_points, l1_points)
    cen = jnp.transpose(centroids.reshape(-1, 14, 3), (0, 2, 1))
    proposals, proposal_index = get_proposal(l0_xyz, l0_points, cen)
    B = l0_points.shape[0]
    K = proposals.shape[-1]
    p = proposals.reshape(-1, proposals.shape[-2], K)
    W1, b1, g1, be1 = params['conv1']
    x = jnp.einsum('oc,bck->bok', W1, p) + b1[None, :, None]
    x = jax.nn.relu(bn(x, g1, be1, (0, 2)))
    W2, b2 = params['conv2']
    x = jnp.einsum('oc,bck->bok', W2, x) + b2[None, :, None]
    x = jax.nn.log_softmax(x, axis=1)
    x = jnp.transpose(x, (0, 2, 1)).reshape(B, -1, K, 16)
    return x, proposal_index

def setup_inputs(seed: int = 0):
    key = jax.random.key(seed)
    rng = np.random.RandomState(0)
    B, N, M = 4, 4096, 14
    k1, k2 = jax.random.split(key)
    xyz = jax.random.normal(k1, (B, 9, N), dtype=jnp.float32)
    centroids = jax.random.normal(k2, (B, M, 3), dtype=jnp.float32)
    def conv_bn(cin, cout):
        W = jnp.asarray((rng.randn(cout, cin) / np.sqrt(cin)).astype(np.float32))
        return (W, jnp.zeros((cout,), jnp.float32), jnp.ones((cout,), jnp.float32), jnp.zeros((cout,), jnp.float32))
    def mlp(cin, chans):
        layers = []
        last = cin
        for c in chans:
            layers.append(conv_bn(last, c))
            last = c
        return layers
    params = {
        'sa1': [mlp(12, [9, 32, 32]), mlp(12, [9, 32, 32])],
        'sa2': [mlp(67, [64, 64, 128]), mlp(67, [64, 64, 128])],
        'sa3': [mlp(259, [256, 196, 256]), mlp(259, [256, 196, 256])],
        'fp3': mlp(768, [256, 256]),
        'fp2': mlp(320, [128, 128]),
        'fp1': mlp(137, [64, 32]),
        'conv1': conv_bn(36, 36),
        'conv2': (jnp.asarray((rng.randn(16, 36) / 6.0).astype(np.float32)), jnp.zeros((16,), jnp.float32)),
    }
    return {'xyz': xyz, 'centroids': centroids, 'params': params}

def reference(xyz, centroids, params):
    return _forward(xyz, centroids, params)

if __name__ == "__main__":
    import jax
    _d = setup_inputs()
    print(jax.jit(kernel)(*tuple(_d.values())))

</pallas_src>

<mosaic_0001>
module attributes {stable_mosaic.version = 14 : i64} {
  func.func @_fps_kernel(%arg0: memref<4x3x4096xf32, #tpu.memory_space<vmem>>, %arg1: memref<4x1024xi32, #tpu.memory_space<vmem>>) attributes {dimension_semantics = [], scalar_prefetch = 0 : i64, scratch_operands = 0 : i64, tpu.core_type = #tpu.core_type<tc>} {
    %get3A = arith.constant 0 : index
    %get3A_0 = arith.constant 0 : index
    %get3A_1 = arith.constant 0 : index
    %get3A_2 = vector.load %arg0[%get3A, %get3A_0, %get3A_1] : memref<4x3x4096xf32, #tpu.memory_space<vmem>>, vector<4x1x4096xf32>
    %get3A_3 = vector.shape_cast %get3A_2 : vector<4x1x4096xf32> to vector<4x4096xf32>
    %get3A_4 = arith.constant 0 : index
    %get3A_5 = arith.constant 1 : index
    %get3A_6 = arith.constant 0 : index
    %get3A_7 = vector.load %arg0[%get3A_4, %get3A_5, %get3A_6] : memref<4x3x4096xf32, #tpu.memory_space<vmem>>, vector<4x1x4096xf32>
    %get3A_8 = vector.shape_cast %get3A_7 : vector<4x1x4096xf32> to vector<4x4096xf32>
    %get3A_9 = arith.constant 0 : index
    %get3A_10 = arith.constant 2 : index
    %get3A_11 = arith.constant 0 : index
    %get3A_12 = vector.load %arg0[%get3A_9, %get3A_10, %get3A_11] : memref<4x3x4096xf32, #tpu.memory_space<vmem>>, vector<4x1x4096xf32>
    %get3A_13 = vector.shape_cast %get3A_12 : vector<4x1x4096xf32> to vector<4x4096xf32>
    %iota3A = tpu.iota {dimensions = array<i32: 1>} : vector<4x4096xi32>
    %iota3A_14 = tpu.iota {dimensions = array<i32: 1>} : vector<4x1024xi32>
    %broadcast_in_dim3A = arith.constant 0 : i32
    %broadcast_in_dim3A_15 = vector.broadcast %broadcast_in_dim3A : i32 to vector<4x1024xi32>
    %swap3A = arith.constant 0 : index
    %swap3A_16 = arith.constant 0 : index
    %swap3A_17 = vector.load %arg1[%swap3A, %swap3A_16] : memref<4x1024xi32, #tpu.memory_space<vmem>>, vector<4x1024xi32>
    tpu.vector_store %arg1[%swap3A, %swap3A_16], %broadcast_in_dim3A_15 {strides = array<i32>} : memref<4x1024xi32, #tpu.memory_space<vmem>>, vector<4x1024xi32>,
    %broadcast_in_dim3A_18 = arith.constant 1.000000e+10 : f32
    %broadcast_in_dim3A_19 = vector.broadcast %broadcast_in_dim3A_18 : f32 to vector<4x4096xf32>
    %broadcast_in_dim3A_20 = arith.constant 0 : i32
    %broadcast_in_dim3A_21 = vector.broadcast %broadcast_in_dim3A_20 : i32 to vector<4x1xi32>
    %scan3A = arith.constant 0 : i32
    %scan3A_22 = arith.constant 1024 : i32
    %scan3A_23 = arith.addi %scan3A, %scan3A_22 : i32
    %scan3A_24 = arith.constant 1 : i32
    %scan3A_25:2 = scf.for %scan3A_27 = %scan3A to %scan3A_23 step %scan3A_24 iter_args(%scan3A_28 = %broadcast_in_dim3A_19, %scan3A_29 = %broadcast_in_dim3A_21) -> (vector<4x4096xf32>, vector<4x1xi32>)  : i32 {
      %broadcast_in_dim3A_30 = vector.shape_cast %scan3A_29 : vector<4x1xi32> to vector<4x1xi32>
      %broadcast_in_dim3A_31 = vector.broadcast %broadcast_in_dim3A_30 : vector<4x1xi32> to vector<4x1024xi32>
      %get3A_32 = arith.constant 0 : index
      %get3A_33 = arith.constant 0 : index
      %get3A_34 = vector.load %arg1[%get3A_32, %get3A_33] : memref<4x1024xi32, #tpu.memory_space<vmem>>, vector<4x1024xi32>
      %eq3A = vector.broadcast %scan3A_27 : i32 to vector<4x1024xi32>
      %eq3A_35 = arith.cmpi eq, %iota3A_14, %eq3A : vector<4x1024xi32>
      %jit3A = arith.constant 0 : i32
      %broadcast_in_dim3A_36 = vector.broadcast %jit3A : i32 to vector<4x1024xi32>
      %select_n3A = arith.select %eq3A_35, %broadcast_in_dim3A_31, %broadcast_in_dim3A_36 : vector<4x1024xi1>, vector<4x1024xi32>
      %add3A = arith.addi %get3A_34, %select_n3A : vector<4x1024xi32>
      %swap3A_37 = arith.constant 0 : index
      %swap3A_38 = arith.constant 0 : index
      %swap3A_39 = vector.load %arg1[%swap3A_37, %swap3A_38] : memref<4x1024xi32, #tpu.memory_space<vmem>>, vector<4x1024xi32>
      tpu.vector_store %arg1[%swap3A_37, %swap3A_38], %add3A {strides = array<i32>} : memref<4x1024xi32, #tpu.memory_space<vmem>>, vector<4x1024xi32>,
      %eq3A_40 = vector.broadcast %scan3A_29 : vector<4x1xi32> to vector<4x4096xi32>
      %eq3A_41 = arith.cmpi eq, %iota3A, %eq3A_40 : vector<4x4096xi32>
      %jit3A_42 = arith.constant 0.000000e+00 : f32
      %broadcast_in_dim3A_43 = vector.broadcast %jit3A_42 : f32 to vector<4x4096xf32>
      %select_n3A_44 = arith.select %eq3A_41, %get3A_3, %broadcast_in_dim3A_43 : vector<4x4096xi1>, vector<4x4096xf32>
      %reduce_sum3A = arith.constant dense<0.000000e+00> : vector<4xf32>
      %reduce_sum3A_45 = vector.multi_reduction <add>, %select_n3A_44, %reduce_sum3A [1] : vector<4x4096xf32> to vector<4xf32>
      %broadcast_in_dim3A_46 = vector.shape_cast %reduce_sum3A_45 : vector<4xf32> to vector<4x1xf32>
      %jit3A_47 = arith.constant 0.000000e+00 : f32
      %broadcast_in_dim3A_48 = vector.broadcast %jit3A_47 : f32 to vector<4x4096xf32>
      %select_n3A_49 = arith.select %eq3A_41, %get3A_8, %broadcast_in_dim3A_48 : vector<4x4096xi1>, vector<4x4096xf32>
      %reduce_sum3A_50 = arith.constant dense<0.000000e+00> : vector<4xf32>
      %reduce_sum3A_51 = vector.multi_reduction <add>, %select_n3A_49, %reduce_sum3A_50 [1] : vector<4x4096xf32> to vector<4xf32>
      %broadcast_in_dim3A_52 = vector.shape_cast %reduce_sum3A_51 : vector<4xf32> to vector<4x1xf32>
      %jit3A_53 = arith.constant 0.000000e+00 : f32
      %broadcast_in_dim3A_54 = vector.broadcast %jit3A_53 : f32 to vector<4x4096xf32>
      %select_n3A_55 = arith.select %eq3A_41, %get3A_13, %broadcast_in_dim3A_54 : vector<4x4096xi1>, vector<4x4096xf32>
      %reduce_sum3A_56 = arith.constant dense<0.000000e+00> : vector<4xf32>
      %reduce_sum3A_57 = vector.multi_reduction <add>, %select_n3A_55, %reduce_sum3A_56 [1] : vector<4x4096xf32> to vector<4xf32>
      %broadcast_in_dim3A_58 = vector.shape_cast %reduce_sum3A_57 : vector<4xf32> to vector<4x1xf32>
      %sub3A = vector.broadcast %broadcast_in_dim3A_46 : vector<4x1xf32> to vector<4x4096xf32>
      %sub3A_59 = arith.subf %get3A_3, %sub3A : vector<4x4096xf32>
      %sub3A_60 = vector.broadcast %broadcast_in_dim3A_52 : vector<4x1xf32> to vector<4x4096xf32>
      %sub3A_61 = arith.subf %get3A_8, %sub3A_60 : vector<4x4096xf32>
      %sub3A_62 = vector.broadcast %broadcast_in_dim3A_58 : vector<4x1xf32> to vector<4x4096xf32>
      %sub3A_63 = arith.subf %get3A_13, %sub3A_62 : vector<4x4096xf32>
      %mul3A = arith.mulf %sub3A_59, %sub3A_59 : vector<4x4096xf32>
      %mul3A_64 = arith.mulf %sub3A_61, %sub3A_61 : vector<4x4096xf32>
      %mul3A_65 = arith.mulf %sub3A_63, %sub3A_63 : vector<4x4096xf32>
      %add3A_66 = arith.addf %mul3A_64, %mul3A_65 : vector<4x4096xf32>
      %add3A_67 = arith.addf %mul3A, %add3A_66 : vector<4x4096xf32>
      %min3A = arith.minimumf %scan3A_28, %add3A_67 : vector<4x4096xf32>
      %reduce_max3A = arith.constant dense<0xFF800000> : vector<4xf32>
      %reduce_max3A_68 = vector.multi_reduction <maximumf>, %min3A, %reduce_max3A [1] : vector<4x4096xf32> to vector<4xf32>
      %broadcast_in_dim3A_69 = vector.shape_cast %reduce_max3A_68 : vector<4xf32> to vector<4x1xf32>
      %eq3A_70 = vector.broadcast %broadcast_in_dim3A_69 : vector<4x1xf32> to vector<4x4096xf32>
      %eq3A_71 = arith.cmpf oeq, %min3A, %eq3A_70 : vector<4x4096xf32>
      %jit3A_72 = arith.constant 4096 : i32
      %broadcast_in_dim3A_73 = vector.broadcast %jit3A_72 : i32 to vector<4x4096xi32>
      %select_n3A_74 = arith.select %eq3A_71, %iota3A, %broadcast_in_dim3A_73 : vector<4x4096xi1>, vector<4x4096xi32>
      %reduce_min3A = arith.constant dense<2147483647> : vector<4xi32>
      %reduce_min3A_75 = vector.multi_reduction <minsi>, %select_n3A_74, %reduce_min3A [1] : vector<4x4096xi32> to vector<4xi32>
      %broadcast_in_dim3A_76 = vector.shape_cast %reduce_min3A_75 : vector<4xi32> to vector<4x1xi32>
      scf.yield %min3A, %broadcast_in_dim3A_76 : vector<4x4096xf32>, vector<4x1xi32>
    }
    %scan3A_26 = arith.constant 1024 : i32
    return
  }
}

module attributes {stable_mosaic.version = 14 : i64} {
  func.func @_ballq_kernel(%arg0: i32, %arg1: i32, %arg2: memref<1x256x4096xf32, #tpu.memory_space<vmem>>, %arg3: memref<1x256x16xi32, #tpu.memory_space<vmem>>) attributes {dimension_semantics = [#tpu.dimension_semantics<arbitrary>, #tpu.dimension_semantics<arbitrary>], iteration_bounds = array<i64: 4, 4>, scalar_prefetch = 0 : i64, scratch_operands = 0 : i64, tpu.core_type = #tpu.core_type<tc>, window_params = [{transform_indices = @transform_0, window_bounds = array<i64: 1, 256, 4096>}, {transform_indices = @transform_1, window_bounds = array<i64: 1, 256, 16>}]} {
    %get3A = arith.constant 0 : index
    %get3A_0 = arith.constant 0 : index
    %get3A_1 = arith.constant 0 : index
    %get3A_2 = vector.load %arg2[%get3A, %get3A_0, %get3A_1] : memref<1x256x4096xf32, #tpu.memory_space<vmem>>, vector<1x256x4096xf32>
    %get3A_3 = vector.shape_cast %get3A_2 : vector<1x256x4096xf32> to vector<256x4096xf32>
    %iota3A = tpu.iota {dimensions = array<i32: 1>} : vector<256x4096xi32>
    %gt3A = arith.constant 6.250000e+00 : f32
    %gt3A_4 = vector.broadcast %gt3A : f32 to vector<256x4096xf32>
    %gt3A_5 = arith.cmpf ogt, %get3A_3, %gt3A_4 : vector<256x4096xf32>
    %jit3A = arith.constant 4096 : i32
    %broadcast_in_dim3A = vector.broadcast %jit3A : i32 to vector<256x4096xi32>
    %select_n3A = arith.select %gt3A_5, %broadcast_in_dim3A, %iota3A : vector<256x4096xi1>, vector<256x4096xi32>
    %broadcast_in_dim3A_6 = arith.constant -1 : i32
    %broadcast_in_dim3A_7 = vector.broadcast %broadcast_in_dim3A_6 : i32 to vector<256x1xi32>
    %gt3A_8 = vector.broadcast %broadcast_in_dim3A_7 : vector<256x1xi32> to vector<256x4096xi32>
    %gt3A_9 = arith.cmpi sgt, %select_n3A, %gt3A_8 : vector<256x4096xi32>
    %jit3A_10 = arith.constant 4096 : i32
    %broadcast_in_dim3A_11 = vector.broadcast %jit3A_10 : i32 to vector<256x4096xi32>
    %select_n3A_12 = arith.select %gt3A_9, %select_n3A, %broadcast_in_dim3A_11 : vector<256x4096xi1>, vector<256x4096xi32>
    %reduce_min3A = arith.constant dense<2147483647> : vector<256xi32>
    %reduce_min3A_13 = vector.multi_reduction <minsi>, %select_n3A_12, %reduce_min3A [1] : vector<256x4096xi32> to vector<256xi32>
    %broadcast_in_dim3A_14 = vector.shape_cast %reduce_min3A_13 : vector<256xi32> to vector<256x1xi32>
    %gt3A_15 = vector.broadcast %broadcast_in_dim3A_14 : vector<256x1xi32> to vector<256x4096xi32>
    %gt3A_16 = arith.cmpi sgt, %select_n3A, %gt3A_15 : vector<256x4096xi32>
    %jit3A_17 = arith.constant 4096 : i32
    %broadcast_in_dim3A_18 = vector.broadcast %jit3A_17 : i32 to vector<256x4096xi32>
    %select_n3A_19 = arith.select %gt3A_16, %select_n3A, %broadcast_in_dim3A_18 : vector<256x4096xi1>, vector<256x4096xi32>
    %reduce_min3A_20 = arith.constant dense<2147483647> : vector<256xi32>
    %reduce_min3A_21 = vector.multi_reduction <minsi>, %select_n3A_19, %reduce_min3A_20 [1] : vector<256x4096xi32> to vector<256xi32>
    %broadcast_in_dim3A_22 = vector.shape_cast %reduce_min3A_21 : vector<256xi32> to vector<256x1xi32>
    %gt3A_23 = vector.broadcast %broadcast_in_dim3A_22 : vector<256x1xi32> to vector<256x4096xi32>
    %gt3A_24 = arith.cmpi sgt, %select_n3A, %gt3A_23 : vector<256x4096xi32>
    %jit3A_25 = arith.constant 4096 : i32
    %broadcast_in_dim3A_26 = vector.broadcast %jit3A_25 : i32 to vector<256x4096xi32>
    %select_n3A_27 = arith.select %gt3A_24, %select_n3A, %broadcast_in_dim3A_26 : vector<256x4096xi1>, vector<256x4096xi32>
    %reduce_min3A_28 = arith.constant dense<2147483647> : vector<256xi32>
    %reduce_min3A_29 = vector.multi_reduction <minsi>, %select_n3A_27, %reduce_min3A_28 [1] : vector<256x4096xi32> to vector<256xi32>
    %broadcast_in_dim3A_30 = vector.shape_cast %reduce_min3A_29 : vector<256xi32> to vector<256x1xi32>
    %gt3A_31 = vector.broadcast %broadcast_in_dim3A_30 : vector<256x1xi32> to vector<256x4096xi32>
    %gt3A_32 = arith.cmpi sgt, %select_n3A, %gt3A_31 : vector<256x4096xi32>
    %jit3A_33 = arith.constant 4096 : i32
    %broadcast_in_dim3A_34 = vector.broadcast %jit3A_33 : i32 to vector<256x4096xi32>
    %select_n3A_35 = arith.select %gt3A_32, %select_n3A, %broadcast_in_dim3A_34 : vector<256x4096xi1>, vector<256x4096xi32>
    %reduce_min3A_36 = arith.constant dense<2147483647> : vector<256xi32>
    %reduce_min3A_37 = vector.multi_reduction <minsi>, %select_n3A_35, %reduce_min3A_36 [1] : vector<256x4096xi32> to vector<256xi32>
    %broadcast_in_dim3A_38 = vector.shape_cast %reduce_min3A_37 : vector<256xi32> to vector<256x1xi32>
    %gt3A_39 = vector.broadcast %broadcast_in_dim3A_38 : vector<256x1xi32> to vector<256x4096xi32>
    %gt3A_40 = arith.cmpi sgt, %select_n3A, %gt3A_39 : vector<256x4096xi32>
    %jit3A_41 = arith.constant 4096 : i32
    %broadcast_in_dim3A_42 = vector.broadcast %jit3A_41 : i32 to vector<256x4096xi32>
    %select_n3A_43 = arith.select %gt3A_40, %select_n3A, %broadcast_in_dim3A_42 : vector<256x4096xi1>, vector<256x4096xi32>
    %reduce_min3A_44 = arith.constant dense<2147483647> : vector<256xi32>
    %reduce_min3A_45 = vector.multi_reduction <minsi>, %select_n3A_43, %reduce_min3A_44 [1] : vector<256x4096xi32> to vector<256xi32>
    %broadcast_in_dim3A_46 = vector.shape_cast %reduce_min3A_45 : vector<256xi32> to vector<256x1xi32>
    %gt3A_47 = vector.broadcast %broadcast_in_dim3A_46 : vector<256x1xi32> to vector<256x4096xi32>
    %gt3A_48 = arith.cmpi sgt, %select_n3A, %gt3A_47 : vector<256x4096xi32>
    %jit3A_49 = arith.constant 4096 : i32
    %broadcast_in_dim3A_50 = vector.broadcast %jit3A_49 : i32 to vector<256x4096xi32>
    %select_n3A_51 = arith.select %gt3A_48, %select_n3A, %broadcast_in_dim3A_50 : vector<256x4096xi1>, vector<256x4096xi32>
    %reduce_min3A_52 = arith.constant dense<2147483647> : vector<256xi32>
    %reduce_min3A_53 = vector.multi_reduction <minsi>, %select_n3A_51, %reduce_min3A_52 [1] : vector<256x4096xi32> to vector<256xi32>
    %broadcast_in_dim3A_54 = vector.shape_cast %reduce_min3A_53 : vector<256xi32> to vector<256x1xi32>
    %gt3A_55 = vector.broadcast %broadcast_in_dim3A_54 : vector<256x1xi32> to vector<256x4096xi32>
    %gt3A_56 = arith.cmpi sgt, %select_n3A, %gt3A_55 : vector<256x4096xi32>
    %jit3A_57 = arith.constant 4096 : i32
    %broadcast_in_dim3A_58 = vector.broadcast %jit3A_57 : i32 to vector<256x4096xi32>
    %select_n3A_59 = arith.select %gt3A_56, %select_n3A, %broadcast_in_dim3A_58 : vector<256x4096xi1>, vector<256x4096xi32>
    %reduce_min3A_60 = arith.constant dense<2147483647> : vector<256xi32>
    %reduce_min3A_61 = vector.multi_reduction <minsi>, %select_n3A_59, %reduce_min3A_60 [1] : vector<256x4096xi32> to vector<256xi32>
    %broadcast_in_dim3A_62 = vector.shape_cast %reduce_min3A_61 : vector<256xi32> to vector<256x1xi32>
    %gt3A_63 = vector.broadcast %broadcast_in_dim3A_62 : vector<256x1xi32> to vector<256x4096xi32>
    %gt3A_64 = arith.cmpi sgt, %select_n3A, %gt3A_63 : vector<256x4096xi32>
    %jit3A_65 = arith.constant 4096 : i32
    %broadcast_in_dim3A_66 = vector.broadcast %jit3A_65 : i32 to vector<256x4096xi32>
    %select_n3A_67 = arith.select %gt3A_64, %select_n3A, %broadcast_in_dim3A_66 : vector<256x4096xi1>, vector<256x4096xi32>
    %reduce_min3A_68 = arith.constant dense<2147483647> : vector<256xi32>
    %reduce_min3A_69 = vector.multi_reduction <minsi>, %select_n3A_67, %reduce_min3A_68 [1] : vector<256x4096xi32> to vector<256xi32>
    %broadcast_in_dim3A_70 = vector.shape_cast %reduce_min3A_69 : vector<256xi32> to vector<256x1xi32>
    %gt3A_71 = vector.broadcast %broadcast_in_dim3A_70 : vector<256x1xi32> to vector<256x4096xi32>
    %gt3A_72 = arith.cmpi sgt, %select_n3A, %gt3A_71 : vector<256x4096xi32>
    %jit3A_73 = arith.constant 4096 : i32
    %broadcast_in_dim3A_74 = vector.broadcast %jit3A_73 : i32 to vector<256x4096xi32>
    %select_n3A_75 = arith.select %gt3A_72, %select_n3A, %broadcast_in_dim3A_74 : vector<256x4096xi1>, vector<256x4096xi32>
    %reduce_min3A_76 = arith.constant dense<2147483647> : vector<256xi32>
    %reduce_min3A_77 = vector.multi_reduction <minsi>, %select_n3A_75, %reduce_min3A_76 [1] : vector<256x4096xi32> to vector<256xi32>
    %broadcast_in_dim3A_78 = vector.shape_cast %reduce_min3A_77 : vector<256xi32> to vector<256x1xi32>
    %gt3A_79 = vector.broadcast %broadcast_in_dim3A_78 : vector<256x1xi32> to vector<256x4096xi32>
    %gt3A_80 = arith.cmpi sgt, %select_n3A, %gt3A_79 : vector<256x4096xi32>
    %jit3A_81 = arith.constant 4096 : i32
    %broadcast_in_dim3A_82 = vector.broadcast %jit3A_81 : i32 to vector<256x4096xi32>
    %select_n3A_83 = arith.select %gt3A_80, %select_n3A, %broadcast_in_dim3A_82 : vector<256x4096xi1>, vector<256x4096xi32>
    %reduce_min3A_84 = arith.constant dense<2147483647> : vector<256xi32>
    %reduce_min3A_85 = vector.multi_reduction <minsi>, %select_n3A_83, %reduce_min3A_84 [1] : vector<256x4096xi32> to vector<256xi32>
    %broadcast_in_dim3A_86 = vector.shape_cast %reduce_min3A_85 : vector<256xi32> to vector<256x1xi32>
    %gt3A_87 = vector.broadcast %broadcast_in_dim3A_86 : vector<256x1xi32> to vector<256x4096xi32>
    %gt3A_88 = arith.cmpi sgt, %select_n3A, %gt3A_87 : vector<256x4096xi32>
    %jit3A_89 = arith.constant 4096 : i32
    %broadcast_in_dim3A_90 = vector.broadcast %jit3A_89 : i32 to vector<256x4096xi32>
    %select_n3A_91 = arith.select %gt3A_88, %select_n3A, %broadcast_in_dim3A_90 : vector<256x4096xi1>, vector<256x4096xi32>
    %reduce_min3A_92 = arith.constant dense<2147483647> : vector<256xi32>
    %reduce_min3A_93 = vector.multi_reduction <minsi>, %select_n3A_91, %reduce_min3A_92 [1] : vector<256x4096xi32> to vector<256xi32>
    %broadcast_in_dim3A_94 = vector.shape_cast %reduce_min3A_93 : vector<256xi32> to vector<256x1xi32>
    %gt3A_95 = vector.broadcast %broadcast_in_dim3A_94 : vector<256x1xi32> to vector<256x4096xi32>
    %gt3A_96 = arith.cmpi sgt, %select_n3A, %gt3A_95 : vector<256x4096xi32>
    %jit3A_97 = arith.constant 4096 : i32
    %broadcast_in_dim3A_98 = vector.broadcast %jit3A_97 : i32 to vector<256x4096xi32>
    %select_n3A_99 = arith.select %gt3A_96, %select_n3A, %broadcast_in_dim3A_98 : vector<256x4096xi1>, vector<256x4096xi32>
    %reduce_min3A_100 = arith.constant dense<2147483647> : vector<256xi32>
    %reduce_min3A_101 = vector.multi_reduction <minsi>, %select_n3A_99, %reduce_min3A_100 [1] : vector<256x4096xi32> to vector<256xi32>
    %broadcast_in_dim3A_102 = vector.shape_cast %reduce_min3A_101 : vector<256xi32> to vector<256x1xi32>
    %gt3A_103 = vector.broadcast %broadcast_in_dim3A_102 : vector<256x1xi32> to vector<256x4096xi32>
    %gt3A_104 = arith.cmpi sgt, %select_n3A, %gt3A_103 : vector<256x4096xi32>
    %jit3A_105 = arith.constant 4096 : i32
    %broadcast_in_dim3A_106 = vector.broadcast %jit3A_105 : i32 to vector<256x4096xi32>
    %select_n3A_107 = arith.select %gt3A_104, %select_n3A, %broadcast_in_dim3A_106 : vector<256x4096xi1>, vector<256x4096xi32>
    %reduce_min3A_108 = arith.constant dense<2147483647> : vector<256xi32>
    %reduce_min3A_109 = vector.multi_reduction <minsi>, %select_n3A_107, %reduce_min3A_108 [1] : vector<256x4096xi32> to vector<256xi32>
    %broadcast_in_dim3A_110 = vector.shape_cast %reduce_min3A_109 : vector<256xi32> to vector<256x1xi32>
    %gt3A_111 = vector.broadcast %broadcast_in_dim3A_110 : vector<256x1xi32> to vector<256x4096xi32>
    %gt3A_112 = arith.cmpi sgt, %select_n3A, %gt3A_111 : vector<256x4096xi32>
    %jit3A_113 = arith.constant 4096 : i32
    %broadcast_in_dim3A_114 = vector.broadcast %jit3A_113 : i32 to vector<256x4096xi32>
    %select_n3A_115 = arith.select %gt3A_112, %select_n3A, %broadcast_in_dim3A_114 : vector<256x4096xi1>, vector<256x4096xi32>
    %reduce_min3A_116 = arith.constant dense<2147483647> : vector<256xi32>
    %reduce_min3A_117 = vector.multi_reduction <minsi>, %select_n3A_115, %reduce_min3A_116 [1] : vector<256x4096xi32> to vector<256xi32>
    %broadcast_in_dim3A_118 = vector.shape_cast %reduce_min3A_117 : vector<256xi32> to vector<256x1xi32>
    %gt3A_119 = vector.broadcast %broadcast_in_dim3A_118 : vector<256x1xi32> to vector<256x4096xi32>
    %gt3A_120 = arith.cmpi sgt, %select_n3A, %gt3A_119 : vector<256x4096xi32>
    %jit3A_121 = arith.constant 4096 : i32
    %broadcast_in_dim3A_122 = vector.broadcast %jit3A_121 : i32 to vector<256x4096xi32>
    %select_n3A_123 = arith.select %gt3A_120, %select_n3A, %broadcast_in_dim3A_122 : vector<256x4096xi1>, vector<256x4096xi32>
    %reduce_min3A_124 = arith.constant dense<2147483647> : vector<256xi32>
    %reduce_min3A_125 = vector.multi_reduction <minsi>, %select_n3A_123, %reduce_min3A_124 [1] : vector<256x4096xi32> to vector<256xi32>
    %broadcast_in_dim3A_126 = vector.shape_cast %reduce_min3A_125 : vector<256xi32> to vector<256x1xi32>
    %gt3A_127 = vector.broadcast %broadcast_in_dim3A_126 : vector<256x1xi32> to vector<256x4096xi32>
    %gt3A_128 = arith.cmpi sgt, %select_n3A, %gt3A_127 : vector<256x4096xi32>
    %jit3A_129 = arith.constant 4096 : i32
    %broadcast_in_dim3A_130 = vector.broadcast %jit3A_129 : i32 to vector<256x4096xi32>
    %select_n3A_131 = arith.select %gt3A_128, %select_n3A, %broadcast_in_dim3A_130 : vector<256x4096xi1>, vector<256x4096xi32>
    %reduce_min3A_132 = arith.constant dense<2147483647> : vector<256xi32>
    %reduce_min3A_133 = vector.multi_reduction <minsi>, %select_n3A_131, %reduce_min3A_132 [1] : vector<256x4096xi32> to vector<256xi32>
    %broadcast_in_dim3A_134 = vector.shape_cast %reduce_min3A_133 : vector<256xi32> to vector<256x1xi32>
    %concatenate3A = tpu.concatenate %broadcast_in_dim3A_14, %broadcast_in_dim3A_22, %broadcast_in_dim3A_30, %broadcast_in_dim3A_38, %broadcast_in_dim3A_46, %broadcast_in_dim3A_54, %broadcast_in_dim3A_62, %broadcast_in_dim3A_70, %broadcast_in_dim3A_78, %broadcast_in_dim3A_86, %broadcast_in_dim3A_94, %broadcast_in_dim3A_102, %broadcast_in_dim3A_110, %broadcast_in_dim3A_118, %broadcast_in_dim3A_126, %broadcast_in_dim3A_134 in 1 : vector<256x1xi32>, vector<256x1xi32>, vector<256x1xi32>, vector<256x1xi32>, vector<256x1xi32>, vector<256x1xi32>, vector<256x1xi32>, vector<256x1xi32>, vector<256x1xi32>, vector<256x1xi32>, vector<256x1xi32>, vector<256x1xi32>, vector<256x1xi32>, vector<256x1xi32>, vector<256x1xi32>, vector<256x1xi32> -> vector<256x16xi32>
    %broadcast_in_dim3A_135 = vector.shape_cast %broadcast_in_dim3A_14 : vector<256x1xi32> to vector<256x1xi32>
    %broadcast_in_dim3A_136 = vector.broadcast %broadcast_in_dim3A_135 : vector<256x1xi32> to vector<256x16xi32>
    %eq3A = arith.constant 4096 : i32
    %eq3A_137 = vector.broadcast %eq3A : i32 to vector<256x16xi32>
    %eq3A_138 = arith.cmpi eq, %concatenate3A, %eq3A_137 : vector<256x16xi32>
    %select_n3A_139 = arith.select %eq3A_138, %broadcast_in_dim3A_136, %concatenate3A : vector<256x16xi1>, vector<256x16xi32>
    %swap3A = arith.constant 0 : index
    %swap3A_140 = arith.constant 0 : index
    %swap3A_141 = arith.constant 0 : index
    %swap3A_142 = vector.load %arg3[%swap3A, %swap3A_140, %swap3A_141] : memref<1x256x16xi32, #tpu.memory_space<vmem>>, vector<1x256x16xi32>
    %swap3A_143 = vector.shape_cast %swap3A_142 : vector<1x256x16xi32> to vector<256x16xi32>
    %swap3A_144 = vector.shape_cast %select_n3A_139 : vector<256x16xi32> to vector<1x256x16xi32>
    tpu.vector_store %arg3[%swap3A, %swap3A_140, %swap3A_141], %swap3A_144 {strides = array<i32>} : memref<1x256x16xi32, #tpu.memory_space<vmem>>, vector<1x256x16xi32>,
    return
  }
  func.func @transform_0(%arg0: i32, %arg1: i32) -> (i32, i32, i32) {
    %c0_i32 = arith.constant 0 : i32
    %c0_i32_0 = arith.constant 0 : i32
    return %arg0, %arg1, %c0_i32 : i32, i32, i32
  }
  func.func @transform_1(%arg0: i32, %arg1: i32) -> (i32, i32, i32) {
    %c0_i32 = arith.constant 0 : i32
    %c0_i32_0 = arith.constant 0 : i32
    return %arg0, %arg1, %c0_i32 : i32, i32, i32
  }
}

module attributes {stable_mosaic.version = 14 : i64} {
  func.func @_ballq_kernel(%arg0: i32, %arg1: i32, %arg2: memref<1x256x4096xf32, #tpu.memory_space<vmem>>, %arg3: memref<1x256x32xi32, #tpu.memory_space<vmem>>) attributes {dimension_semantics = [#tpu.dimension_semantics<arbitrary>, #tpu.dimension_semantics<arbitrary>], iteration_bounds = array<i64: 4, 4>, scalar_prefetch = 0 : i64, scratch_operands = 0 : i64, tpu.core_type = #tpu.core_type<tc>, window_params = [{transform_indices = @transform_0, window_bounds = array<i64: 1, 256, 4096>}, {transform_indices = @transform_1, window_bounds = array<i64: 1, 256, 32>}]} {
    %get3A = arith.constant 0 : index
    %get3A_0 = arith.constant 0 : index
    %get3A_1 = arith.constant 0 : index
    %get3A_2 = vector.load %arg2[%get3A, %get3A_0, %get3A_1] : memref<1x256x4096xf32, #tpu.memory_space<vmem>>, vector<1x256x4096xf32>
    %get3A_3 = vector.shape_cast %get3A_2 : vector<1x256x4096xf32> to vector<256x4096xf32>
    %iota3A = tpu.iota {dimensions = array<i32: 1>} : vector<256x4096xi32>
    %gt3A = arith.constant 2.500000e+01 : f32
    %gt3A_4 = vector.broadcast %gt3A : f32 to vector<256x4096xf32>
    %gt3A_5 = arith.cmpf ogt, %get3A_3, %gt3A_4 : vector<256x4096xf32>
    %jit3A = arith.constant 4096 : i32
    %broadcast_in_dim3A = vector.broadcast %jit3A : i32 to vector<256x4096xi32>
    %select_n3A = arith.select %gt3A_5, %broadcast_in_dim3A, %iota3A : vector<256x4096xi1>, vector<256x4096xi32>
    %broadcast_in_dim3A_6 = arith.constant -1 : i32
    %broadcast_in_dim3A_7 = vector.broadcast %broadcast_in_dim3A_6 : i32 to vector<256x1xi32>
    %gt3A_8 = vector.broadcast %broadcast_in_dim3A_7 : vector<256x1xi32> to vector<256x4096xi32>
    %gt3A_9 = arith.cmpi sgt, %select_n3A, %gt3A_8 : vector<256x4096xi32>
    %jit3A_10 = arith.constant 4096 : i32
    %broadcast_in_dim3A_11 = vector.broadcast %jit3A_10 : i32 to vector<256x4096xi32>
    %select_n3A_12 = arith.select %gt3A_9, %select_n3A, %broadcast_in_dim3A_11 : vector<256x4096xi1>, vector<256x4096xi32>
    %reduce_min3A = arith.constant dense<2147483647> : vector<256xi32>
    %reduce_min3A_13 = vector.multi_reduction <minsi>, %select_n3A_12, %reduce_min3A [1] : vector<256x4096xi32> to vector<256xi32>
    %broadcast_in_dim3A_14 = vector.shape_cast %reduce_min3A_13 : vector<256xi32> to vector<256x1xi32>
    %gt3A_15 = vector.broadcast %broadcast_in_dim3A_14 : vector<256x1xi32> to vector<256x4096xi32>
    %gt3A_16 = arith.cmpi sgt, %select_n3A, %gt3A_15 : vector<256x4096xi32>
    %jit3A_17 = arith.constant 4096 : i32
    %broadcast_in_dim3A_18 = vector.broadcast %jit3A_17 : i32 to vector<256x4096xi32>
    %select_n3A_19 = arith.select %gt3A_16, %select_n3A, %broadcast_in_dim3A_18 : vector<256x4096xi1>, vector<256x4096xi32>
    %reduce_min3A_20 = arith.constant dense<2147483647> : vector<256xi32>
    %reduce_min3A_21 = vector.multi_reduction <minsi>, %select_n3A_19, %reduce_min3A_20 [1] : vector<256x4096xi32> to vector<256xi32>
    %broadcast_in_dim3A_22 = vector.shape_cast %reduce_min3A_21 : vector<256xi32> to vector<256x1xi32>
    %gt3A_23 = vector.broadcast %broadcast_in_dim3A_22 : vector<256x1xi32> to vector<256x4096xi32>
    %gt3A_24 = arith.cmpi sgt, %select_n3A, %gt3A_23 : vector<256x4096xi32>
    %jit3A_25 = arith.constant 4096 : i32
    %broadcast_in_dim3A_26 = vector.broadcast %jit3A_25 : i32 to vector<256x4096xi32>
    %select_n3A_27 = arith.select %gt3A_24, %select_n3A, %broadcast_in_dim3A_26 : vector<256x4096xi1>, vector<256x4096xi32>
    %reduce_min3A_28 = arith.constant dense<2147483647> : vector<256xi32>
    %reduce_min3A_29 = vector.multi_reduction <minsi>, %select_n3A_27, %reduce_min3A_28 [1] : vector<256x4096xi32> to vector<256xi32>
    %broadcast_in_dim3A_30 = vector.shape_cast %reduce_min3A_29 : vector<256xi32> to vector<256x1xi32>
    %gt3A_31 = vector.broadcast %broadcast_in_dim3A_30 : vector<256x1xi32> to vector<256x4096xi32>
    %gt3A_32 = arith.cmpi sgt, %select_n3A, %gt3A_31 : vector<256x4096xi32>
    %jit3A_33 = arith.constant 4096 : i32
    %broadcast_in_dim3A_34 = vector.broadcast %jit3A_33 : i32 to vector<256x4096xi32>
    %select_n3A_35 = arith.select %gt3A_32, %select_n3A, %broadcast_in_dim3A_34 : vector<256x4096xi1>, vector<256x4096xi32>
    %reduce_min3A_36 = arith.constant dense<2147483647> : vector<256xi32>
    %reduce_min3A_37 = vector.multi_reduction <minsi>, %select_n3A_35, %reduce_min3A_36 [1] : vector<256x4096xi32> to vector<256xi32>
    %broadcast_in_dim3A_38 = vector.shape_cast %reduce_min3A_37 : vector<256xi32> to vector<256x1xi32>
    %gt3A_39 = vector.broadcast %broadcast_in_dim3A_38 : vector<256x1xi32> to vector<256x4096xi32>
    %gt3A_40 = arith.cmpi sgt, %select_n3A, %gt3A_39 : vector<256x4096xi32>
    %jit3A_41 = arith.constant 4096 : i32
    %broadcast_in_dim3A_42 = vector.broadcast %jit3A_41 : i32 to vector<256x4096xi32>
    %select_n3A_43 = arith.select %gt3A_40, %select_n3A, %broadcast_in_dim3A_42 : vector<256x4096xi1>, vector<256x4096xi32>
    %reduce_min3A_44 = arith.constant dense<2147483647> : vector<256xi32>
    %reduce_min3A_45 = vector.multi_reduction <minsi>, %select_n3A_43, %reduce_min3A_44 [1] : vector<256x4096xi32> to vector<256xi32>
    %broadcast_in_dim3A_46 = vector.shape_cast %reduce_min3A_45 : vector<256xi32> to vector<256x1xi32>
    %gt3A_47 = vector.broadcast %broadcast_in_dim3A_46 : vector<256x1xi32> to vector<256x4096xi32>
    %gt3A_48 = arith.cmpi sgt, %select_n3A, %gt3A_47 : vector<256x4096xi32>
    %jit3A_49 = arith.constant 4096 : i32
    %broadcast_in_dim3A_50 = vector.broadcast %jit3A_49 : i32 to vector<256x4096xi32>
    %select_n3A_51 = arith.select %gt3A_48, %select_n3A, %broadcast_in_dim3A_50 : vector<256x4096xi1>, vector<256x4096xi32>
    %reduce_min3A_52 = arith.constant dense<2147483647> : vector<256xi32>
    %reduce_min3A_53 = vector.multi_reduction <minsi>, %select_n3A_51, %reduce_min3A_52 [1] : vector<256x4096xi32> to vector<256xi32>
    %broadcast_in_dim3A_54 = vector.shape_cast %reduce_min3A_53 : vector<256xi32> to vector<256x1xi32>
    %gt3A_55 = vector.broadcast %broadcast_in_dim3A_54 : vector<256x1xi32> to vector<256x4096xi32>
    %gt3A_56 = arith.cmpi sgt, %select_n3A, %gt3A_55 : vector<256x4096xi32>
    %jit3A_57 = arith.constant 4096 : i32
    %broadcast_in_dim3A_58 = vector.broadcast %jit3A_57 : i32 to vector<256x4096xi32>
    %select_n3A_59 = arith.select %gt3A_56, %select_n3A, %broadcast_in_dim3A_58 : vector<256x4096xi1>, vector<256x4096xi32>
    %reduce_min3A_60 = arith.constant dense<2147483647> : vector<256xi32>
    %reduce_min3A_61 = vector.multi_reduction <minsi>, %select_n3A_59, %reduce_min3A_60 [1] : vector<256x4096xi32> to vector<256xi32>
    %broadcast_in_dim3A_62 = vector.shape_cast %reduce_min3A_61 : vector<256xi32> to vector<256x1xi32>
    %gt3A_63 = vector.broadcast %broadcast_in_dim3A_62 : vector<256x1xi32> to vector<256x4096xi32>
    %gt3A_64 = arith.cmpi sgt, %select_n3A, %gt3A_63 : vector<256x4096xi32>
    %jit3A_65 = arith.constant 4096 : i32
    %broadcast_in_dim3A_66 = vector.broadcast %jit3A_65 : i32 to vector<256x4096xi32>
    %select_n3A_67 = arith.select %gt3A_64, %select_n3A, %broadcast_in_dim3A_66 : vector<256x4096xi1>, vector<256x4096xi32>
    %reduce_min3A_68 = arith.constant dense<2147483647> : vector<256xi32>
    %reduce_min3A_69 = vector.multi_reduction <minsi>, %select_n3A_67, %reduce_min3A_68 [1] : vector<256x4096xi32> to vector<256xi32>
    %broadcast_in_dim3A_70 = vector.shape_cast %reduce_min3A_69 : vector<256xi32> to vector<256x1xi32>
    %gt3A_71 = vector.broadcast %broadcast_in_dim3A_70 : vector<256x1xi32> to vector<256x4096xi32>
    %gt3A_72 = arith.cmpi sgt, %select_n3A, %gt3A_71 : vector<256x4096xi32>
    %jit3A_73 = arith.constant 4096 : i32
    %broadcast_in_dim3A_74 = vector.broadcast %jit3A_73 : i32 to vector<256x4096xi32>
    %select_n3A_75 = arith.select %gt3A_72, %select_n3A, %broadcast_in_dim3A_74 : vector<256x4096xi1>, vector<256x4096xi32>
    %reduce_min3A_76 = arith.constant dense<2147483647> : vector<256xi32>
    %reduce_min3A_77 = vector.multi_reduction <minsi>, %select_n3A_75, %reduce_min3A_76 [1] : vector<256x4096xi32> to vector<256xi32>
    %broadcast_in_dim3A_78 = vector.shape_cast %reduce_min3A_77 : vector<256xi32> to vector<256x1xi32>
    %gt3A_79 = vector.broadcast %broadcast_in_dim3A_78 : vector<256x1xi32> to vector<256x4096xi32>
    %gt3A_80 = arith.cmpi sgt, %select_n3A, %gt3A_79 : vector<256x4096xi32>
    %jit3A_81 = arith.constant 4096 : i32
    %broadcast_in_dim3A_82 = vector.broadcast %jit3A_81 : i32 to vector<256x4096xi32>
    %select_n3A_83 = arith.select %gt3A_80, %select_n3A, %broadcast_in_dim3A_82 : vector<256x4096xi1>, vector<256x4096xi32>
    %reduce_min3A_84 = arith.constant dense<2147483647> : vector<256xi32>
    %reduce_min3A_85 = vector.multi_reduction <minsi>, %select_n3A_83, %reduce_min3A_84 [1] : vector<256x4096xi32> to vector<256xi32>
    %broadcast_in_dim3A_86 = vector.shape_cast %reduce_min3A_85 : vector<256xi32> to vector<256x1xi32>
    %gt3A_87 = vector.broadcast %broadcast_in_dim3A_86 : vector<256x1xi32> to vector<256x4096xi32>
    %gt3A_88 = arith.cmpi sgt, %select_n3A, %gt3A_87 : vector<256x4096xi32>
    %jit3A_89 = arith.constant 4096 : i32
    %broadcast_in_dim3A_90 = vector.broadcast %jit3A_89 : i32 to vector<256x4096xi32>
    %select_n3A_91 = arith.select %gt3A_88, %select_n3A, %broadcast_in_dim3A_90 : vector<256x4096xi1>, vector<256x4096xi32>
    %reduce_min3A_92 = arith.constant dense<2147483647> : vector<256xi32>
    %reduce_min3A_93 = vector.multi_reduction <minsi>, %select_n3A_91, %reduce_min3A_92 [1] : vector<256x4096xi32> to vector<256xi32>
    %broadcast_in_dim3A_94 = vector.shape_cast %reduce_min3A_93 : vector<256xi32> to vector<256x1xi32>
    %gt3A_95 = vector.broadcast %broadcast_in_dim3A_94 : vector<256x1xi32> to vector<256x4096xi32>
    %gt3A_96 = arith.cmpi sgt, %select_n3A, %gt3A_95 : vector<256x4096xi32>
    %jit3A_97 = arith.constant 4096 : i32
    %broadcast_in_dim3A_98 = vector.broadcast %jit3A_97 : i32 to vector<256x4096xi32>
    %select_n3A_99 = arith.select %gt3A_96, %select_n3A, %broadcast_in_dim3A_98 : vector<256x4096xi1>, vector<256x4096xi32>
    %reduce_min3A_100 = arith.constant dense<2147483647> : vector<256xi32>
    %reduce_min3A_101 = vector.multi_reduction <minsi>, %select_n3A_99, %reduce_min3A_100 [1] : vector<256x4096xi32> to vector<256xi32>
    %broadcast_in_dim3A_102 = vector.shape_cast %reduce_min3A_101 : vector<256xi32> to vector<256x1xi32>
    %gt3A_103 = vector.broadcast %broadcast_in_dim3A_102 : vector<256x1xi32> to vector<256x4096xi32>
    %gt3A_104 = arith.cmpi sgt, %select_n3A, %gt3A_103 : vector<256x4096xi32>
    %jit3A_105 = arith.constant 4096 : i32
    %broadcast_in_dim3A_106 = vector.broadcast %jit3A_105 : i32 to vector<256x4096xi32>
    %select_n3A_107 = arith.select %gt3A_104, %select_n3A, %broadcast_in_dim3A_106 : vector<256x4096xi1>, vector<256x4096xi32>
    %reduce_min3A_108 = arith.constant dense<2147483647> : vector<256xi32>
    %reduce_min3A_109 = vector.multi_reduction <minsi>, %select_n3A_107, %reduce_min3A_108 [1] : vector<256x4096xi32> to vector<256xi32>
    %broadcast_in_dim3A_110 = vector.shape_cast %reduce_min3A_109 : vector<256xi32> to vector<256x1xi32>
    %gt3A_111 = vector.broadcast %broadcast_in_dim3A_110 : vector<256x1xi32> to vector<256x4096xi32>
    %gt3A_112 = arith.cmpi sgt, %select_n3A, %gt3A_111 : vector<256x4096xi32>
    %jit3A_113 = arith.constant 4096 : i32
    %broadcast_in_dim3A_114 = vector.broadcast %jit3A_113 : i32 to vector<256x4096xi32>
    %select_n3A_115 = arith.select %gt3A_112, %select_n3A, %broadcast_in_dim3A_114 : vector<256x4096xi1>, vector<256x4096xi32>
    %reduce_min3A_116 = arith.constant dense<2147483647> : vector<256xi32>
    %reduce_min3A_117 = vector.multi_reduction <minsi>, %select_n3A_115, %reduce_min3A_116 [1] : vector<256x4096xi32> to vector<256xi32>
    %broadcast_in_dim3A_118 = vector.shape_cast %reduce_min3A_117 : vector<256xi32> to vector<256x1xi32>
    %gt3A_119 = vector.broadcast %broadcast_in_dim3A_118 : vector<256x1xi32> to vector<256x4096xi32>
    %gt3A_120 = arith.cmpi sgt, %select_n3A, %gt3A_119 : vector<256x4096xi32>
    %jit3A_121 = arith.constant 4096 : i32
    %broadcast_in_dim3A_122 = vector.broadcast %jit3A_121 : i32 to vector<256x4096xi32>
    %select_n3A_123 = arith.select %gt3A_120, %select_n3A, %broadcast_in_dim3A_122 : vector<256x4096xi1>, vector<256x4096xi32>
    %reduce_min3A_124 = arith.constant dense<2147483647> : vector<256xi32>
    %reduce_min3A_125 = vector.multi_reduction <minsi>, %select_n3A_123, %reduce_min3A_124 [1] : vector<256x4096xi32> to vector<256xi32>
    %broadcast_in_dim3A_126 = vector.shape_cast %reduce_min3A_125 : vector<256xi32> to vector<256x1xi32>
    %gt3A_127 = vector.broadcast %broadcast_in_dim3A_126 : vector<256x1xi32> to vector<256x4096xi32>
    %gt3A_128 = arith.cmpi sgt, %select_n3A, %gt3A_127 : vector<256x4096xi32>
    %jit3A_129 = arith.constant 4096 : i32
    %broadcast_in_dim3A_130 = vector.broadcast %jit3A_129 : i32 to vector<256x4096xi32>
    %select_n3A_131 = arith.select %gt3A_128, %select_n3A, %broadcast_in_dim3A_130 : vector<256x4096xi1>, vector<256x4096xi32>
    %reduce_min3A_132 = arith.constant dense<2147483647> : vector<256xi32>
    %reduce_min3A_133 = vector.multi_reduction <minsi>, %select_n3A_131, %reduce_min3A_132 [1] : vector<256x4096xi32> to vector<256xi32>
    %broadcast_in_dim3A_134 = vector.shape_cast %reduce_min3A_133 : vector<256xi32> to vector<256x1xi32>
    %gt3A_135 = vector.broadcast %broadcast_in_dim3A_134 : vector<256x1xi32> to vector<256x4096xi32>
    %gt3A_136 = arith.cmpi sgt, %select_n3A, %gt3A_135 : vector<256x4096xi32>
    %jit3A_137 = arith.constant 4096 : i32
    %broadcast_in_dim3A_138 = vector.broadcast %jit3A_137 : i32 to vector<256x4096xi32>
    %select_n3A_139 = arith.select %gt3A_136, %select_n3A, %broadcast_in_dim3A_138 : vector<256x4096xi1>, vector<256x4096xi32>
    %reduce_min3A_140 = arith.constant dense<2147483647> : vector<256xi32>
    %reduce_min3A_141 = vector.multi_reduction <minsi>, %select_n3A_139, %reduce_min3A_140 [1] : vector<256x4096xi32> to vector<256xi32>
    %broadcast_in_dim3A_142 = vector.shape_cast %reduce_min3A_141 : vector<256xi32> to vector<256x1xi32>
    %gt3A_143 = vector.broadcast %broadcast_in_dim3A_142 : vector<256x1xi32> to vector<256x4096xi32>
    %gt3A_144 = arith.cmpi sgt, %select_n3A, %gt3A_143 : vector<256x4096xi32>
    %jit3A_145 = arith.constant 4096 : i32
    %broadcast_in_dim3A_146 = vector.broadcast %jit3A_145 : i32 to vector<256x4096xi32>
    %select_n3A_147 = arith.select %gt3A_144, %select_n3A, %broadcast_in_dim3A_146 : vector<256x4096xi1>, vector<256x4096xi32>
    %reduce_min3A_148 = arith.constant dense<2147483647> : vector<256xi32>
    %reduce_min3A_149 = vector.multi_reduction <minsi>, %select_n3A_147, %reduce_min3A_148 [1] : vector<256x4096xi32> to vector<256xi32>
    %broadcast_in_dim3A_150 = vector.shape_cast %reduce_min3A_149 : vector<256xi32> to vector<256x1xi32>
    %gt3A_151 = vector.broadcast %broadcast_in_dim3A_150 : vector<256x1xi32> to vector<256x4096xi32>
    %gt3A_152 = arith.cmpi sgt, %select_n3A, %gt3A_151 : vector<256x4096xi32>
    %jit3A_153 = arith.constant 4096 : i32
    %broadcast_in_dim3A_154 = vector.broadcast %jit3A_153 : i32 to vector<256x4096xi32>
    %select_n3A_155 = arith.select %gt3A_152, %select_n3A, %broadcast_in_dim3A_154 : vector<256x4096xi1>, vector<256x4096xi32>
    %reduce_min3A_156 = arith.constant dense<2147483647> : vector<256xi32>
    %reduce_min3A_157 = vector.multi_reduction <minsi>, %select_n3A_155, %reduce_min3A_156 [1] : vector<256x4096xi32> to vector<256xi32>
    %broadcast_in_dim3A_158 = vector.shape_cast %reduce_min3A_157 : vector<256xi32> to vector<256x1xi32>
    %gt3A_159 = vector.broadcast %broadcast_in_dim3A_158 : vector<256x1xi32> to vector<256x4096xi32>
    %gt3A_160 = arith.cmpi sgt, %select_n3A, %gt3A_159 : vector<256x4096xi32>
    %jit3A_161 = arith.constant 4096 : i32
    %broadcast_in_dim3A_162 = vector.broadcast %jit3A_161 : i32 to vector<256x4096xi32>
    %select_n3A_163 = arith.select %gt3A_160, %select_n3A, %broadcast_in_dim3A_162 : vector<256x4096xi1>, vector<256x4096xi32>
    %reduce_min3A_164 = arith.constant dense<2147483647> : vector<256xi32>
    %reduce_min3A_165 = vector.multi_reduction <minsi>, %select_n3A_163, %reduce_min3A_164 [1] : vector<256x4096xi32> to vector<256xi32>
    %broadcast_in_dim3A_166 = vector.shape_cast %reduce_min3A_165 : vector<256xi32> to vector<256x1xi32>
    %gt3A_167 = vector.broadcast %broadcast_in_dim3A_166 : vector<256x1xi32> to vector<256x4096xi32>
    %gt3A_168 = arith.cmpi sgt, %select_n3A, %gt3A_167 : vector<256x4096xi32>
    %jit3A_169 = arith.constant 4096 : i32
    %broadcast_in_dim3A_170 = vector.broadcast %jit3A_169 : i32 to vector<256x4096xi32>
    %select_n3A_171 = arith.select %gt3A_168, %select_n3A, %broadcast_in_dim3A_170 : vector<256x4096xi1>, vector<256x4096xi32>
    %reduce_min3A_172 = arith.constant dense<2147483647> : vector<256xi32>
    %reduce_min3A_173 = vector.multi_reduction <minsi>, %select_n3A_171, %reduce_min3A_172 [1] : vector<256x4096xi32> to vector<256xi32>
    %broadcast_in_dim3A_174 = vector.shape_cast %reduce_min3A_173 : vector<256xi32> to vector<256x1xi32>
    %gt3A_175 = vector.broadcast %broadcast_in_dim3A_174 : vector<256x1xi32> to vector<256x4096xi32>
    %gt3A_176 = arith.cmpi sgt, %select_n3A, %gt3A_175 : vector<256x4096xi32>
    %jit3A_177 = arith.constant 4096 : i32
    %broadcast_in_dim3A_178 = vector.broadcast %jit3A_177 : i32 to vector<256x4096xi32>
    %select_n3A_179 = arith.select %gt3A_176, %select_n3A, %broadcast_in_dim3A_178 : vector<256x4096xi1>, vector<256x4096xi32>
    %reduce_min3A_180 = arith.constant dense<2147483647> : vector<256xi32>
    %reduce_min3A_181 = vector.multi_reduction <minsi>, %select_n3A_179, %reduce_min3A_180 [1] : vector<256x4096xi32> to vector<256xi32>
    %broadcast_in_dim3A_182 = vector.shape_cast %reduce_min3A_181 : vector<256xi32> to vector<256x1xi32>
    %gt3A_183 = vector.broadcast %broadcast_in_dim3A_182 : vector<256x1xi32> to vector<256x4096xi32>
    %gt3A_184 = arith.cmpi sgt, %select_n3A, %gt3A_183 : vector<256x4096xi32>
    %jit3A_185 = arith.constant 4096 : i32
    %broadcast_in_dim3A_186 = vector.broadcast %jit3A_185 : i32 to vector<256x4096xi32>
    %select_n3A_187 = arith.select %gt3A_184, %select_n3A, %broadcast_in_dim3A_186 : vector<256x4096xi1>, vector<256x4096xi32>
    %reduce_min3A_188 = arith.constant dense<2147483647> : vector<256xi32>
    %reduce_min3A_189 = vector.multi_reduction <minsi>, %select_n3A_187, %reduce_min3A_188 [1] : vector<256x4096xi32> to vector<256xi32>
    %broadcast_in_dim3A_190 = vector.shape_cast %reduce_min3A_189 : vector<256xi32> to vector<256x1xi32>
    %gt3A_191 = vector.broadcast %broadcast_in_dim3A_190 : vector<256x1xi32> to vector<256x4096xi32>
    %gt3A_192 = arith.cmpi sgt, %select_n3A, %gt3A_191 : vector<256x4096xi32>
    %jit3A_193 = arith.constant 4096 : i32
    %broadcast_in_dim3A_194 = vector.broadcast %jit3A_193 : i32 to vector<256x4096xi32>
    %select_n3A_195 = arith.select %gt3A_192, %select_n3A, %broadcast_in_dim3A_194 : vector<256x4096xi1>, vector<256x4096xi32>
    %reduce_min3A_196 = arith.constant dense<2147483647> : vector<256xi32>
    %reduce_min3A_197 = vector.multi_reduction <minsi>, %select_n3A_195, %reduce_min3A_196 [1] : vector<256x4096xi32> to vector<256xi32>
    %broadcast_in_dim3A_198 = vector.shape_cast %reduce_min3A_197 : vector<256xi32> to vector<256x1xi32>
    %gt3A_199 = vector.broadcast %broadcast_in_dim3A_198 : vector<256x1xi32> to vector<256x4096xi32>
    %gt3A_200 = arith.cmpi sgt, %select_n3A, %gt3A_199 : vector<256x4096xi32>
    %jit3A_201 = arith.constant 4096 : i32
    %broadcast_in_dim3A_202 = vector.broadcast %jit3A_201 : i32 to vector<256x4096xi32>
    %select_n3A_203 = arith.select %gt3A_200, %select_n3A, %broadcast_in_dim3A_202 : vector<256x4096xi1>, vector<256x4096xi32>
    %reduce_min3A_204 = arith.constant dense<2147483647> : vector<256xi32>
    %reduce_min3A_205 = vector.multi_reduction <minsi>, %select_n3A_203, %reduce_min3A_204 [1] : vector<256x4096xi32> to vector<256xi32>
    %broadcast_in_dim3A_206 = vector.shape_cast %reduce_min3A_205 : vector<256xi32> to vector<256x1xi32>
    %gt3A_207 = vector.broadcast %broadcast_in_dim3A_206 : vector<256x1xi32> to vector<256x4096xi32>
    %gt3A_208 = arith.cmpi sgt, %select_n3A, %gt3A_207 : vector<256x4096xi32>
    %jit3A_209 = arith.constant 4096 : i32
    %broadcast_in_dim3A_210 = vector.broadcast %jit3A_209 : i32 to vector<256x4096xi32>
    %select_n3A_211 = arith.select %gt3A_208, %select_n3A, %broadcast_in_dim3A_210 : vector<256x4096xi1>, vector<256x4096xi32>
    %reduce_min3A_212 = arith.constant dense<2147483647> : vector<256xi32>
    %reduce_min3A_213 = vector.multi_reduction <minsi>, %select_n3A_211, %reduce_min3A_212 [1] : vector<256x4096xi32> to vector<256xi32>
    %broadcast_in_dim3A_214 = vector.shape_cast %reduce_min3A_213 : vector<256xi32> to vector<256x1xi32>
    %gt3A_215 = vector.broadcast %broadcast_in_dim3A_214 : vector<256x1xi32> to vector<256x4096xi32>
    %gt3A_216 = arith.cmpi sgt, %select_n3A, %gt3A_215 : vector<256x4096xi32>
    %jit3A_217 = arith.constant 4096 : i32
    %broadcast_in_dim3A_218 = vector.broadcast %jit3A_217 : i32 to vector<256x4096xi32>
    %select_n3A_219 = arith.select %gt3A_216, %select_n3A, %broadcast_in_dim3A_218 : vector<256x4096xi1>, vector<256x4096xi32>
    %reduce_min3A_220 = arith.constant dense<2147483647> : vector<256xi32>
    %reduce_min3A_221 = vector.multi_reduction <minsi>, %select_n3A_219, %reduce_min3A_220 [1] : vector<256x4096xi32> to vector<256xi32>
    %broadcast_in_dim3A_222 = vector.shape_cast %reduce_min3A_221 : vector<256xi32> to vector<256x1xi32>
    %gt3A_223 = vector.broadcast %broadcast_in_dim3A_222 : vector<256x1xi32> to vector<256x4096xi32>
    %gt3A_224 = arith.cmpi sgt, %select_n3A, %gt3A_223 : vector<256x4096xi32>
    %jit3A_225 = arith.constant 4096 : i32
    %broadcast_in_dim3A_226 = vector.broadcast %jit3A_225 : i32 to vector<256x4096xi32>
    %select_n3A_227 = arith.select %gt3A_224, %select_n3A, %broadcast_in_dim3A_226 : vector<256x4096xi1>, vector<256x4096xi32>
    %reduce_min3A_228 = arith.constant dense<2147483647> : vector<256xi32>
    %reduce_min3A_229 = vector.multi_reduction <minsi>, %select_n3A_227, %reduce_min3A_228 [1] : vector<256x4096xi32> to vector<256xi32>
    %broadcast_in_dim3A_230 = vector.shape_cast %reduce_min3A_229 : vector<256xi32> to vector<256x1xi32>
    %gt3A_231 = vector.broadcast %broadcast_in_dim3A_230 : vector<256x1xi32> to vector<256x4096xi32>
    %gt3A_232 = arith.cmpi sgt, %select_n3A, %gt3A_231 : vector<256x4096xi32>
    %jit3A_233 = arith.constant 4096 : i32
    %broadcast_in_dim3A_234 = vector.broadcast %jit3A_233 : i32 to vector<256x4096xi32>
    %select_n3A_235 = arith.select %gt3A_232, %select_n3A, %broadcast_in_dim3A_234 : vector<256x4096xi1>, vector<256x4096xi32>
    %reduce_min3A_236 = arith.constant dense<2147483647> : vector<256xi32>
    %reduce_min3A_237 = vector.multi_reduction <minsi>, %select_n3A_235, %reduce_min3A_236 [1] : vector<256x4096xi32> to vector<256xi32>
    %broadcast_in_dim3A_238 = vector.shape_cast %reduce_min3A_237 : vector<256xi32> to vector<256x1xi32>
    %gt3A_239 = vector.broadcast %broadcast_in_dim3A_238 : vector<256x1xi32> to vector<256x4096xi32>
    %gt3A_240 = arith.cmpi sgt, %select_n3A, %gt3A_239 : vector<256x4096xi32>
    %jit3A_241 = arith.constant 4096 : i32
    %broadcast_in_dim3A_242 = vector.broadcast %jit3A_241 : i32 to vector<256x4096xi32>
    %select_n3A_243 = arith.select %gt3A_240, %select_n3A, %broadcast_in_dim3A_242 : vector<256x4096xi1>, vector<256x4096xi32>
    %reduce_min3A_244 = arith.constant dense<2147483647> : vector<256xi32>
    %reduce_min3A_245 = vector.multi_reduction <minsi>, %select_n3A_243, %reduce_min3A_244 [1] : vector<256x4096xi32> to vector<256xi32>
    %broadcast_in_dim3A_246 = vector.shape_cast %reduce_min3A_245 : vector<256xi32> to vector<256x1xi32>
    %gt3A_247 = vector.broadcast %broadcast_in_dim3A_246 : vector<256x1xi32> to vector<256x4096xi32>
    %gt3A_248 = arith.cmpi sgt, %select_n3A, %gt3A_247 : vector<256x4096xi32>
    %jit3A_249 = arith.constant 4096 : i32
    %broadcast_in_dim3A_250 = vector.broadcast %jit3A_249 : i32 to vector<256x4096xi32>
    %select_n3A_251 = arith.select %gt3A_248, %select_n3A, %broadcast_in_dim3A_250 : vector<256x4096xi1>, vector<256x4096xi32>
    %reduce_min3A_252 = arith.constant dense<2147483647> : vector<256xi32>
    %reduce_min3A_253 = vector.multi_reduction <minsi>, %select_n3A_251, %reduce_min3A_252 [1] : vector<256x4096xi32> to vector<256xi32>
    %broadcast_in_dim3A_254 = vector.shape_cast %reduce_min3A_253 : vector<256xi32> to vector<256x1xi32>
    %gt3A_255 = vector.broadcast %broadcast_in_dim3A_254 : vector<256x1xi32> to vector<256x4096xi32>
    %gt3A_256 = arith.cmpi sgt, %select_n3A, %gt3A_255 : vector<256x4096xi32>
    %jit3A_257 = arith.constant 4096 : i32
    %broadcast_in_dim3A_258 = vector.broadcast %jit3A_257 : i32 to vector<256x4096xi32>
    %select_n3A_259 = arith.select %gt3A_256, %select_n3A, %broadcast_in_dim3A_258 : vector<256x4096xi1>, vector<256x4096xi32>
    %reduce_min3A_260 = arith.constant dense<2147483647> : vector<256xi32>
    %reduce_min3A_261 = vector.multi_reduction <minsi>, %select_n3A_259, %reduce_min3A_260 [1] : vector<256x4096xi32> to vector<256xi32>
    %broadcast_in_dim3A_262 = vector.shape_cast %reduce_min3A_261 : vector<256xi32> to vector<256x1xi32>
    %concatenate3A = tpu.concatenate %broadcast_in_dim3A_14, %broadcast_in_dim3A_22, %broadcast_in_dim3A_30, %broadcast_in_dim3A_38, %broadcast_in_dim3A_46, %broadcast_in_dim3A_54, %broadcast_in_dim3A_62, %broadcast_in_dim3A_70, %broadcast_in_dim3A_78, %broadcast_in_dim3A_86, %broadcast_in_dim3A_94, %broadcast_in_dim3A_102, %broadcast_in_dim3A_110, %broadcast_in_dim3A_118, %broadcast_in_dim3A_126, %broadcast_in_dim3A_134, %broadcast_in_dim3A_142, %broadcast_in_dim3A_150, %broadcast_in_dim3A_158, %broadcast_in_dim3A_166, %broadcast_in_dim3A_174, %broadcast_in_dim3A_182, %broadcast_in_dim3A_190, %broadcast_in_dim3A_198, %broadcast_in_dim3A_206, %broadcast_in_dim3A_214, %broadcast_in_dim3A_222, %broadcast_in_dim3A_230, %broadcast_in_dim3A_238, %broadcast_in_dim3A_246, %broadcast_in_dim3A_254, %broadcast_in_dim3A_262 in 1 : vector<256x1xi32>, vector<256x1xi32>, vector<256x1xi32>, vector<256x1xi32>, vector<256x1xi32>, vector<256x1xi32>, vector<256x1xi32>, vector<256x1xi32>, vector<256x1xi32>, vector<256x1xi32>, vector<256x1xi32>, vector<256x1xi32>, vector<256x1xi32>, vector<256x1xi32>, vector<256x1xi32>, vector<256x1xi32>, vector<256x1xi32>, vector<256x1xi32>, vector<256x1xi32>, vector<256x1xi32>, vector<256x1xi32>, vector<256x1xi32>, vector<256x1xi32>, vector<256x1xi32>, vector<256x1xi32>, vector<256x1xi32>, vector<256x1xi32>, vector<256x1xi32>, vector<256x1xi32>, vector<256x1xi32>, vector<256x1xi32>, vector<256x1xi32> -> vector<256x32xi32>
    %broadcast_in_dim3A_263 = vector.shape_cast %broadcast_in_dim3A_14 : vector<256x1xi32> to vector<256x1xi32>
    %broadcast_in_dim3A_264 = vector.broadcast %broadcast_in_dim3A_263 : vector<256x1xi32> to vector<256x32xi32>
    %eq3A = arith.constant 4096 : i32
    %eq3A_265 = vector.broadcast %eq3A : i32 to vector<256x32xi32>
    %eq3A_266 = arith.cmpi eq, %concatenate3A, %eq3A_265 : vector<256x32xi32>
    %select_n3A_267 = arith.select %eq3A_266, %broadcast_in_dim3A_264, %concatenate3A : vector<256x32xi1>, vector<256x32xi32>
    %swap3A = arith.constant 0 : index
    %swap3A_268 = arith.constant 0 : index
    %swap3A_269 = arith.constant 0 : index
    %swap3A_270 = vector.load %arg3[%swap3A, %swap3A_268, %swap3A_269] : memref<1x256x32xi32, #tpu.memory_space<vmem>>, vector<1x256x32xi32>
    %swap3A_271 = vector.shape_cast %swap3A_270 : vector<1x256x32xi32> to vector<256x32xi32>
    %swap3A_272 = vector.shape_cast %select_n3A_267 : vector<256x32xi32> to vector<1x256x32xi32>
    tpu.vector_store %arg3[%swap3A, %swap3A_268, %swap3A_269], %swap3A_272 {strides = array<i32>} : memref<1x256x32xi32, #tpu.memory_space<vmem>>, vector<1x256x32xi32>,
    return
  }
  func.func @transform_0(%arg0: i32, %arg1: i32) -> (i32, i32, i32) {
    %c0_i32 = arith.constant 0 : i32
    %c0_i32_0 = arith.constant 0 : i32
    return %arg0, %arg1, %c0_i32 : i32, i32, i32
  }
  func.func @transform_1(%arg0: i32, %arg1: i32) -> (i32, i32, i32) {
    %c0_i32 = arith.constant 0 : i32
    %c0_i32_0 = arith.constant 0 : i32
    return %arg0, %arg1, %c0_i32 : i32, i32, i32
  }
}

module attributes {stable_mosaic.version = 14 : i64} {
  func.func @_fps_kernel(%arg0: memref<4x3x1024xf32, #tpu.memory_space<vmem>>, %arg1: memref<4x512xi32, #tpu.memory_space<vmem>>) attributes {dimension_semantics = [], scalar_prefetch = 0 : i64, scratch_operands = 0 : i64, tpu.core_type = #tpu.core_type<tc>} {
    %get3A = arith.constant 0 : index
    %get3A_0 = arith.constant 0 : index
    %get3A_1 = arith.constant 0 : index
    %get3A_2 = vector.load %arg0[%get3A, %get3A_0, %get3A_1] : memref<4x3x1024xf32, #tpu.memory_space<vmem>>, vector<4x1x1024xf32>
    %get3A_3 = vector.shape_cast %get3A_2 : vector<4x1x1024xf32> to vector<4x1024xf32>
    %get3A_4 = arith.constant 0 : index
    %get3A_5 = arith.constant 1 : index
    %get3A_6 = arith.constant 0 : index
    %get3A_7 = vector.load %arg0[%get3A_4, %get3A_5, %get3A_6] : memref<4x3x1024xf32, #tpu.memory_space<vmem>>, vector<4x1x1024xf32>
    %get3A_8 = vector.shape_cast %get3A_7 : vector<4x1x1024xf32> to vector<4x1024xf32>
    %get3A_9 = arith.constant 0 : index
    %get3A_10 = arith.constant 2 : index
    %get3A_11 = arith.constant 0 : index
    %get3A_12 = vector.load %arg0[%get3A_9, %get3A_10, %get3A_11] : memref<4x3x1024xf32, #tpu.memory_space<vmem>>, vector<4x1x1024xf32>
    %get3A_13 = vector.shape_cast %get3A_12 : vector<4x1x1024xf32> to vector<4x1024xf32>
    %iota3A = tpu.iota {dimensions = array<i32: 1>} : vector<4x1024xi32>
    %iota3A_14 = tpu.iota {dimensions = array<i32: 1>} : vector<4x512xi32>
    %broadcast_in_dim3A = arith.constant 0 : i32
    %broadcast_in_dim3A_15 = vector.broadcast %broadcast_in_dim3A : i32 to vector<4x512xi32>
    %swap3A = arith.constant 0 : index
    %swap3A_16 = arith.constant 0 : index
    %swap3A_17 = vector.load %arg1[%swap3A, %swap3A_16] : memref<4x512xi32, #tpu.memory_space<vmem>>, vector<4x512xi32>
    tpu.vector_store %arg1[%swap3A, %swap3A_16], %broadcast_in_dim3A_15 {strides = array<i32>} : memref<4x512xi32, #tpu.memory_space<vmem>>, vector<4x512xi32>,
    %broadcast_in_dim3A_18 = arith.constant 1.000000e+10 : f32
    %broadcast_in_dim3A_19 = vector.broadcast %broadcast_in_dim3A_18 : f32 to vector<4x1024xf32>
    %broadcast_in_dim3A_20 = arith.constant 0 : i32
    %broadcast_in_dim3A_21 = vector.broadcast %broadcast_in_dim3A_20 : i32 to vector<4x1xi32>
    %scan3A = arith.constant 0 : i32
    %scan3A_22 = arith.constant 512 : i32
    %scan3A_23 = arith.addi %scan3A, %scan3A_22 : i32
    %scan3A_24 = arith.constant 1 : i32
    %scan3A_25:2 = scf.for %scan3A_27 = %scan3A to %scan3A_23 step %scan3A_24 iter_args(%scan3A_28 = %broadcast_in_dim3A_19, %scan3A_29 = %broadcast_in_dim3A_21) -> (vector<4x1024xf32>, vector<4x1xi32>)  : i32 {
      %broadcast_in_dim3A_30 = vector.shape_cast %scan3A_29 : vector<4x1xi32> to vector<4x1xi32>
      %broadcast_in_dim3A_31 = vector.broadcast %broadcast_in_dim3A_30 : vector<4x1xi32> to vector<4x512xi32>
      %get3A_32 = arith.constant 0 : index
      %get3A_33 = arith.constant 0 : index
      %get3A_34 = vector.load %arg1[%get3A_32, %get3A_33] : memref<4x512xi32, #tpu.memory_space<vmem>>, vector<4x512xi32>
      %eq3A = vector.broadcast %scan3A_27 : i32 to vector<4x512xi32>
      %eq3A_35 = arith.cmpi eq, %iota3A_14, %eq3A : vector<4x512xi32>
      %jit3A = arith.constant 0 : i32
      %broadcast_in_dim3A_36 = vector.broadcast %jit3A : i32 to vector<4x512xi32>
      %select_n3A = arith.select %eq3A_35, %broadcast_in_dim3A_31, %broadcast_in_dim3A_36 : vector<4x512xi1>, vector<4x512xi32>
      %add3A = arith.addi %get3A_34, %select_n3A : vector<4x512xi32>
      %swap3A_37 = arith.constant 0 : index
      %swap3A_38 = arith.constant 0 : index
      %swap3A_39 = vector.load %arg1[%swap3A_37, %swap3A_38] : memref<4x512xi32, #tpu.memory_space<vmem>>, vector<4x512xi32>
      tpu.vector_store %arg1[%swap3A_37, %swap3A_38], %add3A {strides = array<i32>} : memref<4x512xi32, #tpu.memory_space<vmem>>, vector<4x512xi32>,
      %eq3A_40 = vector.broadcast %scan3A_29 : vector<4x1xi32> to vector<4x1024xi32>
      %eq3A_41 = arith.cmpi eq, %iota3A, %eq3A_40 : vector<4x1024xi32>
      %jit3A_42 = arith.constant 0.000000e+00 : f32
      %broadcast_in_dim3A_43 = vector.broadcast %jit3A_42 : f32 to vector<4x1024xf32>
      %select_n3A_44 = arith.select %eq3A_41, %get3A_3, %broadcast_in_dim3A_43 : vector<4x1024xi1>, vector<4x1024xf32>
      %reduce_sum3A = arith.constant dense<0.000000e+00> : vector<4xf32>
      %reduce_sum3A_45 = vector.multi_reduction <add>, %select_n3A_44, %reduce_sum3A [1] : vector<4x1024xf32> to vector<4xf32>
      %broadcast_in_dim3A_46 = vector.shape_cast %reduce_sum3A_45 : vector<4xf32> to vector<4x1xf32>
      %jit3A_47 = arith.constant 0.000000e+00 : f32
      %broadcast_in_dim3A_48 = vector.broadcast %jit3A_47 : f32 to vector<4x1024xf32>
      %select_n3A_49 = arith.select %eq3A_41, %get3A_8, %broadcast_in_dim3A_48 : vector<4x1024xi1>, vector<4x1024xf32>
      %reduce_sum3A_50 = arith.constant dense<0.000000e+00> : vector<4xf32>
      %reduce_sum3A_51 = vector.multi_reduction <add>, %select_n3A_49, %reduce_sum3A_50 [1] : vector<4x1024xf32> to vector<4xf32>
      %broadcast_in_dim3A_52 = vector.shape_cast %reduce_sum3A_51 : vector<4xf32> to vector<4x1xf32>
      %jit3A_53 = arith.constant 0.000000e+00 : f32
      %broadcast_in_dim3A_54 = vector.broadcast %jit3A_53 : f32 to vector<4x1024xf32>
      %select_n3A_55 = arith.select %eq3A_41, %get3A_13, %broadcast_in_dim3A_54 : vector<4x1024xi1>, vector<4x1024xf32>
      %reduce_sum3A_56 = arith.constant dense<0.000000e+00> : vector<4xf32>
      %reduce_sum3A_57 = vector.multi_reduction <add>, %select_n3A_55, %reduce_sum3A_56 [1] : vector<4x1024xf32> to vector<4xf32>
      %broadcast_in_dim3A_58 = vector.shape_cast %reduce_sum3A_57 : vector<4xf32> to vector<4x1xf32>
      %sub3A = vector.broadcast %broadcast_in_dim3A_46 : vector<4x1xf32> to vector<4x1024xf32>
      %sub3A_59 = arith.subf %get3A_3, %sub3A : vector<4x1024xf32>
      %sub3A_60 = vector.broadcast %broadcast_in_dim3A_52 : vector<4x1xf32> to vector<4x1024xf32>
      %sub3A_61 = arith.subf %get3A_8, %sub3A_60 : vector<4x1024xf32>
      %sub3A_62 = vector.broadcast %broadcast_in_dim3A_58 : vector<4x1xf32> to vector<4x1024xf32>
      %sub3A_63 = arith.subf %get3A_13, %sub3A_62 : vector<4x1024xf32>
      %mul3A = arith.mulf %sub3A_59, %sub3A_59 : vector<4x1024xf32>
      %mul3A_64 = arith.mulf %sub3A_61, %sub3A_61 : vector<4x1024xf32>
      %mul3A_65 = arith.mulf %sub3A_63, %sub3A_63 : vector<4x1024xf32>
      %add3A_66 = arith.addf %mul3A_64, %mul3A_65 : vector<4x1024xf32>
      %add3A_67 = arith.addf %mul3A, %add3A_66 : vector<4x1024xf32>
      %min3A = arith.minimumf %scan3A_28, %add3A_67 : vector<4x1024xf32>
      %reduce_max3A = arith.constant dense<0xFF800000> : vector<4xf32>
      %reduce_max3A_68 = vector.multi_reduction <maximumf>, %min3A, %reduce_max3A [1] : vector<4x1024xf32> to vector<4xf32>
      %broadcast_in_dim3A_69 = vector.shape_cast %reduce_max3A_68 : vector<4xf32> to vector<4x1xf32>
      %eq3A_70 = vector.broadcast %broadcast_in_dim3A_69 : vector<4x1xf32> to vector<4x1024xf32>
      %eq3A_71 = arith.cmpf oeq, %min3A, %eq3A_70 : vector<4x1024xf32>
      %jit3A_72 = arith.constant 1024 : i32
      %broadcast_in_dim3A_73 = vector.broadcast %jit3A_72 : i32 to vector<4x1024xi32>
      %select_n3A_74 = arith.select %eq3A_71, %iota3A, %broadcast_in_dim3A_73 : vector<4x1024xi1>, vector<4x1024xi32>
      %reduce_min3A = arith.constant dense<2147483647> : vector<4xi32>
      %reduce_min3A_75 = vector.multi_reduction <minsi>, %select_n3A_74, %reduce_min3A [1] : vector<4x1024xi32> to vector<4xi32>
      %broadcast_in_dim3A_76 = vector.shape_cast %reduce_min3A_75 : vector<4xi32> to vector<4x1xi32>
      scf.yield %min3A, %broadcast_in_dim3A_76 : vector<4x1024xf32>, vector<4x1xi32>
    }
    %scan3A_26 = arith.constant 512 : i32
    return
  }
}

module attributes {stable_mosaic.version = 14 : i64} {
  func.func @_knn3_kernel(%arg0: i32, %arg1: i32, %arg2: memref<1x512x1024xf32, #tpu.memory_space<vmem>>, %arg3: memref<1x512x3xi32, #tpu.memory_space<vmem>>, %arg4: memref<1x512x3xf32, #tpu.memory_space<vmem>>) attributes {dimension_semantics = [#tpu.dimension_semantics<arbitrary>, #tpu.dimension_semantics<arbitrary>], iteration_bounds = array<i64: 4, 8>, scalar_prefetch = 0 : i64, scratch_operands = 0 : i64, tpu.core_type = #tpu.core_type<tc>, window_params = [{transform_indices = @transform_0, window_bounds = array<i64: 1, 512, 1024>}, {transform_indices = @transform_1, window_bounds = array<i64: 1, 512, 3>}, {transform_indices = @transform_2, window_bounds = array<i64: 1, 512, 3>}]} {
    %get3A = arith.constant 0 : index
    %get3A_0 = arith.constant 0 : index
    %get3A_1 = arith.constant 0 : index
    %get3A_2 = vector.load %arg2[%get3A, %get3A_0, %get3A_1] : memref<1x512x1024xf32, #tpu.memory_space<vmem>>, vector<1x512x1024xf32>
    %get3A_3 = vector.shape_cast %get3A_2 : vector<1x512x1024xf32> to vector<512x1024xf32>
    %iota3A = tpu.iota {dimensions = array<i32: 1>} : vector<512x1024xi32>
    %eq3A = arith.cmpi eq, %iota3A, %iota3A : vector<512x1024xi32>
    %jit3A = arith.constant 0x7F800000 : f32
    %broadcast_in_dim3A = vector.broadcast %jit3A : f32 to vector<512x1024xf32>
    %select_n3A = arith.select %eq3A, %get3A_3, %broadcast_in_dim3A : vector<512x1024xi1>, vector<512x1024xf32>
    %reduce_min3A = arith.constant dense<0x7F800000> : vector<512xf32>
    %reduce_min3A_4 = vector.multi_reduction <minimumf>, %select_n3A, %reduce_min3A [1] : vector<512x1024xf32> to vector<512xf32>
    %broadcast_in_dim3A_5 = vector.shape_cast %reduce_min3A_4 : vector<512xf32> to vector<512x1xf32>
    %eq3A_6 = vector.broadcast %broadcast_in_dim3A_5 : vector<512x1xf32> to vector<512x1024xf32>
    %eq3A_7 = arith.cmpf oeq, %select_n3A, %eq3A_6 : vector<512x1024xf32>
    %jit3A_8 = arith.constant 1024 : i32
    %broadcast_in_dim3A_9 = vector.broadcast %jit3A_8 : i32 to vector<512x1024xi32>
    %select_n3A_10 = arith.select %eq3A_7, %iota3A, %broadcast_in_dim3A_9 : vector<512x1024xi1>, vector<512x1024xi32>
    %reduce_min3A_11 = arith.constant dense<2147483647> : vector<512xi32>
    %reduce_min3A_12 = vector.multi_reduction <minsi>, %select_n3A_10, %reduce_min3A_11 [1] : vector<512x1024xi32> to vector<512xi32>
    %broadcast_in_dim3A_13 = vector.shape_cast %reduce_min3A_12 : vector<512xi32> to vector<512x1xi32>
    %ne3A = vector.broadcast %broadcast_in_dim3A_13 : vector<512x1xi32> to vector<512x1024xi32>
    %ne3A_14 = arith.cmpi ne, %iota3A, %ne3A : vector<512x1024xi32>
    %and3A = arith.andi %eq3A, %ne3A_14 : vector<512x1024xi1>
    %jit3A_15 = arith.constant 0x7F800000 : f32
    %broadcast_in_dim3A_16 = vector.broadcast %jit3A_15 : f32 to vector<512x1024xf32>
    %select_n3A_17 = arith.select %and3A, %get3A_3, %broadcast_in_dim3A_16 : vector<512x1024xi1>, vector<512x1024xf32>
    %reduce_min3A_18 = arith.constant dense<0x7F800000> : vector<512xf32>
    %reduce_min3A_19 = vector.multi_reduction <minimumf>, %select_n3A_17, %reduce_min3A_18 [1] : vector<512x1024xf32> to vector<512xf32>
    %broadcast_in_dim3A_20 = vector.shape_cast %reduce_min3A_19 : vector<512xf32> to vector<512x1xf32>
    %eq3A_21 = vector.broadcast %broadcast_in_dim3A_20 : vector<512x1xf32> to vector<512x1024xf32>
    %eq3A_22 = arith.cmpf oeq, %select_n3A_17, %eq3A_21 : vector<512x1024xf32>
    %jit3A_23 = arith.constant 1024 : i32
    %broadcast_in_dim3A_24 = vector.broadcast %jit3A_23 : i32 to vector<512x1024xi32>
    %select_n3A_25 = arith.select %eq3A_22, %iota3A, %broadcast_in_dim3A_24 : vector<512x1024xi1>, vector<512x1024xi32>
    %reduce_min3A_26 = arith.constant dense<2147483647> : vector<512xi32>
    %reduce_min3A_27 = vector.multi_reduction <minsi>, %select_n3A_25, %reduce_min3A_26 [1] : vector<512x1024xi32> to vector<512xi32>
    %broadcast_in_dim3A_28 = vector.shape_cast %reduce_min3A_27 : vector<512xi32> to vector<512x1xi32>
    %ne3A_29 = vector.broadcast %broadcast_in_dim3A_28 : vector<512x1xi32> to vector<512x1024xi32>
    %ne3A_30 = arith.cmpi ne, %iota3A, %ne3A_29 : vector<512x1024xi32>
    %and3A_31 = arith.andi %and3A, %ne3A_30 : vector<512x1024xi1>
    %jit3A_32 = arith.constant 0x7F800000 : f32
    %broadcast_in_dim3A_33 = vector.broadcast %jit3A_32 : f32 to vector<512x1024xf32>
    %select_n3A_34 = arith.select %and3A_31, %get3A_3, %broadcast_in_dim3A_33 : vector<512x1024xi1>, vector<512x1024xf32>
    %reduce_min3A_35 = arith.constant dense<0x7F800000> : vector<512xf32>
    %reduce_min3A_36 = vector.multi_reduction <minimumf>, %select_n3A_34, %reduce_min3A_35 [1] : vector<512x1024xf32> to vector<512xf32>
    %broadcast_in_dim3A_37 = vector.shape_cast %reduce_min3A_36 : vector<512xf32> to vector<512x1xf32>
    %eq3A_38 = vector.broadcast %broadcast_in_dim3A_37 : vector<512x1xf32> to vector<512x1024xf32>
    %eq3A_39 = arith.cmpf oeq, %select_n3A_34, %eq3A_38 : vector<512x1024xf32>
    %jit3A_40 = arith.constant 1024 : i32
    %broadcast_in_dim3A_41 = vector.broadcast %jit3A_40 : i32 to vector<512x1024xi32>
    %select_n3A_42 = arith.select %eq3A_39, %iota3A, %broadcast_in_dim3A_41 : vector<512x1024xi1>, vector<512x1024xi32>
    %reduce_min3A_43 = arith.constant dense<2147483647> : vector<512xi32>
    %reduce_min3A_44 = vector.multi_reduction <minsi>, %select_n3A_42, %reduce_min3A_43 [1] : vector<512x1024xi32> to vector<512xi32>
    %broadcast_in_dim3A_45 = vector.shape_cast %reduce_min3A_44 : vector<512xi32> to vector<512x1xi32>
    %concatenate3A = tpu.concatenate %broadcast_in_dim3A_13, %broadcast_in_dim3A_28, %broadcast_in_dim3A_45 in 1 : vector<512x1xi32>, vector<512x1xi32>, vector<512x1xi32> -> vector<512x3xi32>
    %swap3A = arith.constant 0 : index
    %swap3A_46 = arith.constant 0 : index
    %swap3A_47 = arith.constant 0 : index
    %swap3A_48 = vector.load %arg3[%swap3A, %swap3A_46, %swap3A_47] : memref<1x512x3xi32, #tpu.memory_space<vmem>>, vector<1x512x3xi32>
    %swap3A_49 = vector.shape_cast %swap3A_48 : vector<1x512x3xi32> to vector<512x3xi32>
    %swap3A_50 = vector.shape_cast %concatenate3A : vector<512x3xi32> to vector<1x512x3xi32>
    tpu.vector_store %arg3[%swap3A, %swap3A_46, %swap3A_47], %swap3A_50 {strides = array<i32>} : memref<1x512x3xi32, #tpu.memory_space<vmem>>, vector<1x512x3xi32>,
    %concatenate3A_51 = tpu.concatenate %broadcast_in_dim3A_5, %broadcast_in_dim3A_20, %broadcast_in_dim3A_37 in 1 : vector<512x1xf32>, vector<512x1xf32>, vector<512x1xf32> -> vector<512x3xf32>
    %swap3A_52 = arith.constant 0 : index
    %swap3A_53 = arith.constant 0 : index
    %swap3A_54 = arith.constant 0 : index
    %swap3A_55 = vector.load %arg4[%swap3A_52, %swap3A_53, %swap3A_54] : memref<1x512x3xf32, #tpu.memory_space<vmem>>, vector<1x512x3xf32>
    %swap3A_56 = vector.shape_cast %swap3A_55 : vector<1x512x3xf32> to vector<512x3xf32>
    %swap3A_57 = vector.shape_cast %concatenate3A_51 : vector<512x3xf32> to vector<1x512x3xf32>
    tpu.vector_store %arg4[%swap3A_52, %swap3A_53, %swap3A_54], %swap3A_57 {strides = array<i32>} : memref<1x512x3xf32, #tpu.memory_space<vmem>>, vector<1x512x3xf32>,
    return
  }
  func.func @transform_0(%arg0: i32, %arg1: i32) -> (i32, i32, i32) {
    %c0_i32 = arith.constant 0 : i32
    %c0_i32_0 = arith.constant 0 : i32
    return %arg0, %arg1, %c0_i32 : i32, i32, i32
  }
  func.func @transform_1(%arg0: i32, %arg1: i32) -> (i32, i32, i32) {
    %c0_i32 = arith.constant 0 : i32
    %c0_i32_0 = arith.constant 0 : i32
    return %arg0, %arg1, %c0_i32 : i32, i32, i32
  }
  func.func @transform_2(%arg0: i32, %arg1: i32) -> (i32, i32, i32) {
    %c0_i32 = arith.constant 0 : i32
    %c0_i32_0 = arith.constant 0 : i32
    return %arg0, %arg1, %c0_i32 : i32, i32, i32
  }
}

module attributes {stable_mosaic.version = 14 : i64} {
  func.func @_ballq_kernel(%arg0: i32, %arg1: i32, %arg2: memref<1x256x1024xf32, #tpu.memory_space<vmem>>, %arg3: memref<1x256x16xi32, #tpu.memory_space<vmem>>) attributes {dimension_semantics = [#tpu.dimension_semantics<arbitrary>, #tpu.dimension_semantics<arbitrary>], iteration_bounds = array<i64: 4, 2>, scalar_prefetch = 0 : i64, scratch_operands = 0 : i64, tpu.core_type = #tpu.core_type<tc>, window_params = [{transform_indices = @transform_0, window_bounds = array<i64: 1, 256, 1024>}, {transform_indices = @transform_1, window_bounds = array<i64: 1, 256, 16>}]} {
    %get3A = arith.constant 0 : index
    %get3A_0 = arith.constant 0 : index
    %get3A_1 = arith.constant 0 : index
    %get3A_2 = vector.load %arg2[%get3A, %get3A_0, %get3A_1] : memref<1x256x1024xf32, #tpu.memory_space<vmem>>, vector<1x256x1024xf32>
    %get3A_3 = vector.shape_cast %get3A_2 : vector<1x256x1024xf32> to vector<256x1024xf32>
    %iota3A = tpu.iota {dimensions = array<i32: 1>} : vector<256x1024xi32>
    %gt3A = arith.constant 2.500000e+01 : f32
    %gt3A_4 = vector.broadcast %gt3A : f32 to vector<256x1024xf32>
    %gt3A_5 = arith.cmpf ogt, %get3A_3, %gt3A_4 : vector<256x1024xf32>
    %jit3A = arith.constant 1024 : i32
    %broadcast_in_dim3A = vector.broadcast %jit3A : i32 to vector<256x1024xi32>
    %select_n3A = arith.select %gt3A_5, %broadcast_in_dim3A, %iota3A : vector<256x1024xi1>, vector<256x1024xi32>
    %broadcast_in_dim3A_6 = arith.constant -1 : i32
    %broadcast_in_dim3A_7 = vector.broadcast %broadcast_in_dim3A_6 : i32 to vector<256x1xi32>
    %gt3A_8 = vector.broadcast %broadcast_in_dim3A_7 : vector<256x1xi32> to vector<256x1024xi32>
    %gt3A_9 = arith.cmpi sgt, %select_n3A, %gt3A_8 : vector<256x1024xi32>
    %jit3A_10 = arith.constant 1024 : i32
    %broadcast_in_dim3A_11 = vector.broadcast %jit3A_10 : i32 to vector<256x1024xi32>
    %select_n3A_12 = arith.select %gt3A_9, %select_n3A, %broadcast_in_dim3A_11 : vector<256x1024xi1>, vector<256x1024xi32>
    %reduce_min3A = arith.constant dense<2147483647> : vector<256xi32>
    %reduce_min3A_13 = vector.multi_reduction <minsi>, %select_n3A_12, %reduce_min3A [1] : vector<256x1024xi32> to vector<256xi32>
    %broadcast_in_dim3A_14 = vector.shape_cast %reduce_min3A_13 : vector<256xi32> to vector<256x1xi32>
    %gt3A_15 = vector.broadcast %broadcast_in_dim3A_14 : vector<256x1xi32> to vector<256x1024xi32>
    %gt3A_16 = arith.cmpi sgt, %select_n3A, %gt3A_15 : vector<256x1024xi32>
    %jit3A_17 = arith.constant 1024 : i32
    %broadcast_in_dim3A_18 = vector.broadcast %jit3A_17 : i32 to vector<256x1024xi32>
    %select_n3A_19 = arith.select %gt3A_16, %select_n3A, %broadcast_in_dim3A_18 : vector<256x1024xi1>, vector<256x1024xi32>
    %reduce_min3A_20 = arith.constant dense<2147483647> : vector<256xi32>
    %reduce_min3A_21 = vector.multi_reduction <minsi>, %select_n3A_19, %reduce_min3A_20 [1] : vector<256x1024xi32> to vector<256xi32>
    %broadcast_in_dim3A_22 = vector.shape_cast %reduce_min3A_21 : vector<256xi32> to vector<256x1xi32>
    %gt3A_23 = vector.broadcast %broadcast_in_dim3A_22 : vector<256x1xi32> to vector<256x1024xi32>
    %gt3A_24 = arith.cmpi sgt, %select_n3A, %gt3A_23 : vector<256x1024xi32>
    %jit3A_25 = arith.constant 1024 : i32
    %broadcast_in_dim3A_26 = vector.broadcast %jit3A_25 : i32 to vector<256x1024xi32>
    %select_n3A_27 = arith.select %gt3A_24, %select_n3A, %broadcast_in_dim3A_26 : vector<256x1024xi1>, vector<256x1024xi32>
    %reduce_min3A_28 = arith.constant dense<2147483647> : vector<256xi32>
    %reduce_min3A_29 = vector.multi_reduction <minsi>, %select_n3A_27, %reduce_min3A_28 [1] : vector<256x1024xi32> to vector<256xi32>
    %broadcast_in_dim3A_30 = vector.shape_cast %reduce_min3A_29 : vector<256xi32> to vector<256x1xi32>
    %gt3A_31 = vector.broadcast %broadcast_in_dim3A_30 : vector<256x1xi32> to vector<256x1024xi32>
    %gt3A_32 = arith.cmpi sgt, %select_n3A, %gt3A_31 : vector<256x1024xi32>
    %jit3A_33 = arith.constant 1024 : i32
    %broadcast_in_dim3A_34 = vector.broadcast %jit3A_33 : i32 to vector<256x1024xi32>
    %select_n3A_35 = arith.select %gt3A_32, %select_n3A, %broadcast_in_dim3A_34 : vector<256x1024xi1>, vector<256x1024xi32>
    %reduce_min3A_36 = arith.constant dense<2147483647> : vector<256xi32>
    %reduce_min3A_37 = vector.multi_reduction <minsi>, %select_n3A_35, %reduce_min3A_36 [1] : vector<256x1024xi32> to vector<256xi32>
    %broadcast_in_dim3A_38 = vector.shape_cast %reduce_min3A_37 : vector<256xi32> to vector<256x1xi32>
    %gt3A_39 = vector.broadcast %broadcast_in_dim3A_38 : vector<256x1xi32> to vector<256x1024xi32>
    %gt3A_40 = arith.cmpi sgt, %select_n3A, %gt3A_39 : vector<256x1024xi32>
    %jit3A_41 = arith.constant 1024 : i32
    %broadcast_in_dim3A_42 = vector.broadcast %jit3A_41 : i32 to vector<256x1024xi32>
    %select_n3A_43 = arith.select %gt3A_40, %select_n3A, %broadcast_in_dim3A_42 : vector<256x1024xi1>, vector<256x1024xi32>
    %reduce_min3A_44 = arith.constant dense<2147483647> : vector<256xi32>
    %reduce_min3A_45 = vector.multi_reduction <minsi>, %select_n3A_43, %reduce_min3A_44 [1] : vector<256x1024xi32> to vector<256xi32>
    %broadcast_in_dim3A_46 = vector.shape_cast %reduce_min3A_45 : vector<256xi32> to vector<256x1xi32>
    %gt3A_47 = vector.broadcast %broadcast_in_dim3A_46 : vector<256x1xi32> to vector<256x1024xi32>
    %gt3A_48 = arith.cmpi sgt, %select_n3A, %gt3A_47 : vector<256x1024xi32>
    %jit3A_49 = arith.constant 1024 : i32
    %broadcast_in_dim3A_50 = vector.broadcast %jit3A_49 : i32 to vector<256x1024xi32>
    %select_n3A_51 = arith.select %gt3A_48, %select_n3A, %broadcast_in_dim3A_50 : vector<256x1024xi1>, vector<256x1024xi32>
    %reduce_min3A_52 = arith.constant dense<2147483647> : vector<256xi32>
    %reduce_min3A_53 = vector.multi_reduction <minsi>, %select_n3A_51, %reduce_min3A_52 [1] : vector<256x1024xi32> to vector<256xi32>
    %broadcast_in_dim3A_54 = vector.shape_cast %reduce_min3A_53 : vector<256xi32> to vector<256x1xi32>
    %gt3A_55 = vector.broadcast %broadcast_in_dim3A_54 : vector<256x1xi32> to vector<256x1024xi32>
    %gt3A_56 = arith.cmpi sgt, %select_n3A, %gt3A_55 : vector<256x1024xi32>
    %jit3A_57 = arith.constant 1024 : i32
    %broadcast_in_dim3A_58 = vector.broadcast %jit3A_57 : i32 to vector<256x1024xi32>
    %select_n3A_59 = arith.select %gt3A_56, %select_n3A, %broadcast_in_dim3A_58 : vector<256x1024xi1>, vector<256x1024xi32>
    %reduce_min3A_60 = arith.constant dense<2147483647> : vector<256xi32>
    %reduce_min3A_61 = vector.multi_reduction <minsi>, %select_n3A_59, %reduce_min3A_60 [1] : vector<256x1024xi32> to vector<256xi32>
    %broadcast_in_dim3A_62 = vector.shape_cast %reduce_min3A_61 : vector<256xi32> to vector<256x1xi32>
    %gt3A_63 = vector.broadcast %broadcast_in_dim3A_62 : vector<256x1xi32> to vector<256x1024xi32>
    %gt3A_64 = arith.cmpi sgt, %select_n3A, %gt3A_63 : vector<256x1024xi32>
    %jit3A_65 = arith.constant 1024 : i32
    %broadcast_in_dim3A_66 = vector.broadcast %jit3A_65 : i32 to vector<256x1024xi32>
    %select_n3A_67 = arith.select %gt3A_64, %select_n3A, %broadcast_in_dim3A_66 : vector<256x1024xi1>, vector<256x1024xi32>
    %reduce_min3A_68 = arith.constant dense<2147483647> : vector<256xi32>
    %reduce_min3A_69 = vector.multi_reduction <minsi>, %select_n3A_67, %reduce_min3A_68 [1] : vector<256x1024xi32> to vector<256xi32>
    %broadcast_in_dim3A_70 = vector.shape_cast %reduce_min3A_69 : vector<256xi32> to vector<256x1xi32>
    %gt3A_71 = vector.broadcast %broadcast_in_dim3A_70 : vector<256x1xi32> to vector<256x1024xi32>
    %gt3A_72 = arith.cmpi sgt, %select_n3A, %gt3A_71 : vector<256x1024xi32>
    %jit3A_73 = arith.constant 1024 : i32
    %broadcast_in_dim3A_74 = vector.broadcast %jit3A_73 : i32 to vector<256x1024xi32>
    %select_n3A_75 = arith.select %gt3A_72, %select_n3A, %broadcast_in_dim3A_74 : vector<256x1024xi1>, vector<256x1024xi32>
    %reduce_min3A_76 = arith.constant dense<2147483647> : vector<256xi32>
    %reduce_min3A_77 = vector.multi_reduction <minsi>, %select_n3A_75, %reduce_min3A_76 [1] : vector<256x1024xi32> to vector<256xi32>
    %broadcast_in_dim3A_78 = vector.shape_cast %reduce_min3A_77 : vector<256xi32> to vector<256x1xi32>
    %gt3A_79 = vector.broadcast %broadcast_in_dim3A_78 : vector<256x1xi32> to vector<256x1024xi32>
    %gt3A_80 = arith.cmpi sgt, %select_n3A, %gt3A_79 : vector<256x1024xi32>
    %jit3A_81 = arith.constant 1024 : i32
    %broadcast_in_dim3A_82 = vector.broadcast %jit3A_81 : i32 to vector<256x1024xi32>
    %select_n3A_83 = arith.select %gt3A_80, %select_n3A, %broadcast_in_dim3A_82 : vector<256x1024xi1>, vector<256x1024xi32>
    %reduce_min3A_84 = arith.constant dense<2147483647> : vector<256xi32>
    %reduce_min3A_85 = vector.multi_reduction <minsi>, %select_n3A_83, %reduce_min3A_84 [1] : vector<256x1024xi32> to vector<256xi32>
    %broadcast_in_dim3A_86 = vector.shape_cast %reduce_min3A_85 : vector<256xi32> to vector<256x1xi32>
    %gt3A_87 = vector.broadcast %broadcast_in_dim3A_86 : vector<256x1xi32> to vector<256x1024xi32>
    %gt3A_88 = arith.cmpi sgt, %select_n3A, %gt3A_87 : vector<256x1024xi32>
    %jit3A_89 = arith.constant 1024 : i32
    %broadcast_in_dim3A_90 = vector.broadcast %jit3A_89 : i32 to vector<256x1024xi32>
    %select_n3A_91 = arith.select %gt3A_88, %select_n3A, %broadcast_in_dim3A_90 : vector<256x1024xi1>, vector<256x1024xi32>
    %reduce_min3A_92 = arith.constant dense<2147483647> : vector<256xi32>
    %reduce_min3A_93 = vector.multi_reduction <minsi>, %select_n3A_91, %reduce_min3A_92 [1] : vector<256x1024xi32> to vector<256xi32>
    %broadcast_in_dim3A_94 = vector.shape_cast %reduce_min3A_93 : vector<256xi32> to vector<256x1xi32>
    %gt3A_95 = vector.broadcast %broadcast_in_dim3A_94 : vector<256x1xi32> to vector<256x1024xi32>
    %gt3A_96 = arith.cmpi sgt, %select_n3A, %gt3A_95 : vector<256x1024xi32>
    %jit3A_97 = arith.constant 1024 : i32
    %broadcast_in_dim3A_98 = vector.broadcast %jit3A_97 : i32 to vector<256x1024xi32>
    %select_n3A_99 = arith.select %gt3A_96, %select_n3A, %broadcast_in_dim3A_98 : vector<256x1024xi1>, vector<256x1024xi32>
    %reduce_min3A_100 = arith.constant dense<2147483647> : vector<256xi32>
    %reduce_min3A_101 = vector.multi_reduction <minsi>, %select_n3A_99, %reduce_min3A_100 [1] : vector<256x1024xi32> to vector<256xi32>
    %broadcast_in_dim3A_102 = vector.shape_cast %reduce_min3A_101 : vector<256xi32> to vector<256x1xi32>
    %gt3A_103 = vector.broadcast %broadcast_in_dim3A_102 : vector<256x1xi32> to vector<256x1024xi32>
    %gt3A_104 = arith.cmpi sgt, %select_n3A, %gt3A_103 : vector<256x1024xi32>
    %jit3A_105 = arith.constant 1024 : i32
    %broadcast_in_dim3A_106 = vector.broadcast %jit3A_105 : i32 to vector<256x1024xi32>
    %select_n3A_107 = arith.select %gt3A_104, %select_n3A, %broadcast_in_dim3A_106 : vector<256x1024xi1>, vector<256x1024xi32>
    %reduce_min3A_108 = arith.constant dense<2147483647> : vector<256xi32>
    %reduce_min3A_109 = vector.multi_reduction <minsi>, %select_n3A_107, %reduce_min3A_108 [1] : vector<256x1024xi32> to vector<256xi32>
    %broadcast_in_dim3A_110 = vector.shape_cast %reduce_min3A_109 : vector<256xi32> to vector<256x1xi32>
    %gt3A_111 = vector.broadcast %broadcast_in_dim3A_110 : vector<256x1xi32> to vector<256x1024xi32>
    %gt3A_112 = arith.cmpi sgt, %select_n3A, %gt3A_111 : vector<256x1024xi32>
    %jit3A_113 = arith.constant 1024 : i32
    %broadcast_in_dim3A_114 = vector.broadcast %jit3A_113 : i32 to vector<256x1024xi32>
    %select_n3A_115 = arith.select %gt3A_112, %select_n3A, %broadcast_in_dim3A_114 : vector<256x1024xi1>, vector<256x1024xi32>
    %reduce_min3A_116 = arith.constant dense<2147483647> : vector<256xi32>
    %reduce_min3A_117 = vector.multi_reduction <minsi>, %select_n3A_115, %reduce_min3A_116 [1] : vector<256x1024xi32> to vector<256xi32>
    %broadcast_in_dim3A_118 = vector.shape_cast %reduce_min3A_117 : vector<256xi32> to vector<256x1xi32>
    %gt3A_119 = vector.broadcast %broadcast_in_dim3A_118 : vector<256x1xi32> to vector<256x1024xi32>
    %gt3A_120 = arith.cmpi sgt, %select_n3A, %gt3A_119 : vector<256x1024xi32>
    %jit3A_121 = arith.constant 1024 : i32
    %broadcast_in_dim3A_122 = vector.broadcast %jit3A_121 : i32 to vector<256x1024xi32>
    %select_n3A_123 = arith.select %gt3A_120, %select_n3A, %broadcast_in_dim3A_122 : vector<256x1024xi1>, vector<256x1024xi32>
    %reduce_min3A_124 = arith.constant dense<2147483647> : vector<256xi32>
    %reduce_min3A_125 = vector.multi_reduction <minsi>, %select_n3A_123, %reduce_min3A_124 [1] : vector<256x1024xi32> to vector<256xi32>
    %broadcast_in_dim3A_126 = vector.shape_cast %reduce_min3A_125 : vector<256xi32> to vector<256x1xi32>
    %gt3A_127 = vector.broadcast %broadcast_in_dim3A_126 : vector<256x1xi32> to vector<256x1024xi32>
    %gt3A_128 = arith.cmpi sgt, %select_n3A, %gt3A_127 : vector<256x1024xi32>
    %jit3A_129 = arith.constant 1024 : i32
    %broadcast_in_dim3A_130 = vector.broadcast %jit3A_129 : i32 to vector<256x1024xi32>
    %select_n3A_131 = arith.select %gt3A_128, %select_n3A, %broadcast_in_dim3A_130 : vector<256x1024xi1>, vector<256x1024xi32>
    %reduce_min3A_132 = arith.constant dense<2147483647> : vector<256xi32>
    %reduce_min3A_133 = vector.multi_reduction <minsi>, %select_n3A_131, %reduce_min3A_132 [1] : vector<256x1024xi32> to vector<256xi32>
    %broadcast_in_dim3A_134 = vector.shape_cast %reduce_min3A_133 : vector<256xi32> to vector<256x1xi32>
    %concatenate3A = tpu.concatenate %broadcast_in_dim3A_14, %broadcast_in_dim3A_22, %broadcast_in_dim3A_30, %broadcast_in_dim3A_38, %broadcast_in_dim3A_46, %broadcast_in_dim3A_54, %broadcast_in_dim3A_62, %broadcast_in_dim3A_70, %broadcast_in_dim3A_78, %broadcast_in_dim3A_86, %broadcast_in_dim3A_94, %broadcast_in_dim3A_102, %broadcast_in_dim3A_110, %broadcast_in_dim3A_118, %broadcast_in_dim3A_126, %broadcast_in_dim3A_134 in 1 : vector<256x1xi32>, vector<256x1xi32>, vector<256x1xi32>, vector<256x1xi32>, vector<256x1xi32>, vector<256x1xi32>, vector<256x1xi32>, vector<256x1xi32>, vector<256x1xi32>, vector<256x1xi32>, vector<256x1xi32>, vector<256x1xi32>, vector<256x1xi32>, vector<256x1xi32>, vector<256x1xi32>, vector<256x1xi32> -> vector<256x16xi32>
    %broadcast_in_dim3A_135 = vector.shape_cast %broadcast_in_dim3A_14 : vector<256x1xi32> to vector<256x1xi32>
    %broadcast_in_dim3A_136 = vector.broadcast %broadcast_in_dim3A_135 : vector<256x1xi32> to vector<256x16xi32>
    %eq3A = arith.constant 1024 : i32
    %eq3A_137 = vector.broadcast %eq3A : i32 to vector<256x16xi32>
    %eq3A_138 = arith.cmpi eq, %concatenate3A, %eq3A_137 : vector<256x16xi32>
    %select_n3A_139 = arith.select %eq3A_138, %broadcast_in_dim3A_136, %concatenate3A : vector<256x16xi1>, vector<256x16xi32>
    %swap3A = arith.constant 0 : index
    %swap3A_140 = arith.constant 0 : index
    %swap3A_141 = arith.constant 0 : index
    %swap3A_142 = vector.load %arg3[%swap3A, %swap3A_140, %swap3A_141] : memref<1x256x16xi32, #tpu.memory_space<vmem>>, vector<1x256x16xi32>
    %swap3A_143 = vector.shape_cast %swap3A_142 : vector<1x256x16xi32> to vector<256x16xi32>
    %swap3A_144 = vector.shape_cast %select_n3A_139 : vector<256x16xi32> to vector<1x256x16xi32>
    tpu.vector_store %arg3[%swap3A, %swap3A_140, %swap3A_141], %swap3A_144 {strides = array<i32>} : memref<1x256x16xi32, #tpu.memory_space<vmem>>, vector<1x256x16xi32>,
    return
  }
  func.func @transform_0(%arg0: i32, %arg1: i32) -> (i32, i32, i32) {
    %c0_i32 = arith.constant 0 : i32
    %c0_i32_0 = arith.constant 0 : i32
    return %arg0, %arg1, %c0_i32 : i32, i32, i32
  }
  func.func @transform_1(%arg0: i32, %arg1: i32) -> (i32, i32, i32) {
    %c0_i32 = arith.constant 0 : i32
    %c0_i32_0 = arith.constant 0 : i32
    return %arg0, %arg1, %c0_i32 : i32, i32, i32
  }
}

module attributes {stable_mosaic.version = 14 : i64} {
  func.func @_ballq_kernel(%arg0: i32, %arg1: i32, %arg2: memref<1x256x1024xf32, #tpu.memory_space<vmem>>, %arg3: memref<1x256x32xi32, #tpu.memory_space<vmem>>) attributes {dimension_semantics = [#tpu.dimension_semantics<arbitrary>, #tpu.dimension_semantics<arbitrary>], iteration_bounds = array<i64: 4, 2>, scalar_prefetch = 0 : i64, scratch_operands = 0 : i64, tpu.core_type = #tpu.core_type<tc>, window_params = [{transform_indices = @transform_0, window_bounds = array<i64: 1, 256, 1024>}, {transform_indices = @transform_1, window_bounds = array<i64: 1, 256, 32>}]} {
    %get3A = arith.constant 0 : index
    %get3A_0 = arith.constant 0 : index
    %get3A_1 = arith.constant 0 : index
    %get3A_2 = vector.load %arg2[%get3A, %get3A_0, %get3A_1] : memref<1x256x1024xf32, #tpu.memory_space<vmem>>, vector<1x256x1024xf32>
    %get3A_3 = vector.shape_cast %get3A_2 : vector<1x256x1024xf32> to vector<256x1024xf32>
    %iota3A = tpu.iota {dimensions = array<i32: 1>} : vector<256x1024xi32>
    %gt3A = arith.constant 1.000000e+02 : f32
    %gt3A_4 = vector.broadcast %gt3A : f32 to vector<256x1024xf32>
    %gt3A_5 = arith.cmpf ogt, %get3A_3, %gt3A_4 : vector<256x1024xf32>
    %jit3A = arith.constant 1024 : i32
    %broadcast_in_dim3A = vector.broadcast %jit3A : i32 to vector<256x1024xi32>
    %select_n3A = arith.select %gt3A_5, %broadcast_in_dim3A, %iota3A : vector<256x1024xi1>, vector<256x1024xi32>
    %broadcast_in_dim3A_6 = arith.constant -1 : i32
    %broadcast_in_dim3A_7 = vector.broadcast %broadcast_in_dim3A_6 : i32 to vector<256x1xi32>
    %gt3A_8 = vector.broadcast %broadcast_in_dim3A_7 : vector<256x1xi32> to vector<256x1024xi32>
    %gt3A_9 = arith.cmpi sgt, %select_n3A, %gt3A_8 : vector<256x1024xi32>
    %jit3A_10 = arith.constant 1024 : i32
    %broadcast_in_dim3A_11 = vector.broadcast %jit3A_10 : i32 to vector<256x1024xi32>
    %select_n3A_12 = arith.select %gt3A_9, %select_n3A, %broadcast_in_dim3A_11 : vector<256x1024xi1>, vector<256x1024xi32>
    %reduce_min3A = arith.constant dense<2147483647> : vector<256xi32>
    %reduce_min3A_13 = vector.multi_reduction <minsi>, %select_n3A_12, %reduce_min3A [1] : vector<256x1024xi32> to vector<256xi32>
    %broadcast_in_dim3A_14 = vector.shape_cast %reduce_min3A_13 : vector<256xi32> to vector<256x1xi32>
    %gt3A_15 = vector.broadcast %broadcast_in_dim3A_14 : vector<256x1xi32> to vector<256x1024xi32>
    %gt3A_16 = arith.cmpi sgt, %select_n3A, %gt3A_15 : vector<256x1024xi32>
    %jit3A_17 = arith.constant 1024 : i32
    %broadcast_in_dim3A_18 = vector.broadcast %jit3A_17 : i32 to vector<256x1024xi32>
    %select_n3A_19 = arith.select %gt3A_16, %select_n3A, %broadcast_in_dim3A_18 : vector<256x1024xi1>, vector<256x1024xi32>
    %reduce_min3A_20 = arith.constant dense<2147483647> : vector<256xi32>
    %reduce_min3A_21 = vector.multi_reduction <minsi>, %select_n3A_19, %reduce_min3A_20 [1] : vector<256x1024xi32> to vector<256xi32>
    %broadcast_in_dim3A_22 = vector.shape_cast %reduce_min3A_21 : vector<256xi32> to vector<256x1xi32>
    %gt3A_23 = vector.broadcast %broadcast_in_dim3A_22 : vector<256x1xi32> to vector<256x1024xi32>
    %gt3A_24 = arith.cmpi sgt, %select_n3A, %gt3A_23 : vector<256x1024xi32>
    %jit3A_25 = arith.constant 1024 : i32
    %broadcast_in_dim3A_26 = vector.broadcast %jit3A_25 : i32 to vector<256x1024xi32>
    %select_n3A_27 = arith.select %gt3A_24, %select_n3A, %broadcast_in_dim3A_26 : vector<256x1024xi1>, vector<256x1024xi32>
    %reduce_min3A_28 = arith.constant dense<2147483647> : vector<256xi32>
    %reduce_min3A_29 = vector.multi_reduction <minsi>, %select_n3A_27, %reduce_min3A_28 [1] : vector<256x1024xi32> to vector<256xi32>
    %broadcast_in_dim3A_30 = vector.shape_cast %reduce_min3A_29 : vector<256xi32> to vector<256x1xi32>
    %gt3A_31 = vector.broadcast %broadcast_in_dim3A_30 : vector<256x1xi32> to vector<256x1024xi32>
    %gt3A_32 = arith.cmpi sgt, %select_n3A, %gt3A_31 : vector<256x1024xi32>
    %jit3A_33 = arith.constant 1024 : i32
    %broadcast_in_dim3A_34 = vector.broadcast %jit3A_33 : i32 to vector<256x1024xi32>
    %select_n3A_35 = arith.select %gt3A_32, %select_n3A, %broadcast_in_dim3A_34 : vector<256x1024xi1>, vector<256x1024xi32>
    %reduce_min3A_36 = arith.constant dense<2147483647> : vector<256xi32>
    %reduce_min3A_37 = vector.multi_reduction <minsi>, %select_n3A_35, %reduce_min3A_36 [1] : vector<256x1024xi32> to vector<256xi32>
    %broadcast_in_dim3A_38 = vector.shape_cast %reduce_min3A_37 : vector<256xi32> to vector<256x1xi32>
    %gt3A_39 = vector.broadcast %broadcast_in_dim3A_38 : vector<256x1xi32> to vector<256x1024xi32>
    %gt3A_40 = arith.cmpi sgt, %select_n3A, %gt3A_39 : vector<256x1024xi32>
    %jit3A_41 = arith.constant 1024 : i32
    %broadcast_in_dim3A_42 = vector.broadcast %jit3A_41 : i32 to vector<256x1024xi32>
    %select_n3A_43 = arith.select %gt3A_40, %select_n3A, %broadcast_in_dim3A_42 : vector<256x1024xi1>, vector<256x1024xi32>
    %reduce_min3A_44 = arith.constant dense<2147483647> : vector<256xi32>
    %reduce_min3A_45 = vector.multi_reduction <minsi>, %select_n3A_43, %reduce_min3A_44 [1] : vector<256x1024xi32> to vector<256xi32>
    %broadcast_in_dim3A_46 = vector.shape_cast %reduce_min3A_45 : vector<256xi32> to vector<256x1xi32>
    %gt3A_47 = vector.broadcast %broadcast_in_dim3A_46 : vector<256x1xi32> to vector<256x1024xi32>
    %gt3A_48 = arith.cmpi sgt, %select_n3A, %gt3A_47 : vector<256x1024xi32>
    %jit3A_49 = arith.constant 1024 : i32
    %broadcast_in_dim3A_50 = vector.broadcast %jit3A_49 : i32 to vector<256x1024xi32>
    %select_n3A_51 = arith.select %gt3A_48, %select_n3A, %broadcast_in_dim3A_50 : vector<256x1024xi1>, vector<256x1024xi32>
    %reduce_min3A_52 = arith.constant dense<2147483647> : vector<256xi32>
    %reduce_min3A_53 = vector.multi_reduction <minsi>, %select_n3A_51, %reduce_min3A_52 [1] : vector<256x1024xi32> to vector<256xi32>
    %broadcast_in_dim3A_54 = vector.shape_cast %reduce_min3A_53 : vector<256xi32> to vector<256x1xi32>
    %gt3A_55 = vector.broadcast %broadcast_in_dim3A_54 : vector<256x1xi32> to vector<256x1024xi32>
    %gt3A_56 = arith.cmpi sgt, %select_n3A, %gt3A_55 : vector<256x1024xi32>
    %jit3A_57 = arith.constant 1024 : i32
    %broadcast_in_dim3A_58 = vector.broadcast %jit3A_57 : i32 to vector<256x1024xi32>
    %select_n3A_59 = arith.select %gt3A_56, %select_n3A, %broadcast_in_dim3A_58 : vector<256x1024xi1>, vector<256x1024xi32>
    %reduce_min3A_60 = arith.constant dense<2147483647> : vector<256xi32>
    %reduce_min3A_61 = vector.multi_reduction <minsi>, %select_n3A_59, %reduce_min3A_60 [1] : vector<256x1024xi32> to vector<256xi32>
    %broadcast_in_dim3A_62 = vector.shape_cast %reduce_min3A_61 : vector<256xi32> to vector<256x1xi32>
    %gt3A_63 = vector.broadcast %broadcast_in_dim3A_62 : vector<256x1xi32> to vector<256x1024xi32>
    %gt3A_64 = arith.cmpi sgt, %select_n3A, %gt3A_63 : vector<256x1024xi32>
    %jit3A_65 = arith.constant 1024 : i32
    %broadcast_in_dim3A_66 = vector.broadcast %jit3A_65 : i32 to vector<256x1024xi32>
    %select_n3A_67 = arith.select %gt3A_64, %select_n3A, %broadcast_in_dim3A_66 : vector<256x1024xi1>, vector<256x1024xi32>
    %reduce_min3A_68 = arith.constant dense<2147483647> : vector<256xi32>
    %reduce_min3A_69 = vector.multi_reduction <minsi>, %select_n3A_67, %reduce_min3A_68 [1] : vector<256x1024xi32> to vector<256xi32>
    %broadcast_in_dim3A_70 = vector.shape_cast %reduce_min3A_69 : vector<256xi32> to vector<256x1xi32>
    %gt3A_71 = vector.broadcast %broadcast_in_dim3A_70 : vector<256x1xi32> to vector<256x1024xi32>
    %gt3A_72 = arith.cmpi sgt, %select_n3A, %gt3A_71 : vector<256x1024xi32>
    %jit3A_73 = arith.constant 1024 : i32
    %broadcast_in_dim3A_74 = vector.broadcast %jit3A_73 : i32 to vector<256x1024xi32>
    %select_n3A_75 = arith.select %gt3A_72, %select_n3A, %broadcast_in_dim3A_74 : vector<256x1024xi1>, vector<256x1024xi32>
    %reduce_min3A_76 = arith.constant dense<2147483647> : vector<256xi32>
    %reduce_min3A_77 = vector.multi_reduction <minsi>, %select_n3A_75, %reduce_min3A_76 [1] : vector<256x1024xi32> to vector<256xi32>
    %broadcast_in_dim3A_78 = vector.shape_cast %reduce_min3A_77 : vector<256xi32> to vector<256x1xi32>
    %gt3A_79 = vector.broadcast %broadcast_in_dim3A_78 : vector<256x1xi32> to vector<256x1024xi32>
    %gt3A_80 = arith.cmpi sgt, %select_n3A, %gt3A_79 : vector<256x1024xi32>
    %jit3A_81 = arith.constant 1024 : i32
    %broadcast_in_dim3A_82 = vector.broadcast %jit3A_81 : i32 to vector<256x1024xi32>
    %select_n3A_83 = arith.select %gt3A_80, %select_n3A, %broadcast_in_dim3A_82 : vector<256x1024xi1>, vector<256x1024xi32>
    %reduce_min3A_84 = arith.constant dense<2147483647> : vector<256xi32>
    %reduce_min3A_85 = vector.multi_reduction <minsi>, %select_n3A_83, %reduce_min3A_84 [1] : vector<256x1024xi32> to vector<256xi32>
    %broadcast_in_dim3A_86 = vector.shape_cast %reduce_min3A_85 : vector<256xi32> to vector<256x1xi32>
    %gt3A_87 = vector.broadcast %broadcast_in_dim3A_86 : vector<256x1xi32> to vector<256x1024xi32>
    %gt3A_88 = arith.cmpi sgt, %select_n3A, %gt3A_87 : vector<256x1024xi32>
    %jit3A_89 = arith.constant 1024 : i32
    %broadcast_in_dim3A_90 = vector.broadcast %jit3A_89 : i32 to vector<256x1024xi32>
    %select_n3A_91 = arith.select %gt3A_88, %select_n3A, %broadcast_in_dim3A_90 : vector<256x1024xi1>, vector<256x1024xi32>
    %reduce_min3A_92 = arith.constant dense<2147483647> : vector<256xi32>
    %reduce_min3A_93 = vector.multi_reduction <minsi>, %select_n3A_91, %reduce_min3A_92 [1] : vector<256x1024xi32> to vector<256xi32>
    %broadcast_in_dim3A_94 = vector.shape_cast %reduce_min3A_93 : vector<256xi32> to vector<256x1xi32>
    %gt3A_95 = vector.broadcast %broadcast_in_dim3A_94 : vector<256x1xi32> to vector<256x1024xi32>
    %gt3A_96 = arith.cmpi sgt, %select_n3A, %gt3A_95 : vector<256x1024xi32>
    %jit3A_97 = arith.constant 1024 : i32
    %broadcast_in_dim3A_98 = vector.broadcast %jit3A_97 : i32 to vector<256x1024xi32>
    %select_n3A_99 = arith.select %gt3A_96, %select_n3A, %broadcast_in_dim3A_98 : vector<256x1024xi1>, vector<256x1024xi32>
    %reduce_min3A_100 = arith.constant dense<2147483647> : vector<256xi32>
    %reduce_min3A_101 = vector.multi_reduction <minsi>, %select_n3A_99, %reduce_min3A_100 [1] : vector<256x1024xi32> to vector<256xi32>
    %broadcast_in_dim3A_102 = vector.shape_cast %reduce_min3A_101 : vector<256xi32> to vector<256x1xi32>
    %gt3A_103 = vector.broadcast %broadcast_in_dim3A_102 : vector<256x1xi32> to vector<256x1024xi32>
    %gt3A_104 = arith.cmpi sgt, %select_n3A, %gt3A_103 : vector<256x1024xi32>
    %jit3A_105 = arith.constant 1024 : i32
    %broadcast_in_dim3A_106 = vector.broadcast %jit3A_105 : i32 to vector<256x1024xi32>
    %select_n3A_107 = arith.select %gt3A_104, %select_n3A, %broadcast_in_dim3A_106 : vector<256x1024xi1>, vector<256x1024xi32>
    %reduce_min3A_108 = arith.constant dense<2147483647> : vector<256xi32>
    %reduce_min3A_109 = vector.multi_reduction <minsi>, %select_n3A_107, %reduce_min3A_108 [1] : vector<256x1024xi32> to vector<256xi32>
    %broadcast_in_dim3A_110 = vector.shape_cast %reduce_min3A_109 : vector<256xi32> to vector<256x1xi32>
    %gt3A_111 = vector.broadcast %broadcast_in_dim3A_110 : vector<256x1xi32> to vector<256x1024xi32>
    %gt3A_112 = arith.cmpi sgt, %select_n3A, %gt3A_111 : vector<256x1024xi32>
    %jit3A_113 = arith.constant 1024 : i32
    %broadcast_in_dim3A_114 = vector.broadcast %jit3A_113 : i32 to vector<256x1024xi32>
    %select_n3A_115 = arith.select %gt3A_112, %select_n3A, %broadcast_in_dim3A_114 : vector<256x1024xi1>, vector<256x1024xi32>
    %reduce_min3A_116 = arith.constant dense<2147483647> : vector<256xi32>
    %reduce_min3A_117 = vector.multi_reduction <minsi>, %select_n3A_115, %reduce_min3A_116 [1] : vector<256x1024xi32> to vector<256xi32>
    %broadcast_in_dim3A_118 = vector.shape_cast %reduce_min3A_117 : vector<256xi32> to vector<256x1xi32>
    %gt3A_119 = vector.broadcast %broadcast_in_dim3A_118 : vector<256x1xi32> to vector<256x1024xi32>
    %gt3A_120 = arith.cmpi sgt, %select_n3A, %gt3A_119 : vector<256x1024xi32>
    %jit3A_121 = arith.constant 1024 : i32
    %broadcast_in_dim3A_122 = vector.broadcast %jit3A_121 : i32 to vector<256x1024xi32>
    %select_n3A_123 = arith.select %gt3A_120, %select_n3A, %broadcast_in_dim3A_122 : vector<256x1024xi1>, vector<256x1024xi32>
    %reduce_min3A_124 = arith.constant dense<2147483647> : vector<256xi32>
    %reduce_min3A_125 = vector.multi_reduction <minsi>, %select_n3A_123, %reduce_min3A_124 [1] : vector<256x1024xi32> to vector<256xi32>
    %broadcast_in_dim3A_126 = vector.shape_cast %reduce_min3A_125 : vector<256xi32> to vector<256x1xi32>
    %gt3A_127 = vector.broadcast %broadcast_in_dim3A_126 : vector<256x1xi32> to vector<256x1024xi32>
    %gt3A_128 = arith.cmpi sgt, %select_n3A, %gt3A_127 : vector<256x1024xi32>
    %jit3A_129 = arith.constant 1024 : i32
    %broadcast_in_dim3A_130 = vector.broadcast %jit3A_129 : i32 to vector<256x1024xi32>
    %select_n3A_131 = arith.select %gt3A_128, %select_n3A, %broadcast_in_dim3A_130 : vector<256x1024xi1>, vector<256x1024xi32>
    %reduce_min3A_132 = arith.constant dense<2147483647> : vector<256xi32>
    %reduce_min3A_133 = vector.multi_reduction <minsi>, %select_n3A_131, %reduce_min3A_132 [1] : vector<256x1024xi32> to vector<256xi32>
    %broadcast_in_dim3A_134 = vector.shape_cast %reduce_min3A_133 : vector<256xi32> to vector<256x1xi32>
    %gt3A_135 = vector.broadcast %broadcast_in_dim3A_134 : vector<256x1xi32> to vector<256x1024xi32>
    %gt3A_136 = arith.cmpi sgt, %select_n3A, %gt3A_135 : vector<256x1024xi32>
    %jit3A_137 = arith.constant 1024 : i32
    %broadcast_in_dim3A_138 = vector.broadcast %jit3A_137 : i32 to vector<256x1024xi32>
    %select_n3A_139 = arith.select %gt3A_136, %select_n3A, %broadcast_in_dim3A_138 : vector<256x1024xi1>, vector<256x1024xi32>
    %reduce_min3A_140 = arith.constant dense<2147483647> : vector<256xi32>
    %reduce_min3A_141 = vector.multi_reduction <minsi>, %select_n3A_139, %reduce_min3A_140 [1] : vector<256x1024xi32> to vector<256xi32>
    %broadcast_in_dim3A_142 = vector.shape_cast %reduce_min3A_141 : vector<256xi32> to vector<256x1xi32>
    %gt3A_143 = vector.broadcast %broadcast_in_dim3A_142 : vector<256x1xi32> to vector<256x1024xi32>
    %gt3A_144 = arith.cmpi sgt, %select_n3A, %gt3A_143 : vector<256x1024xi32>
    %jit3A_145 = arith.constant 1024 : i32
    %broadcast_in_dim3A_146 = vector.broadcast %jit3A_145 : i32 to vector<256x1024xi32>
    %select_n3A_147 = arith.select %gt3A_144, %select_n3A, %broadcast_in_dim3A_146 : vector<256x1024xi1>, vector<256x1024xi32>
    %reduce_min3A_148 = arith.constant dense<2147483647> : vector<256xi32>
    %reduce_min3A_149 = vector.multi_reduction <minsi>, %select_n3A_147, %reduce_min3A_148 [1] : vector<256x1024xi32> to vector<256xi32>
    %broadcast_in_dim3A_150 = vector.shape_cast %reduce_min3A_149 : vector<256xi32> to vector<256x1xi32>
    %gt3A_151 = vector.broadcast %broadcast_in_dim3A_150 : vector<256x1xi32> to vector<256x1024xi32>
    %gt3A_152 = arith.cmpi sgt, %select_n3A, %gt3A_151 : vector<256x1024xi32>
    %jit3A_153 = arith.constant 1024 : i32
    %broadcast_in_dim3A_154 = vector.broadcast %jit3A_153 : i32 to vector<256x1024xi32>
    %select_n3A_155 = arith.select %gt3A_152, %select_n3A, %broadcast_in_dim3A_154 : vector<256x1024xi1>, vector<256x1024xi32>
    %reduce_min3A_156 = arith.constant dense<2147483647> : vector<256xi32>
    %reduce_min3A_157 = vector.multi_reduction <minsi>, %select_n3A_155, %reduce_min3A_156 [1] : vector<256x1024xi32> to vector<256xi32>
    %broadcast_in_dim3A_158 = vector.shape_cast %reduce_min3A_157 : vector<256xi32> to vector<256x1xi32>
    %gt3A_159 = vector.broadcast %broadcast_in_dim3A_158 : vector<256x1xi32> to vector<256x1024xi32>
    %gt3A_160 = arith.cmpi sgt, %select_n3A, %gt3A_159 : vector<256x1024xi32>
    %jit3A_161 = arith.constant 1024 : i32
    %broadcast_in_dim3A_162 = vector.broadcast %jit3A_161 : i32 to vector<256x1024xi32>
    %select_n3A_163 = arith.select %gt3A_160, %select_n3A, %broadcast_in_dim3A_162 : vector<256x1024xi1>, vector<256x1024xi32>
    %reduce_min3A_164 = arith.constant dense<2147483647> : vector<256xi32>
    %reduce_min3A_165 = vector.multi_reduction <minsi>, %select_n3A_163, %reduce_min3A_164 [1] : vector<256x1024xi32> to vector<256xi32>
    %broadcast_in_dim3A_166 = vector.shape_cast %reduce_min3A_165 : vector<256xi32> to vector<256x1xi32>
    %gt3A_167 = vector.broadcast %broadcast_in_dim3A_166 : vector<256x1xi32> to vector<256x1024xi32>
    %gt3A_168 = arith.cmpi sgt, %select_n3A, %gt3A_167 : vector<256x1024xi32>
    %jit3A_169 = arith.constant 1024 : i32
    %broadcast_in_dim3A_170 = vector.broadcast %jit3A_169 : i32 to vector<256x1024xi32>
    %select_n3A_171 = arith.select %gt3A_168, %select_n3A, %broadcast_in_dim3A_170 : vector<256x1024xi1>, vector<256x1024xi32>
    %reduce_min3A_172 = arith.constant dense<2147483647> : vector<256xi32>
    %reduce_min3A_173 = vector.multi_reduction <minsi>, %select_n3A_171, %reduce_min3A_172 [1] : vector<256x1024xi32> to vector<256xi32>
    %broadcast_in_dim3A_174 = vector.shape_cast %reduce_min3A_173 : vector<256xi32> to vector<256x1xi32>
    %gt3A_175 = vector.broadcast %broadcast_in_dim3A_174 : vector<256x1xi32> to vector<256x1024xi32>
    %gt3A_176 = arith.cmpi sgt, %select_n3A, %gt3A_175 : vector<256x1024xi32>
    %jit3A_177 = arith.constant 1024 : i32
    %broadcast_in_dim3A_178 = vector.broadcast %jit3A_177 : i32 to vector<256x1024xi32>
    %select_n3A_179 = arith.select %gt3A_176, %select_n3A, %broadcast_in_dim3A_178 : vector<256x1024xi1>, vector<256x1024xi32>
    %reduce_min3A_180 = arith.constant dense<2147483647> : vector<256xi32>
    %reduce_min3A_181 = vector.multi_reduction <minsi>, %select_n3A_179, %reduce_min3A_180 [1] : vector<256x1024xi32> to vector<256xi32>
    %broadcast_in_dim3A_182 = vector.shape_cast %reduce_min3A_181 : vector<256xi32> to vector<256x1xi32>
    %gt3A_183 = vector.broadcast %broadcast_in_dim3A_182 : vector<256x1xi32> to vector<256x1024xi32>
    %gt3A_184 = arith.cmpi sgt, %select_n3A, %gt3A_183 : vector<256x1024xi32>
    %jit3A_185 = arith.constant 1024 : i32
    %broadcast_in_dim3A_186 = vector.broadcast %jit3A_185 : i32 to vector<256x1024xi32>
    %select_n3A_187 = arith.select %gt3A_184, %select_n3A, %broadcast_in_dim3A_186 : vector<256x1024xi1>, vector<256x1024xi32>
    %reduce_min3A_188 = arith.constant dense<2147483647> : vector<256xi32>
    %reduce_min3A_189 = vector.multi_reduction <minsi>, %select_n3A_187, %reduce_min3A_188 [1] : vector<256x1024xi32> to vector<256xi32>
    %broadcast_in_dim3A_190 = vector.shape_cast %reduce_min3A_189 : vector<256xi32> to vector<256x1xi32>
    %gt3A_191 = vector.broadcast %broadcast_in_dim3A_190 : vector<256x1xi32> to vector<256x1024xi32>
    %gt3A_192 = arith.cmpi sgt, %select_n3A, %gt3A_191 : vector<256x1024xi32>
    %jit3A_193 = arith.constant 1024 : i32
    %broadcast_in_dim3A_194 = vector.broadcast %jit3A_193 : i32 to vector<256x1024xi32>
    %select_n3A_195 = arith.select %gt3A_192, %select_n3A, %broadcast_in_dim3A_194 : vector<256x1024xi1>, vector<256x1024xi32>
    %reduce_min3A_196 = arith.constant dense<2147483647> : vector<256xi32>
    %reduce_min3A_197 = vector.multi_reduction <minsi>, %select_n3A_195, %reduce_min3A_196 [1] : vector<256x1024xi32> to vector<256xi32>
    %broadcast_in_dim3A_198 = vector.shape_cast %reduce_min3A_197 : vector<256xi32> to vector<256x1xi32>
    %gt3A_199 = vector.broadcast %broadcast_in_dim3A_198 : vector<256x1xi32> to vector<256x1024xi32>
    %gt3A_200 = arith.cmpi sgt, %select_n3A, %gt3A_199 : vector<256x1024xi32>
    %jit3A_201 = arith.constant 1024 : i32
    %broadcast_in_dim3A_202 = vector.broadcast %jit3A_201 : i32 to vector<256x1024xi32>
    %select_n3A_203 = arith.select %gt3A_200, %select_n3A, %broadcast_in_dim3A_202 : vector<256x1024xi1>, vector<256x1024xi32>
    %reduce_min3A_204 = arith.constant dense<2147483647> : vector<256xi32>
    %reduce_min3A_205 = vector.multi_reduction <minsi>, %select_n3A_203, %reduce_min3A_204 [1] : vector<256x1024xi32> to vector<256xi32>
    %broadcast_in_dim3A_206 = vector.shape_cast %reduce_min3A_205 : vector<256xi32> to vector<256x1xi32>
    %gt3A_207 = vector.broadcast %broadcast_in_dim3A_206 : vector<256x1xi32> to vector<256x1024xi32>
    %gt3A_208 = arith.cmpi sgt, %select_n3A, %gt3A_207 : vector<256x1024xi32>
    %jit3A_209 = arith.constant 1024 : i32
    %broadcast_in_dim3A_210 = vector.broadcast %jit3A_209 : i32 to vector<256x1024xi32>
    %select_n3A_211 = arith.select %gt3A_208, %select_n3A, %broadcast_in_dim3A_210 : vector<256x1024xi1>, vector<256x1024xi32>
    %reduce_min3A_212 = arith.constant dense<2147483647> : vector<256xi32>
    %reduce_min3A_213 = vector.multi_reduction <minsi>, %select_n3A_211, %reduce_min3A_212 [1] : vector<256x1024xi32> to vector<256xi32>
    %broadcast_in_dim3A_214 = vector.shape_cast %reduce_min3A_213 : vector<256xi32> to vector<256x1xi32>
    %gt3A_215 = vector.broadcast %broadcast_in_dim3A_214 : vector<256x1xi32> to vector<256x1024xi32>
    %gt3A_216 = arith.cmpi sgt, %select_n3A, %gt3A_215 : vector<256x1024xi32>
    %jit3A_217 = arith.constant 1024 : i32
    %broadcast_in_dim3A_218 = vector.broadcast %jit3A_217 : i32 to vector<256x1024xi32>
    %select_n3A_219 = arith.select %gt3A_216, %select_n3A, %broadcast_in_dim3A_218 : vector<256x1024xi1>, vector<256x1024xi32>
    %reduce_min3A_220 = arith.constant dense<2147483647> : vector<256xi32>
    %reduce_min3A_221 = vector.multi_reduction <minsi>, %select_n3A_219, %reduce_min3A_220 [1] : vector<256x1024xi32> to vector<256xi32>
    %broadcast_in_dim3A_222 = vector.shape_cast %reduce_min3A_221 : vector<256xi32> to vector<256x1xi32>
    %gt3A_223 = vector.broadcast %broadcast_in_dim3A_222 : vector<256x1xi32> to vector<256x1024xi32>
    %gt3A_224 = arith.cmpi sgt, %select_n3A, %gt3A_223 : vector<256x1024xi32>
    %jit3A_225 = arith.constant 1024 : i32
    %broadcast_in_dim3A_226 = vector.broadcast %jit3A_225 : i32 to vector<256x1024xi32>
    %select_n3A_227 = arith.select %gt3A_224, %select_n3A, %broadcast_in_dim3A_226 : vector<256x1024xi1>, vector<256x1024xi32>
    %reduce_min3A_228 = arith.constant dense<2147483647> : vector<256xi32>
    %reduce_min3A_229 = vector.multi_reduction <minsi>, %select_n3A_227, %reduce_min3A_228 [1] : vector<256x1024xi32> to vector<256xi32>
    %broadcast_in_dim3A_230 = vector.shape_cast %reduce_min3A_229 : vector<256xi32> to vector<256x1xi32>
    %gt3A_231 = vector.broadcast %broadcast_in_dim3A_230 : vector<256x1xi32> to vector<256x1024xi32>
    %gt3A_232 = arith.cmpi sgt, %select_n3A, %gt3A_231 : vector<256x1024xi32>
    %jit3A_233 = arith.constant 1024 : i32
    %broadcast_in_dim3A_234 = vector.broadcast %jit3A_233 : i32 to vector<256x1024xi32>
    %select_n3A_235 = arith.select %gt3A_232, %select_n3A, %broadcast_in_dim3A_234 : vector<256x1024xi1>, vector<256x1024xi32>
    %reduce_min3A_236 = arith.constant dense<2147483647> : vector<256xi32>
    %reduce_min3A_237 = vector.multi_reduction <minsi>, %select_n3A_235, %reduce_min3A_236 [1] : vector<256x1024xi32> to vector<256xi32>
    %broadcast_in_dim3A_238 = vector.shape_cast %reduce_min3A_237 : vector<256xi32> to vector<256x1xi32>
    %gt3A_239 = vector.broadcast %broadcast_in_dim3A_238 : vector<256x1xi32> to vector<256x1024xi32>
    %gt3A_240 = arith.cmpi sgt, %select_n3A, %gt3A_239 : vector<256x1024xi32>
    %jit3A_241 = arith.constant 1024 : i32
    %broadcast_in_dim3A_242 = vector.broadcast %jit3A_241 : i32 to vector<256x1024xi32>
    %select_n3A_243 = arith.select %gt3A_240, %select_n3A, %broadcast_in_dim3A_242 : vector<256x1024xi1>, vector<256x1024xi32>
    %reduce_min3A_244 = arith.constant dense<2147483647> : vector<256xi32>
    %reduce_min3A_245 = vector.multi_reduction <minsi>, %select_n3A_243, %reduce_min3A_244 [1] : vector<256x1024xi32> to vector<256xi32>
    %broadcast_in_dim3A_246 = vector.shape_cast %reduce_min3A_245 : vector<256xi32> to vector<256x1xi32>
    %gt3A_247 = vector.broadcast %broadcast_in_dim3A_246 : vector<256x1xi32> to vector<256x1024xi32>
    %gt3A_248 = arith.cmpi sgt, %select_n3A, %gt3A_247 : vector<256x1024xi32>
    %jit3A_249 = arith.constant 1024 : i32
    %broadcast_in_dim3A_250 = vector.broadcast %jit3A_249 : i32 to vector<256x1024xi32>
    %select_n3A_251 = arith.select %gt3A_248, %select_n3A, %broadcast_in_dim3A_250 : vector<256x1024xi1>, vector<256x1024xi32>
    %reduce_min3A_252 = arith.constant dense<2147483647> : vector<256xi32>
    %reduce_min3A_253 = vector.multi_reduction <minsi>, %select_n3A_251, %reduce_min3A_252 [1] : vector<256x1024xi32> to vector<256xi32>
    %broadcast_in_dim3A_254 = vector.shape_cast %reduce_min3A_253 : vector<256xi32> to vector<256x1xi32>
    %gt3A_255 = vector.broadcast %broadcast_in_dim3A_254 : vector<256x1xi32> to vector<256x1024xi32>
    %gt3A_256 = arith.cmpi sgt, %select_n3A, %gt3A_255 : vector<256x1024xi32>
    %jit3A_257 = arith.constant 1024 : i32
    %broadcast_in_dim3A_258 = vector.broadcast %jit3A_257 : i32 to vector<256x1024xi32>
    %select_n3A_259 = arith.select %gt3A_256, %select_n3A, %broadcast_in_dim3A_258 : vector<256x1024xi1>, vector<256x1024xi32>
    %reduce_min3A_260 = arith.constant dense<2147483647> : vector<256xi32>
    %reduce_min3A_261 = vector.multi_reduction <minsi>, %select_n3A_259, %reduce_min3A_260 [1] : vector<256x1024xi32> to vector<256xi32>
    %broadcast_in_dim3A_262 = vector.shape_cast %reduce_min3A_261 : vector<256xi32> to vector<256x1xi32>
    %concatenate3A = tpu.concatenate %broadcast_in_dim3A_14, %broadcast_in_dim3A_22, %broadcast_in_dim3A_30, %broadcast_in_dim3A_38, %broadcast_in_dim3A_46, %broadcast_in_dim3A_54, %broadcast_in_dim3A_62, %broadcast_in_dim3A_70, %broadcast_in_dim3A_78, %broadcast_in_dim3A_86, %broadcast_in_dim3A_94, %broadcast_in_dim3A_102, %broadcast_in_dim3A_110, %broadcast_in_dim3A_118, %broadcast_in_dim3A_126, %broadcast_in_dim3A_134, %broadcast_in_dim3A_142, %broadcast_in_dim3A_150, %broadcast_in_dim3A_158, %broadcast_in_dim3A_166, %broadcast_in_dim3A_174, %broadcast_in_dim3A_182, %broadcast_in_dim3A_190, %broadcast_in_dim3A_198, %broadcast_in_dim3A_206, %broadcast_in_dim3A_214, %broadcast_in_dim3A_222, %broadcast_in_dim3A_230, %broadcast_in_dim3A_238, %broadcast_in_dim3A_246, %broadcast_in_dim3A_254, %broadcast_in_dim3A_262 in 1 : vector<256x1xi32>, vector<256x1xi32>, vector<256x1xi32>, vector<256x1xi32>, vector<256x1xi32>, vector<256x1xi32>, vector<256x1xi32>, vector<256x1xi32>, vector<256x1xi32>, vector<256x1xi32>, vector<256x1xi32>, vector<256x1xi32>, vector<256x1xi32>, vector<256x1xi32>, vector<256x1xi32>, vector<256x1xi32>, vector<256x1xi32>, vector<256x1xi32>, vector<256x1xi32>, vector<256x1xi32>, vector<256x1xi32>, vector<256x1xi32>, vector<256x1xi32>, vector<256x1xi32>, vector<256x1xi32>, vector<256x1xi32>, vector<256x1xi32>, vector<256x1xi32>, vector<256x1xi32>, vector<256x1xi32>, vector<256x1xi32>, vector<256x1xi32> -> vector<256x32xi32>
    %broadcast_in_dim3A_263 = vector.shape_cast %broadcast_in_dim3A_14 : vector<256x1xi32> to vector<256x1xi32>
    %broadcast_in_dim3A_264 = vector.broadcast %broadcast_in_dim3A_263 : vector<256x1xi32> to vector<256x32xi32>
    %eq3A = arith.constant 1024 : i32
    %eq3A_265 = vector.broadcast %eq3A : i32 to vector<256x32xi32>
    %eq3A_266 = arith.cmpi eq, %concatenate3A, %eq3A_265 : vector<256x32xi32>
    %select_n3A_267 = arith.select %eq3A_266, %broadcast_in_dim3A_264, %concatenate3A : vector<256x32xi1>, vector<256x32xi32>
    %swap3A = arith.constant 0 : index
    %swap3A_268 = arith.constant 0 : index
    %swap3A_269 = arith.constant 0 : index
    %swap3A_270 = vector.load %arg3[%swap3A, %swap3A_268, %swap3A_269] : memref<1x256x32xi32, #tpu.memory_space<vmem>>, vector<1x256x32xi32>
    %swap3A_271 = vector.shape_cast %swap3A_270 : vector<1x256x32xi32> to vector<256x32xi32>
    %swap3A_272 = vector.shape_cast %select_n3A_267 : vector<256x32xi32> to vector<1x256x32xi32>
    tpu.vector_store %arg3[%swap3A, %swap3A_268, %swap3A_269], %swap3A_272 {strides = array<i32>} : memref<1x256x32xi32, #tpu.memory_space<vmem>>, vector<1x256x32xi32>,
    return
  }
  func.func @transform_0(%arg0: i32, %arg1: i32) -> (i32, i32, i32) {
    %c0_i32 = arith.constant 0 : i32
    %c0_i32_0 = arith.constant 0 : i32
    return %arg0, %arg1, %c0_i32 : i32, i32, i32
  }
  func.func @transform_1(%arg0: i32, %arg1: i32) -> (i32, i32, i32) {
    %c0_i32 = arith.constant 0 : i32
    %c0_i32_0 = arith.constant 0 : i32
    return %arg0, %arg1, %c0_i32 : i32, i32, i32
  }
}

module attributes {stable_mosaic.version = 14 : i64} {
  func.func @_fps_kernel(%arg0: memref<4x3x512xf32, #tpu.memory_space<vmem>>, %arg1: memref<4x256xi32, #tpu.memory_space<vmem>>) attributes {dimension_semantics = [], scalar_prefetch = 0 : i64, scratch_operands = 0 : i64, tpu.core_type = #tpu.core_type<tc>} {
    %get3A = arith.constant 0 : index
    %get3A_0 = arith.constant 0 : index
    %get3A_1 = arith.constant 0 : index
    %get3A_2 = vector.load %arg0[%get3A, %get3A_0, %get3A_1] : memref<4x3x512xf32, #tpu.memory_space<vmem>>, vector<4x1x512xf32>
    %get3A_3 = vector.shape_cast %get3A_2 : vector<4x1x512xf32> to vector<4x512xf32>
    %get3A_4 = arith.constant 0 : index
    %get3A_5 = arith.constant 1 : index
    %get3A_6 = arith.constant 0 : index
    %get3A_7 = vector.load %arg0[%get3A_4, %get3A_5, %get3A_6] : memref<4x3x512xf32, #tpu.memory_space<vmem>>, vector<4x1x512xf32>
    %get3A_8 = vector.shape_cast %get3A_7 : vector<4x1x512xf32> to vector<4x512xf32>
    %get3A_9 = arith.constant 0 : index
    %get3A_10 = arith.constant 2 : index
    %get3A_11 = arith.constant 0 : index
    %get3A_12 = vector.load %arg0[%get3A_9, %get3A_10, %get3A_11] : memref<4x3x512xf32, #tpu.memory_space<vmem>>, vector<4x1x512xf32>
    %get3A_13 = vector.shape_cast %get3A_12 : vector<4x1x512xf32> to vector<4x512xf32>
    %iota3A = tpu.iota {dimensions = array<i32: 1>} : vector<4x512xi32>
    %iota3A_14 = tpu.iota {dimensions = array<i32: 1>} : vector<4x256xi32>
    %broadcast_in_dim3A = arith.constant 0 : i32
    %broadcast_in_dim3A_15 = vector.broadcast %broadcast_in_dim3A : i32 to vector<4x256xi32>
    %swap3A = arith.constant 0 : index
    %swap3A_16 = arith.constant 0 : index
    %swap3A_17 = vector.load %arg1[%swap3A, %swap3A_16] : memref<4x256xi32, #tpu.memory_space<vmem>>, vector<4x256xi32>
    tpu.vector_store %arg1[%swap3A, %swap3A_16], %broadcast_in_dim3A_15 {strides = array<i32>} : memref<4x256xi32, #tpu.memory_space<vmem>>, vector<4x256xi32>,
    %broadcast_in_dim3A_18 = arith.constant 1.000000e+10 : f32
    %broadcast_in_dim3A_19 = vector.broadcast %broadcast_in_dim3A_18 : f32 to vector<4x512xf32>
    %broadcast_in_dim3A_20 = arith.constant 0 : i32
    %broadcast_in_dim3A_21 = vector.broadcast %broadcast_in_dim3A_20 : i32 to vector<4x1xi32>
    %scan3A = arith.constant 0 : i32
    %scan3A_22 = arith.constant 256 : i32
    %scan3A_23 = arith.addi %scan3A, %scan3A_22 : i32
    %scan3A_24 = arith.constant 1 : i32
    %scan3A_25:2 = scf.for %scan3A_27 = %scan3A to %scan3A_23 step %scan3A_24 iter_args(%scan3A_28 = %broadcast_in_dim3A_19, %scan3A_29 = %broadcast_in_dim3A_21) -> (vector<4x512xf32>, vector<4x1xi32>)  : i32 {
      %broadcast_in_dim3A_30 = vector.shape_cast %scan3A_29 : vector<4x1xi32> to vector<4x1xi32>
      %broadcast_in_dim3A_31 = vector.broadcast %broadcast_in_dim3A_30 : vector<4x1xi32> to vector<4x256xi32>
      %get3A_32 = arith.constant 0 : index
      %get3A_33 = arith.constant 0 : index
      %get3A_34 = vector.load %arg1[%get3A_32, %get3A_33] : memref<4x256xi32, #tpu.memory_space<vmem>>, vector<4x256xi32>
      %eq3A = vector.broadcast %scan3A_27 : i32 to vector<4x256xi32>
      %eq3A_35 = arith.cmpi eq, %iota3A_14, %eq3A : vector<4x256xi32>
      %jit3A = arith.constant 0 : i32
      %broadcast_in_dim3A_36 = vector.broadcast %jit3A : i32 to vector<4x256xi32>
      %select_n3A = arith.select %eq3A_35, %broadcast_in_dim3A_31, %broadcast_in_dim3A_36 : vector<4x256xi1>, vector<4x256xi32>
      %add3A = arith.addi %get3A_34, %select_n3A : vector<4x256xi32>
      %swap3A_37 = arith.constant 0 : index
      %swap3A_38 = arith.constant 0 : index
      %swap3A_39 = vector.load %arg1[%swap3A_37, %swap3A_38] : memref<4x256xi32, #tpu.memory_space<vmem>>, vector<4x256xi32>
      tpu.vector_store %arg1[%swap3A_37, %swap3A_38], %add3A {strides = array<i32>} : memref<4x256xi32, #tpu.memory_space<vmem>>, vector<4x256xi32>,
      %eq3A_40 = vector.broadcast %scan3A_29 : vector<4x1xi32> to vector<4x512xi32>
      %eq3A_41 = arith.cmpi eq, %iota3A, %eq3A_40 : vector<4x512xi32>
      %jit3A_42 = arith.constant 0.000000e+00 : f32
      %broadcast_in_dim3A_43 = vector.broadcast %jit3A_42 : f32 to vector<4x512xf32>
      %select_n3A_44 = arith.select %eq3A_41, %get3A_3, %broadcast_in_dim3A_43 : vector<4x512xi1>, vector<4x512xf32>
      %reduce_sum3A = arith.constant dense<0.000000e+00> : vector<4xf32>
      %reduce_sum3A_45 = vector.multi_reduction <add>, %select_n3A_44, %reduce_sum3A [1] : vector<4x512xf32> to vector<4xf32>
      %broadcast_in_dim3A_46 = vector.shape_cast %reduce_sum3A_45 : vector<4xf32> to vector<4x1xf32>
      %jit3A_47 = arith.constant 0.000000e+00 : f32
      %broadcast_in_dim3A_48 = vector.broadcast %jit3A_47 : f32 to vector<4x512xf32>
      %select_n3A_49 = arith.select %eq3A_41, %get3A_8, %broadcast_in_dim3A_48 : vector<4x512xi1>, vector<4x512xf32>
      %reduce_sum3A_50 = arith.constant dense<0.000000e+00> : vector<4xf32>
      %reduce_sum3A_51 = vector.multi_reduction <add>, %select_n3A_49, %reduce_sum3A_50 [1] : vector<4x512xf32> to vector<4xf32>
      %broadcast_in_dim3A_52 = vector.shape_cast %reduce_sum3A_51 : vector<4xf32> to vector<4x1xf32>
      %jit3A_53 = arith.constant 0.000000e+00 : f32
      %broadcast_in_dim3A_54 = vector.broadcast %jit3A_53 : f32 to vector<4x512xf32>
      %select_n3A_55 = arith.select %eq3A_41, %get3A_13, %broadcast_in_dim3A_54 : vector<4x512xi1>, vector<4x512xf32>
      %reduce_sum3A_56 = arith.constant dense<0.000000e+00> : vector<4xf32>
      %reduce_sum3A_57 = vector.multi_reduction <add>, %select_n3A_55, %reduce_sum3A_56 [1] : vector<4x512xf32> to vector<4xf32>
      %broadcast_in_dim3A_58 = vector.shape_cast %reduce_sum3A_57 : vector<4xf32> to vector<4x1xf32>
      %sub3A = vector.broadcast %broadcast_in_dim3A_46 : vector<4x1xf32> to vector<4x512xf32>
      %sub3A_59 = arith.subf %get3A_3, %sub3A : vector<4x512xf32>
      %sub3A_60 = vector.broadcast %broadcast_in_dim3A_52 : vector<4x1xf32> to vector<4x512xf32>
      %sub3A_61 = arith.subf %get3A_8, %sub3A_60 : vector<4x512xf32>
      %sub3A_62 = vector.broadcast %broadcast_in_dim3A_58 : vector<4x1xf32> to vector<4x512xf32>
      %sub3A_63 = arith.subf %get3A_13, %sub3A_62 : vector<4x512xf32>
      %mul3A = arith.mulf %sub3A_59, %sub3A_59 : vector<4x512xf32>
      %mul3A_64 = arith.mulf %sub3A_61, %sub3A_61 : vector<4x512xf32>
      %mul3A_65 = arith.mulf %sub3A_63, %sub3A_63 : vector<4x512xf32>
      %add3A_66 = arith.addf %mul3A_64, %mul3A_65 : vector<4x512xf32>
      %add3A_67 = arith.addf %mul3A, %add3A_66 : vector<4x512xf32>
      %min3A = arith.minimumf %scan3A_28, %add3A_67 : vector<4x512xf32>
      %reduce_max3A = arith.constant dense<0xFF800000> : vector<4xf32>
      %reduce_max3A_68 = vector.multi_reduction <maximumf>, %min3A, %reduce_max3A [1] : vector<4x512xf32> to vector<4xf32>
      %broadcast_in_dim3A_69 = vector.shape_cast %reduce_max3A_68 : vector<4xf32> to vector<4x1xf32>
      %eq3A_70 = vector.broadcast %broadcast_in_dim3A_69 : vector<4x1xf32> to vector<4x512xf32>
      %eq3A_71 = arith.cmpf oeq, %min3A, %eq3A_70 : vector<4x512xf32>
      %jit3A_72 = arith.constant 512 : i32
      %broadcast_in_dim3A_73 = vector.broadcast %jit3A_72 : i32 to vector<4x512xi32>
      %select_n3A_74 = arith.select %eq3A_71, %iota3A, %broadcast_in_dim3A_73 : vector<4x512xi1>, vector<4x512xi32>
      %reduce_min3A = arith.constant dense<2147483647> : vector<4xi32>
      %reduce_min3A_75 = vector.multi_reduction <minsi>, %select_n3A_74, %reduce_min3A [1] : vector<4x512xi32> to vector<4xi32>
      %broadcast_in_dim3A_76 = vector.shape_cast %reduce_min3A_75 : vector<4xi32> to vector<4x1xi32>
      scf.yield %min3A, %broadcast_in_dim3A_76 : vector<4x512xf32>, vector<4x1xi32>
    }
    %scan3A_26 = arith.constant 256 : i32
    return
  }
}

module attributes {stable_mosaic.version = 14 : i64} {
  func.func @_ballq_kernel(%arg0: i32, %arg1: i32, %arg2: memref<1x256x512xf32, #tpu.memory_space<vmem>>, %arg3: memref<1x256x16xi32, #tpu.memory_space<vmem>>) attributes {dimension_semantics = [#tpu.dimension_semantics<arbitrary>, #tpu.dimension_semantics<arbitrary>], iteration_bounds = array<i64: 4, 1>, scalar_prefetch = 0 : i64, scratch_operands = 0 : i64, tpu.core_type = #tpu.core_type<tc>, window_params = [{transform_indices = @transform_0, window_bounds = array<i64: 1, 256, 512>}, {transform_indices = @transform_1, window_bounds = array<i64: 1, 256, 16>}]} {
    %get3A = arith.constant 0 : index
    %get3A_0 = arith.constant 0 : index
    %get3A_1 = arith.constant 0 : index
    %get3A_2 = vector.load %arg2[%get3A, %get3A_0, %get3A_1] : memref<1x256x512xf32, #tpu.memory_space<vmem>>, vector<1x256x512xf32>
    %get3A_3 = vector.shape_cast %get3A_2 : vector<1x256x512xf32> to vector<256x512xf32>
    %iota3A = tpu.iota {dimensions = array<i32: 1>} : vector<256x512xi32>
    %gt3A = arith.constant 1.000000e+02 : f32
    %gt3A_4 = vector.broadcast %gt3A : f32 to vector<256x512xf32>
    %gt3A_5 = arith.cmpf ogt, %get3A_3, %gt3A_4 : vector<256x512xf32>
    %jit3A = arith.constant 512 : i32
    %broadcast_in_dim3A = vector.broadcast %jit3A : i32 to vector<256x512xi32>
    %select_n3A = arith.select %gt3A_5, %broadcast_in_dim3A, %iota3A : vector<256x512xi1>, vector<256x512xi32>
    %broadcast_in_dim3A_6 = arith.constant -1 : i32
    %broadcast_in_dim3A_7 = vector.broadcast %broadcast_in_dim3A_6 : i32 to vector<256x1xi32>
    %gt3A_8 = vector.broadcast %broadcast_in_dim3A_7 : vector<256x1xi32> to vector<256x512xi32>
    %gt3A_9 = arith.cmpi sgt, %select_n3A, %gt3A_8 : vector<256x512xi32>
    %jit3A_10 = arith.constant 512 : i32
    %broadcast_in_dim3A_11 = vector.broadcast %jit3A_10 : i32 to vector<256x512xi32>
    %select_n3A_12 = arith.select %gt3A_9, %select_n3A, %broadcast_in_dim3A_11 : vector<256x512xi1>, vector<256x512xi32>
    %reduce_min3A = arith.constant dense<2147483647> : vector<256xi32>
    %reduce_min3A_13 = vector.multi_reduction <minsi>, %select_n3A_12, %reduce_min3A [1] : vector<256x512xi32> to vector<256xi32>
    %broadcast_in_dim3A_14 = vector.shape_cast %reduce_min3A_13 : vector<256xi32> to vector<256x1xi32>
    %gt3A_15 = vector.broadcast %broadcast_in_dim3A_14 : vector<256x1xi32> to vector<256x512xi32>
    %gt3A_16 = arith.cmpi sgt, %select_n3A, %gt3A_15 : vector<256x512xi32>
    %jit3A_17 = arith.constant 512 : i32
    %broadcast_in_dim3A_18 = vector.broadcast %jit3A_17 : i32 to vector<256x512xi32>
    %select_n3A_19 = arith.select %gt3A_16, %select_n3A, %broadcast_in_dim3A_18 : vector<256x512xi1>, vector<256x512xi32>
    %reduce_min3A_20 = arith.constant dense<2147483647> : vector<256xi32>
    %reduce_min3A_21 = vector.multi_reduction <minsi>, %select_n3A_19, %reduce_min3A_20 [1] : vector<256x512xi32> to vector<256xi32>
    %broadcast_in_dim3A_22 = vector.shape_cast %reduce_min3A_21 : vector<256xi32> to vector<256x1xi32>
    %gt3A_23 = vector.broadcast %broadcast_in_dim3A_22 : vector<256x1xi32> to vector<256x512xi32>
    %gt3A_24 = arith.cmpi sgt, %select_n3A, %gt3A_23 : vector<256x512xi32>
    %jit3A_25 = arith.constant 512 : i32
    %broadcast_in_dim3A_26 = vector.broadcast %jit3A_25 : i32 to vector<256x512xi32>
    %select_n3A_27 = arith.select %gt3A_24, %select_n3A, %broadcast_in_dim3A_26 : vector<256x512xi1>, vector<256x512xi32>
    %reduce_min3A_28 = arith.constant dense<2147483647> : vector<256xi32>
    %reduce_min3A_29 = vector.multi_reduction <minsi>, %select_n3A_27, %reduce_min3A_28 [1] : vector<256x512xi32> to vector<256xi32>
    %broadcast_in_dim3A_30 = vector.shape_cast %reduce_min3A_29 : vector<256xi32> to vector<256x1xi32>
    %gt3A_31 = vector.broadcast %broadcast_in_dim3A_30 : vector<256x1xi32> to vector<256x512xi32>
    %gt3A_32 = arith.cmpi sgt, %select_n3A, %gt3A_31 : vector<256x512xi32>
    %jit3A_33 = arith.constant 512 : i32
    %broadcast_in_dim3A_34 = vector.broadcast %jit3A_33 : i32 to vector<256x512xi32>
    %select_n3A_35 = arith.select %gt3A_32, %select_n3A, %broadcast_in_dim3A_34 : vector<256x512xi1>, vector<256x512xi32>
    %reduce_min3A_36 = arith.constant dense<2147483647> : vector<256xi32>
    %reduce_min3A_37 = vector.multi_reduction <minsi>, %select_n3A_35, %reduce_min3A_36 [1] : vector<256x512xi32> to vector<256xi32>
    %broadcast_in_dim3A_38 = vector.shape_cast %reduce_min3A_37 : vector<256xi32> to vector<256x1xi32>
    %gt3A_39 = vector.broadcast %broadcast_in_dim3A_38 : vector<256x1xi32> to vector<256x512xi32>
    %gt3A_40 = arith.cmpi sgt, %select_n3A, %gt3A_39 : vector<256x512xi32>
    %jit3A_41 = arith.constant 512 : i32
    %broadcast_in_dim3A_42 = vector.broadcast %jit3A_41 : i32 to vector<256x512xi32>
    %select_n3A_43 = arith.select %gt3A_40, %select_n3A, %broadcast_in_dim3A_42 : vector<256x512xi1>, vector<256x512xi32>
    %reduce_min3A_44 = arith.constant dense<2147483647> : vector<256xi32>
    %reduce_min3A_45 = vector.multi_reduction <minsi>, %select_n3A_43, %reduce_min3A_44 [1] : vector<256x512xi32> to vector<256xi32>
    %broadcast_in_dim3A_46 = vector.shape_cast %reduce_min3A_45 : vector<256xi32> to vector<256x1xi32>
    %gt3A_47 = vector.broadcast %broadcast_in_dim3A_46 : vector<256x1xi32> to vector<256x512xi32>
    %gt3A_48 = arith.cmpi sgt, %select_n3A, %gt3A_47 : vector<256x512xi32>
    %jit3A_49 = arith.constant 512 : i32
    %broadcast_in_dim3A_50 = vector.broadcast %jit3A_49 : i32 to vector<256x512xi32>
    %select_n3A_51 = arith.select %gt3A_48, %select_n3A, %broadcast_in_dim3A_50 : vector<256x512xi1>, vector<256x512xi32>
    %reduce_min3A_52 = arith.constant dense<2147483647> : vector<256xi32>
    %reduce_min3A_53 = vector.multi_reduction <minsi>, %select_n3A_51, %reduce_min3A_52 [1] : vector<256x512xi32> to vector<256xi32>
    %broadcast_in_dim3A_54 = vector.shape_cast %reduce_min3A_53 : vector<256xi32> to vector<256x1xi32>
    %gt3A_55 = vector.broadcast %broadcast_in_dim3A_54 : vector<256x1xi32> to vector<256x512xi32>
    %gt3A_56 = arith.cmpi sgt, %select_n3A, %gt3A_55 : vector<256x512xi32>
    %jit3A_57 = arith.constant 512 : i32
    %broadcast_in_dim3A_58 = vector.broadcast %jit3A_57 : i32 to vector<256x512xi32>
    %select_n3A_59 = arith.select %gt3A_56, %select_n3A, %broadcast_in_dim3A_58 : vector<256x512xi1>, vector<256x512xi32>
    %reduce_min3A_60 = arith.constant dense<2147483647> : vector<256xi32>
    %reduce_min3A_61 = vector.multi_reduction <minsi>, %select_n3A_59, %reduce_min3A_60 [1] : vector<256x512xi32> to vector<256xi32>
    %broadcast_in_dim3A_62 = vector.shape_cast %reduce_min3A_61 : vector<256xi32> to vector<256x1xi32>
    %gt3A_63 = vector.broadcast %broadcast_in_dim3A_62 : vector<256x1xi32> to vector<256x512xi32>
    %gt3A_64 = arith.cmpi sgt, %select_n3A, %gt3A_63 : vector<256x512xi32>
    %jit3A_65 = arith.constant 512 : i32
    %broadcast_in_dim3A_66 = vector.broadcast %jit3A_65 : i32 to vector<256x512xi32>
    %select_n3A_67 = arith.select %gt3A_64, %select_n3A, %broadcast_in_dim3A_66 : vector<256x512xi1>, vector<256x512xi32>
    %reduce_min3A_68 = arith.constant dense<2147483647> : vector<256xi32>
    %reduce_min3A_69 = vector.multi_reduction <minsi>, %select_n3A_67, %reduce_min3A_68 [1] : vector<256x512xi32> to vector<256xi32>
    %broadcast_in_dim3A_70 = vector.shape_cast %reduce_min3A_69 : vector<256xi32> to vector<256x1xi32>
    %gt3A_71 = vector.broadcast %broadcast_in_dim3A_70 : vector<256x1xi32> to vector<256x512xi32>
    %gt3A_72 = arith.cmpi sgt, %select_n3A, %gt3A_71 : vector<256x512xi32>
    %jit3A_73 = arith.constant 512 : i32
    %broadcast_in_dim3A_74 = vector.broadcast %jit3A_73 : i32 to vector<256x512xi32>
    %select_n3A_75 = arith.select %gt3A_72, %select_n3A, %broadcast_in_dim3A_74 : vector<256x512xi1>, vector<256x512xi32>
    %reduce_min3A_76 = arith.constant dense<2147483647> : vector<256xi32>
    %reduce_min3A_77 = vector.multi_reduction <minsi>, %select_n3A_75, %reduce_min3A_76 [1] : vector<256x512xi32> to vector<256xi32>
    %broadcast_in_dim3A_78 = vector.shape_cast %reduce_min3A_77 : vector<256xi32> to vector<256x1xi32>
    %gt3A_79 = vector.broadcast %broadcast_in_dim3A_78 : vector<256x1xi32> to vector<256x512xi32>
    %gt3A_80 = arith.cmpi sgt, %select_n3A, %gt3A_79 : vector<256x512xi32>
    %jit3A_81 = arith.constant 512 : i32
    %broadcast_in_dim3A_82 = vector.broadcast %jit3A_81 : i32 to vector<256x512xi32>
    %select_n3A_83 = arith.select %gt3A_80, %select_n3A, %broadcast_in_dim3A_82 : vector<256x512xi1>, vector<256x512xi32>
    %reduce_min3A_84 = arith.constant dense<2147483647> : vector<256xi32>
    %reduce_min3A_85 = vector.multi_reduction <minsi>, %select_n3A_83, %reduce_min3A_84 [1] : vector<256x512xi32> to vector<256xi32>
    %broadcast_in_dim3A_86 = vector.shape_cast %reduce_min3A_85 : vector<256xi32> to vector<256x1xi32>
    %gt3A_87 = vector.broadcast %broadcast_in_dim3A_86 : vector<256x1xi32> to vector<256x512xi32>
    %gt3A_88 = arith.cmpi sgt, %select_n3A, %gt3A_87 : vector<256x512xi32>
    %jit3A_89 = arith.constant 512 : i32
    %broadcast_in_dim3A_90 = vector.broadcast %jit3A_89 : i32 to vector<256x512xi32>
    %select_n3A_91 = arith.select %gt3A_88, %select_n3A, %broadcast_in_dim3A_90 : vector<256x512xi1>, vector<256x512xi32>
    %reduce_min3A_92 = arith.constant dense<2147483647> : vector<256xi32>
    %reduce_min3A_93 = vector.multi_reduction <minsi>, %select_n3A_91, %reduce_min3A_92 [1] : vector<256x512xi32> to vector<256xi32>
    %broadcast_in_dim3A_94 = vector.shape_cast %reduce_min3A_93 : vector<256xi32> to vector<256x1xi32>
    %gt3A_95 = vector.broadcast %broadcast_in_dim3A_94 : vector<256x1xi32> to vector<256x512xi32>
    %gt3A_96 = arith.cmpi sgt, %select_n3A, %gt3A_95 : vector<256x512xi32>
    %jit3A_97 = arith.constant 512 : i32
    %broadcast_in_dim3A_98 = vector.broadcast %jit3A_97 : i32 to vector<256x512xi32>
    %select_n3A_99 = arith.select %gt3A_96, %select_n3A, %broadcast_in_dim3A_98 : vector<256x512xi1>, vector<256x512xi32>
    %reduce_min3A_100 = arith.constant dense<2147483647> : vector<256xi32>
    %reduce_min3A_101 = vector.multi_reduction <minsi>, %select_n3A_99, %reduce_min3A_100 [1] : vector<256x512xi32> to vector<256xi32>
    %broadcast_in_dim3A_102 = vector.shape_cast %reduce_min3A_101 : vector<256xi32> to vector<256x1xi32>
    %gt3A_103 = vector.broadcast %broadcast_in_dim3A_102 : vector<256x1xi32> to vector<256x512xi32>
    %gt3A_104 = arith.cmpi sgt, %select_n3A, %gt3A_103 : vector<256x512xi32>
    %jit3A_105 = arith.constant 512 : i32
    %broadcast_in_dim3A_106 = vector.broadcast %jit3A_105 : i32 to vector<256x512xi32>
    %select_n3A_107 = arith.select %gt3A_104, %select_n3A, %broadcast_in_dim3A_106 : vector<256x512xi1>, vector<256x512xi32>
    %reduce_min3A_108 = arith.constant dense<2147483647> : vector<256xi32>
    %reduce_min3A_109 = vector.multi_reduction <minsi>, %select_n3A_107, %reduce_min3A_108 [1] : vector<256x512xi32> to vector<256xi32>
    %broadcast_in_dim3A_110 = vector.shape_cast %reduce_min3A_109 : vector<256xi32> to vector<256x1xi32>
    %gt3A_111 = vector.broadcast %broadcast_in_dim3A_110 : vector<256x1xi32> to vector<256x512xi32>
    %gt3A_112 = arith.cmpi sgt, %select_n3A, %gt3A_111 : vector<256x512xi32>
    %jit3A_113 = arith.constant 512 : i32
    %broadcast_in_dim3A_114 = vector.broadcast %jit3A_113 : i32 to vector<256x512xi32>
    %select_n3A_115 = arith.select %gt3A_112, %select_n3A, %broadcast_in_dim3A_114 : vector<256x512xi1>, vector<256x512xi32>
    %reduce_min3A_116 = arith.constant dense<2147483647> : vector<256xi32>
    %reduce_min3A_117 = vector.multi_reduction <minsi>, %select_n3A_115, %reduce_min3A_116 [1] : vector<256x512xi32> to vector<256xi32>
    %broadcast_in_dim3A_118 = vector.shape_cast %reduce_min3A_117 : vector<256xi32> to vector<256x1xi32>
    %gt3A_119 = vector.broadcast %broadcast_in_dim3A_118 : vector<256x1xi32> to vector<256x512xi32>
    %gt3A_120 = arith.cmpi sgt, %select_n3A, %gt3A_119 : vector<256x512xi32>
    %jit3A_121 = arith.constant 512 : i32
    %broadcast_in_dim3A_122 = vector.broadcast %jit3A_121 : i32 to vector<256x512xi32>
    %select_n3A_123 = arith.select %gt3A_120, %select_n3A, %broadcast_in_dim3A_122 : vector<256x512xi1>, vector<256x512xi32>
    %reduce_min3A_124 = arith.constant dense<2147483647> : vector<256xi32>
    %reduce_min3A_125 = vector.multi_reduction <minsi>, %select_n3A_123, %reduce_min3A_124 [1] : vector<256x512xi32> to vector<256xi32>
    %broadcast_in_dim3A_126 = vector.shape_cast %reduce_min3A_125 : vector<256xi32> to vector<256x1xi32>
    %gt3A_127 = vector.broadcast %broadcast_in_dim3A_126 : vector<256x1xi32> to vector<256x512xi32>
    %gt3A_128 = arith.cmpi sgt, %select_n3A, %gt3A_127 : vector<256x512xi32>
    %jit3A_129 = arith.constant 512 : i32
    %broadcast_in_dim3A_130 = vector.broadcast %jit3A_129 : i32 to vector<256x512xi32>
    %select_n3A_131 = arith.select %gt3A_128, %select_n3A, %broadcast_in_dim3A_130 : vector<256x512xi1>, vector<256x512xi32>
    %reduce_min3A_132 = arith.constant dense<2147483647> : vector<256xi32>
    %reduce_min3A_133 = vector.multi_reduction <minsi>, %select_n3A_131, %reduce_min3A_132 [1] : vector<256x512xi32> to vector<256xi32>
    %broadcast_in_dim3A_134 = vector.shape_cast %reduce_min3A_133 : vector<256xi32> to vector<256x1xi32>
    %concatenate3A = tpu.concatenate %broadcast_in_dim3A_14, %broadcast_in_dim3A_22, %broadcast_in_dim3A_30, %broadcast_in_dim3A_38, %broadcast_in_dim3A_46, %broadcast_in_dim3A_54, %broadcast_in_dim3A_62, %broadcast_in_dim3A_70, %broadcast_in_dim3A_78, %broadcast_in_dim3A_86, %broadcast_in_dim3A_94, %broadcast_in_dim3A_102, %broadcast_in_dim3A_110, %broadcast_in_dim3A_118, %broadcast_in_dim3A_126, %broadcast_in_dim3A_134 in 1 : vector<256x1xi32>, vector<256x1xi32>, vector<256x1xi32>, vector<256x1xi32>, vector<256x1xi32>, vector<256x1xi32>, vector<256x1xi32>, vector<256x1xi32>, vector<256x1xi32>, vector<256x1xi32>, vector<256x1xi32>, vector<256x1xi32>, vector<256x1xi32>, vector<256x1xi32>, vector<256x1xi32>, vector<256x1xi32> -> vector<256x16xi32>
    %broadcast_in_dim3A_135 = vector.shape_cast %broadcast_in_dim3A_14 : vector<256x1xi32> to vector<256x1xi32>
    %broadcast_in_dim3A_136 = vector.broadcast %broadcast_in_dim3A_135 : vector<256x1xi32> to vector<256x16xi32>
    %eq3A = arith.constant 512 : i32
    %eq3A_137 = vector.broadcast %eq3A : i32 to vector<256x16xi32>
    %eq3A_138 = arith.cmpi eq, %concatenate3A, %eq3A_137 : vector<256x16xi32>
    %select_n3A_139 = arith.select %eq3A_138, %broadcast_in_dim3A_136, %concatenate3A : vector<256x16xi1>, vector<256x16xi32>
    %swap3A = arith.constant 0 : index
    %swap3A_140 = arith.constant 0 : index
    %swap3A_141 = arith.constant 0 : index
    %swap3A_142 = vector.load %arg3[%swap3A, %swap3A_140, %swap3A_141] : memref<1x256x16xi32, #tpu.memory_space<vmem>>, vector<1x256x16xi32>
    %swap3A_143 = vector.shape_cast %swap3A_142 : vector<1x256x16xi32> to vector<256x16xi32>
    %swap3A_144 = vector.shape_cast %select_n3A_139 : vector<256x16xi32> to vector<1x256x16xi32>
    tpu.vector_store %arg3[%swap3A, %swap3A_140, %swap3A_141], %swap3A_144 {strides = array<i32>} : memref<1x256x16xi32, #tpu.memory_space<vmem>>, vector<1x256x16xi32>,
    return
  }
  func.func @transform_0(%arg0: i32, %arg1: i32) -> (i32, i32, i32) {
    %c0_i32 = arith.constant 0 : i32
    %c0_i32_0 = arith.constant 0 : i32
    return %arg0, %arg1, %c0_i32 : i32, i32, i32
  }
  func.func @transform_1(%arg0: i32, %arg1: i32) -> (i32, i32, i32) {
    %c0_i32 = arith.constant 0 : i32
    %c0_i32_0 = arith.constant 0 : i32
    return %arg0, %arg1, %c0_i32 : i32, i32, i32
  }
}

module attributes {stable_mosaic.version = 14 : i64} {
  func.func @_ballq_kernel(%arg0: i32, %arg1: i32, %arg2: memref<1x256x512xf32, #tpu.memory_space<vmem>>, %arg3: memref<1x256x32xi32, #tpu.memory_space<vmem>>) attributes {dimension_semantics = [#tpu.dimension_semantics<arbitrary>, #tpu.dimension_semantics<arbitrary>], iteration_bounds = array<i64: 4, 1>, scalar_prefetch = 0 : i64, scratch_operands = 0 : i64, tpu.core_type = #tpu.core_type<tc>, window_params = [{transform_indices = @transform_0, window_bounds = array<i64: 1, 256, 512>}, {transform_indices = @transform_1, window_bounds = array<i64: 1, 256, 32>}]} {
    %get3A = arith.constant 0 : index
    %get3A_0 = arith.constant 0 : index
    %get3A_1 = arith.constant 0 : index
    %get3A_2 = vector.load %arg2[%get3A, %get3A_0, %get3A_1] : memref<1x256x512xf32, #tpu.memory_space<vmem>>, vector<1x256x512xf32>
    %get3A_3 = vector.shape_cast %get3A_2 : vector<1x256x512xf32> to vector<256x512xf32>
    %iota3A = tpu.iota {dimensions = array<i32: 1>} : vector<256x512xi32>
    %gt3A = arith.constant 4.000000e+02 : f32
    %gt3A_4 = vector.broadcast %gt3A : f32 to vector<256x512xf32>
    %gt3A_5 = arith.cmpf ogt, %get3A_3, %gt3A_4 : vector<256x512xf32>
    %jit3A = arith.constant 512 : i32
    %broadcast_in_dim3A = vector.broadcast %jit3A : i32 to vector<256x512xi32>
    %select_n3A = arith.select %gt3A_5, %broadcast_in_dim3A, %iota3A : vector<256x512xi1>, vector<256x512xi32>
    %broadcast_in_dim3A_6 = arith.constant -1 : i32
    %broadcast_in_dim3A_7 = vector.broadcast %broadcast_in_dim3A_6 : i32 to vector<256x1xi32>
    %gt3A_8 = vector.broadcast %broadcast_in_dim3A_7 : vector<256x1xi32> to vector<256x512xi32>
    %gt3A_9 = arith.cmpi sgt, %select_n3A, %gt3A_8 : vector<256x512xi32>
    %jit3A_10 = arith.constant 512 : i32
    %broadcast_in_dim3A_11 = vector.broadcast %jit3A_10 : i32 to vector<256x512xi32>
    %select_n3A_12 = arith.select %gt3A_9, %select_n3A, %broadcast_in_dim3A_11 : vector<256x512xi1>, vector<256x512xi32>
    %reduce_min3A = arith.constant dense<2147483647> : vector<256xi32>
    %reduce_min3A_13 = vector.multi_reduction <minsi>, %select_n3A_12, %reduce_min3A [1] : vector<256x512xi32> to vector<256xi32>
    %broadcast_in_dim3A_14 = vector.shape_cast %reduce_min3A_13 : vector<256xi32> to vector<256x1xi32>
    %gt3A_15 = vector.broadcast %broadcast_in_dim3A_14 : vector<256x1xi32> to vector<256x512xi32>
    %gt3A_16 = arith.cmpi sgt, %select_n3A, %gt3A_15 : vector<256x512xi32>
    %jit3A_17 = arith.constant 512 : i32
    %broadcast_in_dim3A_18 = vector.broadcast %jit3A_17 : i32 to vector<256x512xi32>
    %select_n3A_19 = arith.select %gt3A_16, %select_n3A, %broadcast_in_dim3A_18 : vector<256x512xi1>, vector<256x512xi32>
    %reduce_min3A_20 = arith.constant dense<2147483647> : vector<256xi32>
    %reduce_min3A_21 = vector.multi_reduction <minsi>, %select_n3A_19, %reduce_min3A_20 [1] : vector<256x512xi32> to vector<256xi32>
    %broadcast_in_dim3A_22 = vector.shape_cast %reduce_min3A_21 : vector<256xi32> to vector<256x1xi32>
    %gt3A_23 = vector.broadcast %broadcast_in_dim3A_22 : vector<256x1xi32> to vector<256x512xi32>
    %gt3A_24 = arith.cmpi sgt, %select_n3A, %gt3A_23 : vector<256x512xi32>
    %jit3A_25 = arith.constant 512 : i32
    %broadcast_in_dim3A_26 = vector.broadcast %jit3A_25 : i32 to vector<256x512xi32>
    %select_n3A_27 = arith.select %gt3A_24, %select_n3A, %broadcast_in_dim3A_26 : vector<256x512xi1>, vector<256x512xi32>
    %reduce_min3A_28 = arith.constant dense<2147483647> : vector<256xi32>
    %reduce_min3A_29 = vector.multi_reduction <minsi>, %select_n3A_27, %reduce_min3A_28 [1] : vector<256x512xi32> to vector<256xi32>
    %broadcast_in_dim3A_30 = vector.shape_cast %reduce_min3A_29 : vector<256xi32> to vector<256x1xi32>
    %gt3A_31 = vector.broadcast %broadcast_in_dim3A_30 : vector<256x1xi32> to vector<256x512xi32>
    %gt3A_32 = arith.cmpi sgt, %select_n3A, %gt3A_31 : vector<256x512xi32>
    %jit3A_33 = arith.constant 512 : i32
    %broadcast_in_dim3A_34 = vector.broadcast %jit3A_33 : i32 to vector<256x512xi32>
    %select_n3A_35 = arith.select %gt3A_32, %select_n3A, %broadcast_in_dim3A_34 : vector<256x512xi1>, vector<256x512xi32>
    %reduce_min3A_36 = arith.constant dense<2147483647> : vector<256xi32>
    %reduce_min3A_37 = vector.multi_reduction <minsi>, %select_n3A_35, %reduce_min3A_36 [1] : vector<256x512xi32> to vector<256xi32>
    %broadcast_in_dim3A_38 = vector.shape_cast %reduce_min3A_37 : vector<256xi32> to vector<256x1xi32>
    %gt3A_39 = vector.broadcast %broadcast_in_dim3A_38 : vector<256x1xi32> to vector<256x512xi32>
    %gt3A_40 = arith.cmpi sgt, %select_n3A, %gt3A_39 : vector<256x512xi32>
    %jit3A_41 = arith.constant 512 : i32
    %broadcast_in_dim3A_42 = vector.broadcast %jit3A_41 : i32 to vector<256x512xi32>
    %select_n3A_43 = arith.select %gt3A_40, %select_n3A, %broadcast_in_dim3A_42 : vector<256x512xi1>, vector<256x512xi32>
    %reduce_min3A_44 = arith.constant dense<2147483647> : vector<256xi32>
    %reduce_min3A_45 = vector.multi_reduction <minsi>, %select_n3A_43, %reduce_min3A_44 [1] : vector<256x512xi32> to vector<256xi32>
    %broadcast_in_dim3A_46 = vector.shape_cast %reduce_min3A_45 : vector<256xi32> to vector<256x1xi32>
    %gt3A_47 = vector.broadcast %broadcast_in_dim3A_46 : vector<256x1xi32> to vector<256x512xi32>
    %gt3A_48 = arith.cmpi sgt, %select_n3A, %gt3A_47 : vector<256x512xi32>
    %jit3A_49 = arith.constant 512 : i32
    %broadcast_in_dim3A_50 = vector.broadcast %jit3A_49 : i32 to vector<256x512xi32>
    %select_n3A_51 = arith.select %gt3A_48, %select_n3A, %broadcast_in_dim3A_50 : vector<256x512xi1>, vector<256x512xi32>
    %reduce_min3A_52 = arith.constant dense<2147483647> : vector<256xi32>
    %reduce_min3A_53 = vector.multi_reduction <minsi>, %select_n3A_51, %reduce_min3A_52 [1] : vector<256x512xi32> to vector<256xi32>
    %broadcast_in_dim3A_54 = vector.shape_cast %reduce_min3A_53 : vector<256xi32> to vector<256x1xi32>
    %gt3A_55 = vector.broadcast %broadcast_in_dim3A_54 : vector<256x1xi32> to vector<256x512xi32>
    %gt3A_56 = arith.cmpi sgt, %select_n3A, %gt3A_55 : vector<256x512xi32>
    %jit3A_57 = arith.constant 512 : i32
    %broadcast_in_dim3A_58 = vector.broadcast %jit3A_57 : i32 to vector<256x512xi32>
    %select_n3A_59 = arith.select %gt3A_56, %select_n3A, %broadcast_in_dim3A_58 : vector<256x512xi1>, vector<256x512xi32>
    %reduce_min3A_60 = arith.constant dense<2147483647> : vector<256xi32>
    %reduce_min3A_61 = vector.multi_reduction <minsi>, %select_n3A_59, %reduce_min3A_60 [1] : vector<256x512xi32> to vector<256xi32>
    %broadcast_in_dim3A_62 = vector.shape_cast %reduce_min3A_61 : vector<256xi32> to vector<256x1xi32>
    %gt3A_63 = vector.broadcast %broadcast_in_dim3A_62 : vector<256x1xi32> to vector<256x512xi32>
    %gt3A_64 = arith.cmpi sgt, %select_n3A, %gt3A_63 : vector<256x512xi32>
    %jit3A_65 = arith.constant 512 : i32
    %broadcast_in_dim3A_66 = vector.broadcast %jit3A_65 : i32 to vector<256x512xi32>
    %select_n3A_67 = arith.select %gt3A_64, %select_n3A, %broadcast_in_dim3A_66 : vector<256x512xi1>, vector<256x512xi32>
    %reduce_min3A_68 = arith.constant dense<2147483647> : vector<256xi32>
    %reduce_min3A_69 = vector.multi_reduction <minsi>, %select_n3A_67, %reduce_min3A_68 [1] : vector<256x512xi32> to vector<256xi32>
    %broadcast_in_dim3A_70 = vector.shape_cast %reduce_min3A_69 : vector<256xi32> to vector<256x1xi32>
    %gt3A_71 = vector.broadcast %broadcast_in_dim3A_70 : vector<256x1xi32> to vector<256x512xi32>
    %gt3A_72 = arith.cmpi sgt, %select_n3A, %gt3A_71 : vector<256x512xi32>
    %jit3A_73 = arith.constant 512 : i32
    %broadcast_in_dim3A_74 = vector.broadcast %jit3A_73 : i32 to vector<256x512xi32>
    %select_n3A_75 = arith.select %gt3A_72, %select_n3A, %broadcast_in_dim3A_74 : vector<256x512xi1>, vector<256x512xi32>
    %reduce_min3A_76 = arith.constant dense<2147483647> : vector<256xi32>
    %reduce_min3A_77 = vector.multi_reduction <minsi>, %select_n3A_75, %reduce_min3A_76 [1] : vector<256x512xi32> to vector<256xi32>
    %broadcast_in_dim3A_78 = vector.shape_cast %reduce_min3A_77 : vector<256xi32> to vector<256x1xi32>
    %gt3A_79 = vector.broadcast %broadcast_in_dim3A_78 : vector<256x1xi32> to vector<256x512xi32>
    %gt3A_80 = arith.cmpi sgt, %select_n3A, %gt3A_79 : vector<256x512xi32>
    %jit3A_81 = arith.constant 512 : i32
    %broadcast_in_dim3A_82 = vector.broadcast %jit3A_81 : i32 to vector<256x512xi32>
    %select_n3A_83 = arith.select %gt3A_80, %select_n3A, %broadcast_in_dim3A_82 : vector<256x512xi1>, vector<256x512xi32>
    %reduce_min3A_84 = arith.constant dense<2147483647> : vector<256xi32>
    %reduce_min3A_85 = vector.multi_reduction <minsi>, %select_n3A_83, %reduce_min3A_84 [1] : vector<256x512xi32> to vector<256xi32>
    %broadcast_in_dim3A_86 = vector.shape_cast %reduce_min3A_85 : vector<256xi32> to vector<256x1xi32>
    %gt3A_87 = vector.broadcast %broadcast_in_dim3A_86 : vector<256x1xi32> to vector<256x512xi32>
    %gt3A_88 = arith.cmpi sgt, %select_n3A, %gt3A_87 : vector<256x512xi32>
    %jit3A_89 = arith.constant 512 : i32
    %broadcast_in_dim3A_90 = vector.broadcast %jit3A_89 : i32 to vector<256x512xi32>
    %select_n3A_91 = arith.select %gt3A_88, %select_n3A, %broadcast_in_dim3A_90 : vector<256x512xi1>, vector<256x512xi32>
    %reduce_min3A_92 = arith.constant dense<2147483647> : vector<256xi32>
    %reduce_min3A_93 = vector.multi_reduction <minsi>, %select_n3A_91, %reduce_min3A_92 [1] : vector<256x512xi32> to vector<256xi32>
    %broadcast_in_dim3A_94 = vector.shape_cast %reduce_min3A_93 : vector<256xi32> to vector<256x1xi32>
    %gt3A_95 = vector.broadcast %broadcast_in_dim3A_94 : vector<256x1xi32> to vector<256x512xi32>
    %gt3A_96 = arith.cmpi sgt, %select_n3A, %gt3A_95 : vector<256x512xi32>
    %jit3A_97 = arith.constant 512 : i32
    %broadcast_in_dim3A_98 = vector.broadcast %jit3A_97 : i32 to vector<256x512xi32>
    %select_n3A_99 = arith.select %gt3A_96, %select_n3A, %broadcast_in_dim3A_98 : vector<256x512xi1>, vector<256x512xi32>
    %reduce_min3A_100 = arith.constant dense<2147483647> : vector<256xi32>
    %reduce_min3A_101 = vector.multi_reduction <minsi>, %select_n3A_99, %reduce_min3A_100 [1] : vector<256x512xi32> to vector<256xi32>
    %broadcast_in_dim3A_102 = vector.shape_cast %reduce_min3A_101 : vector<256xi32> to vector<256x1xi32>
    %gt3A_103 = vector.broadcast %broadcast_in_dim3A_102 : vector<256x1xi32> to vector<256x512xi32>
    %gt3A_104 = arith.cmpi sgt, %select_n3A, %gt3A_103 : vector<256x512xi32>
    %jit3A_105 = arith.constant 512 : i32
    %broadcast_in_dim3A_106 = vector.broadcast %jit3A_105 : i32 to vector<256x512xi32>
    %select_n3A_107 = arith.select %gt3A_104, %select_n3A, %broadcast_in_dim3A_106 : vector<256x512xi1>, vector<256x512xi32>
    %reduce_min3A_108 = arith.constant dense<2147483647> : vector<256xi32>
    %reduce_min3A_109 = vector.multi_reduction <minsi>, %select_n3A_107, %reduce_min3A_108 [1] : vector<256x512xi32> to vector<256xi32>
    %broadcast_in_dim3A_110 = vector.shape_cast %reduce_min3A_109 : vector<256xi32> to vector<256x1xi32>
    %gt3A_111 = vector.broadcast %broadcast_in_dim3A_110 : vector<256x1xi32> to vector<256x512xi32>
    %gt3A_112 = arith.cmpi sgt, %select_n3A, %gt3A_111 : vector<256x512xi32>
    %jit3A_113 = arith.constant 512 : i32
    %broadcast_in_dim3A_114 = vector.broadcast %jit3A_113 : i32 to vector<256x512xi32>
    %select_n3A_115 = arith.select %gt3A_112, %select_n3A, %broadcast_in_dim3A_114 : vector<256x512xi1>, vector<256x512xi32>
    %reduce_min3A_116 = arith.constant dense<2147483647> : vector<256xi32>
    %reduce_min3A_117 = vector.multi_reduction <minsi>, %select_n3A_115, %reduce_min3A_116 [1] : vector<256x512xi32> to vector<256xi32>
    %broadcast_in_dim3A_118 = vector.shape_cast %reduce_min3A_117 : vector<256xi32> to vector<256x1xi32>
    %gt3A_119 = vector.broadcast %broadcast_in_dim3A_118 : vector<256x1xi32> to vector<256x512xi32>
    %gt3A_120 = arith.cmpi sgt, %select_n3A, %gt3A_119 : vector<256x512xi32>
    %jit3A_121 = arith.constant 512 : i32
    %broadcast_in_dim3A_122 = vector.broadcast %jit3A_121 : i32 to vector<256x512xi32>
    %select_n3A_123 = arith.select %gt3A_120, %select_n3A, %broadcast_in_dim3A_122 : vector<256x512xi1>, vector<256x512xi32>
    %reduce_min3A_124 = arith.constant dense<2147483647> : vector<256xi32>
    %reduce_min3A_125 = vector.multi_reduction <minsi>, %select_n3A_123, %reduce_min3A_124 [1] : vector<256x512xi32> to vector<256xi32>
    %broadcast_in_dim3A_126 = vector.shape_cast %reduce_min3A_125 : vector<256xi32> to vector<256x1xi32>
    %gt3A_127 = vector.broadcast %broadcast_in_dim3A_126 : vector<256x1xi32> to vector<256x512xi32>
    %gt3A_128 = arith.cmpi sgt, %select_n3A, %gt3A_127 : vector<256x512xi32>
    %jit3A_129 = arith.constant 512 : i32
    %broadcast_in_dim3A_130 = vector.broadcast %jit3A_129 : i32 to vector<256x512xi32>
    %select_n3A_131 = arith.select %gt3A_128, %select_n3A, %broadcast_in_dim3A_130 : vector<256x512xi1>, vector<256x512xi32>
    %reduce_min3A_132 = arith.constant dense<2147483647> : vector<256xi32>
    %reduce_min3A_133 = vector.multi_reduction <minsi>, %select_n3A_131, %reduce_min3A_132 [1] : vector<256x512xi32> to vector<256xi32>
    %broadcast_in_dim3A_134 = vector.shape_cast %reduce_min3A_133 : vector<256xi32> to vector<256x1xi32>
    %gt3A_135 = vector.broadcast %broadcast_in_dim3A_134 : vector<256x1xi32> to vector<256x512xi32>
    %gt3A_136 = arith.cmpi sgt, %select_n3A, %gt3A_135 : vector<256x512xi32>
    %jit3A_137 = arith.constant 512 : i32
    %broadcast_in_dim3A_138 = vector.broadcast %jit3A_137 : i32 to vector<256x512xi32>
    %select_n3A_139 = arith.select %gt3A_136, %select_n3A, %broadcast_in_dim3A_138 : vector<256x512xi1>, vector<256x512xi32>
    %reduce_min3A_140 = arith.constant dense<2147483647> : vector<256xi32>
    %reduce_min3A_141 = vector.multi_reduction <minsi>, %select_n3A_139, %reduce_min3A_140 [1] : vector<256x512xi32> to vector<256xi32>
    %broadcast_in_dim3A_142 = vector.shape_cast %reduce_min3A_141 : vector<256xi32> to vector<256x1xi32>
    %gt3A_143 = vector.broadcast %broadcast_in_dim3A_142 : vector<256x1xi32> to vector<256x512xi32>
    %gt3A_144 = arith.cmpi sgt, %select_n3A, %gt3A_143 : vector<256x512xi32>
    %jit3A_145 = arith.constant 512 : i32
    %broadcast_in_dim3A_146 = vector.broadcast %jit3A_145 : i32 to vector<256x512xi32>
    %select_n3A_147 = arith.select %gt3A_144, %select_n3A, %broadcast_in_dim3A_146 : vector<256x512xi1>, vector<256x512xi32>
    %reduce_min3A_148 = arith.constant dense<2147483647> : vector<256xi32>
    %reduce_min3A_149 = vector.multi_reduction <minsi>, %select_n3A_147, %reduce_min3A_148 [1] : vector<256x512xi32> to vector<256xi32>
    %broadcast_in_dim3A_150 = vector.shape_cast %reduce_min3A_149 : vector<256xi32> to vector<256x1xi32>
    %gt3A_151 = vector.broadcast %broadcast_in_dim3A_150 : vector<256x1xi32> to vector<256x512xi32>
    %gt3A_152 = arith.cmpi sgt, %select_n3A, %gt3A_151 : vector<256x512xi32>
    %jit3A_153 = arith.constant 512 : i32
    %broadcast_in_dim3A_154 = vector.broadcast %jit3A_153 : i32 to vector<256x512xi32>
    %select_n3A_155 = arith.select %gt3A_152, %select_n3A, %broadcast_in_dim3A_154 : vector<256x512xi1>, vector<256x512xi32>
    %reduce_min3A_156 = arith.constant dense<2147483647> : vector<256xi32>
    %reduce_min3A_157 = vector.multi_reduction <minsi>, %select_n3A_155, %reduce_min3A_156 [1] : vector<256x512xi32> to vector<256xi32>
    %broadcast_in_dim3A_158 = vector.shape_cast %reduce_min3A_157 : vector<256xi32> to vector<256x1xi32>
    %gt3A_159 = vector.broadcast %broadcast_in_dim3A_158 : vector<256x1xi32> to vector<256x512xi32>
    %gt3A_160 = arith.cmpi sgt, %select_n3A, %gt3A_159 : vector<256x512xi32>
    %jit3A_161 = arith.constant 512 : i32
    %broadcast_in_dim3A_162 = vector.broadcast %jit3A_161 : i32 to vector<256x512xi32>
    %select_n3A_163 = arith.select %gt3A_160, %select_n3A, %broadcast_in_dim3A_162 : vector<256x512xi1>, vector<256x512xi32>
    %reduce_min3A_164 = arith.constant dense<2147483647> : vector<256xi32>
    %reduce_min3A_165 = vector.multi_reduction <minsi>, %select_n3A_163, %reduce_min3A_164 [1] : vector<256x512xi32> to vector<256xi32>
    %broadcast_in_dim3A_166 = vector.shape_cast %reduce_min3A_165 : vector<256xi32> to vector<256x1xi32>
    %gt3A_167 = vector.broadcast %broadcast_in_dim3A_166 : vector<256x1xi32> to vector<256x512xi32>
    %gt3A_168 = arith.cmpi sgt, %select_n3A, %gt3A_167 : vector<256x512xi32>
    %jit3A_169 = arith.constant 512 : i32
    %broadcast_in_dim3A_170 = vector.broadcast %jit3A_169 : i32 to vector<256x512xi32>
    %select_n3A_171 = arith.select %gt3A_168, %select_n3A, %broadcast_in_dim3A_170 : vector<256x512xi1>, vector<256x512xi32>
    %reduce_min3A_172 = arith.constant dense<2147483647> : vector<256xi32>
    %reduce_min3A_173 = vector.multi_reduction <minsi>, %select_n3A_171, %reduce_min3A_172 [1] : vector<256x512xi32> to vector<256xi32>
    %broadcast_in_dim3A_174 = vector.shape_cast %reduce_min3A_173 : vector<256xi32> to vector<256x1xi32>
    %gt3A_175 = vector.broadcast %broadcast_in_dim3A_174 : vector<256x1xi32> to vector<256x512xi32>
    %gt3A_176 = arith.cmpi sgt, %select_n3A, %gt3A_175 : vector<256x512xi32>
    %jit3A_177 = arith.constant 512 : i32
    %broadcast_in_dim3A_178 = vector.broadcast %jit3A_177 : i32 to vector<256x512xi32>
    %select_n3A_179 = arith.select %gt3A_176, %select_n3A, %broadcast_in_dim3A_178 : vector<256x512xi1>, vector<256x512xi32>
    %reduce_min3A_180 = arith.constant dense<2147483647> : vector<256xi32>
    %reduce_min3A_181 = vector.multi_reduction <minsi>, %select_n3A_179, %reduce_min3A_180 [1] : vector<256x512xi32> to vector<256xi32>
    %broadcast_in_dim3A_182 = vector.shape_cast %reduce_min3A_181 : vector<256xi32> to vector<256x1xi32>
    %gt3A_183 = vector.broadcast %broadcast_in_dim3A_182 : vector<256x1xi32> to vector<256x512xi32>
    %gt3A_184 = arith.cmpi sgt, %select_n3A, %gt3A_183 : vector<256x512xi32>
    %jit3A_185 = arith.constant 512 : i32
    %broadcast_in_dim3A_186 = vector.broadcast %jit3A_185 : i32 to vector<256x512xi32>
    %select_n3A_187 = arith.select %gt3A_184, %select_n3A, %broadcast_in_dim3A_186 : vector<256x512xi1>, vector<256x512xi32>
    %reduce_min3A_188 = arith.constant dense<2147483647> : vector<256xi32>
    %reduce_min3A_189 = vector.multi_reduction <minsi>, %select_n3A_187, %reduce_min3A_188 [1] : vector<256x512xi32> to vector<256xi32>
    %broadcast_in_dim3A_190 = vector.shape_cast %reduce_min3A_189 : vector<256xi32> to vector<256x1xi32>
    %gt3A_191 = vector.broadcast %broadcast_in_dim3A_190 : vector<256x1xi32> to vector<256x512xi32>
    %gt3A_192 = arith.cmpi sgt, %select_n3A, %gt3A_191 : vector<256x512xi32>
    %jit3A_193 = arith.constant 512 : i32
    %broadcast_in_dim3A_194 = vector.broadcast %jit3A_193 : i32 to vector<256x512xi32>
    %select_n3A_195 = arith.select %gt3A_192, %select_n3A, %broadcast_in_dim3A_194 : vector<256x512xi1>, vector<256x512xi32>
    %reduce_min3A_196 = arith.constant dense<2147483647> : vector<256xi32>
    %reduce_min3A_197 = vector.multi_reduction <minsi>, %select_n3A_195, %reduce_min3A_196 [1] : vector<256x512xi32> to vector<256xi32>
    %broadcast_in_dim3A_198 = vector.shape_cast %reduce_min3A_197 : vector<256xi32> to vector<256x1xi32>
    %gt3A_199 = vector.broadcast %broadcast_in_dim3A_198 : vector<256x1xi32> to vector<256x512xi32>
    %gt3A_200 = arith.cmpi sgt, %select_n3A, %gt3A_199 : vector<256x512xi32>
    %jit3A_201 = arith.constant 512 : i32
    %broadcast_in_dim3A_202 = vector.broadcast %jit3A_201 : i32 to vector<256x512xi32>
    %select_n3A_203 = arith.select %gt3A_200, %select_n3A, %broadcast_in_dim3A_202 : vector<256x512xi1>, vector<256x512xi32>
    %reduce_min3A_204 = arith.constant dense<2147483647> : vector<256xi32>
    %reduce_min3A_205 = vector.multi_reduction <minsi>, %select_n3A_203, %reduce_min3A_204 [1] : vector<256x512xi32> to vector<256xi32>
    %broadcast_in_dim3A_206 = vector.shape_cast %reduce_min3A_205 : vector<256xi32> to vector<256x1xi32>
    %gt3A_207 = vector.broadcast %broadcast_in_dim3A_206 : vector<256x1xi32> to vector<256x512xi32>
    %gt3A_208 = arith.cmpi sgt, %select_n3A, %gt3A_207 : vector<256x512xi32>
    %jit3A_209 = arith.constant 512 : i32
    %broadcast_in_dim3A_210 = vector.broadcast %jit3A_209 : i32 to vector<256x512xi32>
    %select_n3A_211 = arith.select %gt3A_208, %select_n3A, %broadcast_in_dim3A_210 : vector<256x512xi1>, vector<256x512xi32>
    %reduce_min3A_212 = arith.constant dense<2147483647> : vector<256xi32>
    %reduce_min3A_213 = vector.multi_reduction <minsi>, %select_n3A_211, %reduce_min3A_212 [1] : vector<256x512xi32> to vector<256xi32>
    %broadcast_in_dim3A_214 = vector.shape_cast %reduce_min3A_213 : vector<256xi32> to vector<256x1xi32>
    %gt3A_215 = vector.broadcast %broadcast_in_dim3A_214 : vector<256x1xi32> to vector<256x512xi32>
    %gt3A_216 = arith.cmpi sgt, %select_n3A, %gt3A_215 : vector<256x512xi32>
    %jit3A_217 = arith.constant 512 : i32
    %broadcast_in_dim3A_218 = vector.broadcast %jit3A_217 : i32 to vector<256x512xi32>
    %select_n3A_219 = arith.select %gt3A_216, %select_n3A, %broadcast_in_dim3A_218 : vector<256x512xi1>, vector<256x512xi32>
    %reduce_min3A_220 = arith.constant dense<2147483647> : vector<256xi32>
    %reduce_min3A_221 = vector.multi_reduction <minsi>, %select_n3A_219, %reduce_min3A_220 [1] : vector<256x512xi32> to vector<256xi32>
    %broadcast_in_dim3A_222 = vector.shape_cast %reduce_min3A_221 : vector<256xi32> to vector<256x1xi32>
    %gt3A_223 = vector.broadcast %broadcast_in_dim3A_222 : vector<256x1xi32> to vector<256x512xi32>
    %gt3A_224 = arith.cmpi sgt, %select_n3A, %gt3A_223 : vector<256x512xi32>
    %jit3A_225 = arith.constant 512 : i32
    %broadcast_in_dim3A_226 = vector.broadcast %jit3A_225 : i32 to vector<256x512xi32>
    %select_n3A_227 = arith.select %gt3A_224, %select_n3A, %broadcast_in_dim3A_226 : vector<256x512xi1>, vector<256x512xi32>
    %reduce_min3A_228 = arith.constant dense<2147483647> : vector<256xi32>
    %reduce_min3A_229 = vector.multi_reduction <minsi>, %select_n3A_227, %reduce_min3A_228 [1] : vector<256x512xi32> to vector<256xi32>
    %broadcast_in_dim3A_230 = vector.shape_cast %reduce_min3A_229 : vector<256xi32> to vector<256x1xi32>
    %gt3A_231 = vector.broadcast %broadcast_in_dim3A_230 : vector<256x1xi32> to vector<256x512xi32>
    %gt3A_232 = arith.cmpi sgt, %select_n3A, %gt3A_231 : vector<256x512xi32>
    %jit3A_233 = arith.constant 512 : i32
    %broadcast_in_dim3A_234 = vector.broadcast %jit3A_233 : i32 to vector<256x512xi32>
    %select_n3A_235 = arith.select %gt3A_232, %select_n3A, %broadcast_in_dim3A_234 : vector<256x512xi1>, vector<256x512xi32>
    %reduce_min3A_236 = arith.constant dense<2147483647> : vector<256xi32>
    %reduce_min3A_237 = vector.multi_reduction <minsi>, %select_n3A_235, %reduce_min3A_236 [1] : vector<256x512xi32> to vector<256xi32>
    %broadcast_in_dim3A_238 = vector.shape_cast %reduce_min3A_237 : vector<256xi32> to vector<256x1xi32>
    %gt3A_239 = vector.broadcast %broadcast_in_dim3A_238 : vector<256x1xi32> to vector<256x512xi32>
    %gt3A_240 = arith.cmpi sgt, %select_n3A, %gt3A_239 : vector<256x512xi32>
    %jit3A_241 = arith.constant 512 : i32
    %broadcast_in_dim3A_242 = vector.broadcast %jit3A_241 : i32 to vector<256x512xi32>
    %select_n3A_243 = arith.select %gt3A_240, %select_n3A, %broadcast_in_dim3A_242 : vector<256x512xi1>, vector<256x512xi32>
    %reduce_min3A_244 = arith.constant dense<2147483647> : vector<256xi32>
    %reduce_min3A_245 = vector.multi_reduction <minsi>, %select_n3A_243, %reduce_min3A_244 [1] : vector<256x512xi32> to vector<256xi32>
    %broadcast_in_dim3A_246 = vector.shape_cast %reduce_min3A_245 : vector<256xi32> to vector<256x1xi32>
    %gt3A_247 = vector.broadcast %broadcast_in_dim3A_246 : vector<256x1xi32> to vector<256x512xi32>
    %gt3A_248 = arith.cmpi sgt, %select_n3A, %gt3A_247 : vector<256x512xi32>
    %jit3A_249 = arith.constant 512 : i32
    %broadcast_in_dim3A_250 = vector.broadcast %jit3A_249 : i32 to vector<256x512xi32>
    %select_n3A_251 = arith.select %gt3A_248, %select_n3A, %broadcast_in_dim3A_250 : vector<256x512xi1>, vector<256x512xi32>
    %reduce_min3A_252 = arith.constant dense<2147483647> : vector<256xi32>
    %reduce_min3A_253 = vector.multi_reduction <minsi>, %select_n3A_251, %reduce_min3A_252 [1] : vector<256x512xi32> to vector<256xi32>
    %broadcast_in_dim3A_254 = vector.shape_cast %reduce_min3A_253 : vector<256xi32> to vector<256x1xi32>
    %gt3A_255 = vector.broadcast %broadcast_in_dim3A_254 : vector<256x1xi32> to vector<256x512xi32>
    %gt3A_256 = arith.cmpi sgt, %select_n3A, %gt3A_255 : vector<256x512xi32>
    %jit3A_257 = arith.constant 512 : i32
    %broadcast_in_dim3A_258 = vector.broadcast %jit3A_257 : i32 to vector<256x512xi32>
    %select_n3A_259 = arith.select %gt3A_256, %select_n3A, %broadcast_in_dim3A_258 : vector<256x512xi1>, vector<256x512xi32>
    %reduce_min3A_260 = arith.constant dense<2147483647> : vector<256xi32>
    %reduce_min3A_261 = vector.multi_reduction <minsi>, %select_n3A_259, %reduce_min3A_260 [1] : vector<256x512xi32> to vector<256xi32>
    %broadcast_in_dim3A_262 = vector.shape_cast %reduce_min3A_261 : vector<256xi32> to vector<256x1xi32>
    %concatenate3A = tpu.concatenate %broadcast_in_dim3A_14, %broadcast_in_dim3A_22, %broadcast_in_dim3A_30, %broadcast_in_dim3A_38, %broadcast_in_dim3A_46, %broadcast_in_dim3A_54, %broadcast_in_dim3A_62, %broadcast_in_dim3A_70, %broadcast_in_dim3A_78, %broadcast_in_dim3A_86, %broadcast_in_dim3A_94, %broadcast_in_dim3A_102, %broadcast_in_dim3A_110, %broadcast_in_dim3A_118, %broadcast_in_dim3A_126, %broadcast_in_dim3A_134, %broadcast_in_dim3A_142, %broadcast_in_dim3A_150, %broadcast_in_dim3A_158, %broadcast_in_dim3A_166, %broadcast_in_dim3A_174, %broadcast_in_dim3A_182, %broadcast_in_dim3A_190, %broadcast_in_dim3A_198, %broadcast_in_dim3A_206, %broadcast_in_dim3A_214, %broadcast_in_dim3A_222, %broadcast_in_dim3A_230, %broadcast_in_dim3A_238, %broadcast_in_dim3A_246, %broadcast_in_dim3A_254, %broadcast_in_dim3A_262 in 1 : vector<256x1xi32>, vector<256x1xi32>, vector<256x1xi32>, vector<256x1xi32>, vector<256x1xi32>, vector<256x1xi32>, vector<256x1xi32>, vector<256x1xi32>, vector<256x1xi32>, vector<256x1xi32>, vector<256x1xi32>, vector<256x1xi32>, vector<256x1xi32>, vector<256x1xi32>, vector<256x1xi32>, vector<256x1xi32>, vector<256x1xi32>, vector<256x1xi32>, vector<256x1xi32>, vector<256x1xi32>, vector<256x1xi32>, vector<256x1xi32>, vector<256x1xi32>, vector<256x1xi32>, vector<256x1xi32>, vector<256x1xi32>, vector<256x1xi32>, vector<256x1xi32>, vector<256x1xi32>, vector<256x1xi32>, vector<256x1xi32>, vector<256x1xi32> -> vector<256x32xi32>
    %broadcast_in_dim3A_263 = vector.shape_cast %broadcast_in_dim3A_14 : vector<256x1xi32> to vector<256x1xi32>
    %broadcast_in_dim3A_264 = vector.broadcast %broadcast_in_dim3A_263 : vector<256x1xi32> to vector<256x32xi32>
    %eq3A = arith.constant 512 : i32
    %eq3A_265 = vector.broadcast %eq3A : i32 to vector<256x32xi32>
    %eq3A_266 = arith.cmpi eq, %concatenate3A, %eq3A_265 : vector<256x32xi32>
    %select_n3A_267 = arith.select %eq3A_266, %broadcast_in_dim3A_264, %concatenate3A : vector<256x32xi1>, vector<256x32xi32>
    %swap3A = arith.constant 0 : index
    %swap3A_268 = arith.constant 0 : index
    %swap3A_269 = arith.constant 0 : index
    %swap3A_270 = vector.load %arg3[%swap3A, %swap3A_268, %swap3A_269] : memref<1x256x32xi32, #tpu.memory_space<vmem>>, vector<1x256x32xi32>
    %swap3A_271 = vector.shape_cast %swap3A_270 : vector<1x256x32xi32> to vector<256x32xi32>
    %swap3A_272 = vector.shape_cast %select_n3A_267 : vector<256x32xi32> to vector<1x256x32xi32>
    tpu.vector_store %arg3[%swap3A, %swap3A_268, %swap3A_269], %swap3A_272 {strides = array<i32>} : memref<1x256x32xi32, #tpu.memory_space<vmem>>, vector<1x256x32xi32>,
    return
  }
  func.func @transform_0(%arg0: i32, %arg1: i32) -> (i32, i32, i32) {
    %c0_i32 = arith.constant 0 : i32
    %c0_i32_0 = arith.constant 0 : i32
    return %arg0, %arg1, %c0_i32 : i32, i32, i32
  }
  func.func @transform_1(%arg0: i32, %arg1: i32) -> (i32, i32, i32) {
    %c0_i32 = arith.constant 0 : i32
    %c0_i32_0 = arith.constant 0 : i32
    return %arg0, %arg1, %c0_i32 : i32, i32, i32
  }
}

module attributes {stable_mosaic.version = 14 : i64} {
  func.func @_knn3_kernel(%arg0: i32, %arg1: i32, %arg2: memref<1x512x256xf32, #tpu.memory_space<vmem>>, %arg3: memref<1x512x3xi32, #tpu.memory_space<vmem>>, %arg4: memref<1x512x3xf32, #tpu.memory_space<vmem>>) attributes {dimension_semantics = [#tpu.dimension_semantics<arbitrary>, #tpu.dimension_semantics<arbitrary>], iteration_bounds = array<i64: 4, 1>, scalar_prefetch = 0 : i64, scratch_operands = 0 : i64, tpu.core_type = #tpu.core_type<tc>, window_params = [{transform_indices = @transform_0, window_bounds = array<i64: 1, 512, 256>}, {transform_indices = @transform_1, window_bounds = array<i64: 1, 512, 3>}, {transform_indices = @transform_2, window_bounds = array<i64: 1, 512, 3>}]} {
    %get3A = arith.constant 0 : index
    %get3A_0 = arith.constant 0 : index
    %get3A_1 = arith.constant 0 : index
    %get3A_2 = vector.load %arg2[%get3A, %get3A_0, %get3A_1] : memref<1x512x256xf32, #tpu.memory_space<vmem>>, vector<1x512x256xf32>
    %get3A_3 = vector.shape_cast %get3A_2 : vector<1x512x256xf32> to vector<512x256xf32>
    %iota3A = tpu.iota {dimensions = array<i32: 1>} : vector<512x256xi32>
    %eq3A = arith.cmpi eq, %iota3A, %iota3A : vector<512x256xi32>
    %jit3A = arith.constant 0x7F800000 : f32
    %broadcast_in_dim3A = vector.broadcast %jit3A : f32 to vector<512x256xf32>
    %select_n3A = arith.select %eq3A, %get3A_3, %broadcast_in_dim3A : vector<512x256xi1>, vector<512x256xf32>
    %reduce_min3A = arith.constant dense<0x7F800000> : vector<512xf32>
    %reduce_min3A_4 = vector.multi_reduction <minimumf>, %select_n3A, %reduce_min3A [1] : vector<512x256xf32> to vector<512xf32>
    %broadcast_in_dim3A_5 = vector.shape_cast %reduce_min3A_4 : vector<512xf32> to vector<512x1xf32>
    %eq3A_6 = vector.broadcast %broadcast_in_dim3A_5 : vector<512x1xf32> to vector<512x256xf32>
    %eq3A_7 = arith.cmpf oeq, %select_n3A, %eq3A_6 : vector<512x256xf32>
    %jit3A_8 = arith.constant 256 : i32
    %broadcast_in_dim3A_9 = vector.broadcast %jit3A_8 : i32 to vector<512x256xi32>
    %select_n3A_10 = arith.select %eq3A_7, %iota3A, %broadcast_in_dim3A_9 : vector<512x256xi1>, vector<512x256xi32>
    %reduce_min3A_11 = arith.constant dense<2147483647> : vector<512xi32>
    %reduce_min3A_12 = vector.multi_reduction <minsi>, %select_n3A_10, %reduce_min3A_11 [1] : vector<512x256xi32> to vector<512xi32>
    %broadcast_in_dim3A_13 = vector.shape_cast %reduce_min3A_12 : vector<512xi32> to vector<512x1xi32>
    %ne3A = vector.broadcast %broadcast_in_dim3A_13 : vector<512x1xi32> to vector<512x256xi32>
    %ne3A_14 = arith.cmpi ne, %iota3A, %ne3A : vector<512x256xi32>
    %and3A = arith.andi %eq3A, %ne3A_14 : vector<512x256xi1>
    %jit3A_15 = arith.constant 0x7F800000 : f32
    %broadcast_in_dim3A_16 = vector.broadcast %jit3A_15 : f32 to vector<512x256xf32>
    %select_n3A_17 = arith.select %and3A, %get3A_3, %broadcast_in_dim3A_16 : vector<512x256xi1>, vector<512x256xf32>
    %reduce_min3A_18 = arith.constant dense<0x7F800000> : vector<512xf32>
    %reduce_min3A_19 = vector.multi_reduction <minimumf>, %select_n3A_17, %reduce_min3A_18 [1] : vector<512x256xf32> to vector<512xf32>
    %broadcast_in_dim3A_20 = vector.shape_cast %reduce_min3A_19 : vector<512xf32> to vector<512x1xf32>
    %eq3A_21 = vector.broadcast %broadcast_in_dim3A_20 : vector<512x1xf32> to vector<512x256xf32>
    %eq3A_22 = arith.cmpf oeq, %select_n3A_17, %eq3A_21 : vector<512x256xf32>
    %jit3A_23 = arith.constant 256 : i32
    %broadcast_in_dim3A_24 = vector.broadcast %jit3A_23 : i32 to vector<512x256xi32>
    %select_n3A_25 = arith.select %eq3A_22, %iota3A, %broadcast_in_dim3A_24 : vector<512x256xi1>, vector<512x256xi32>
    %reduce_min3A_26 = arith.constant dense<2147483647> : vector<512xi32>
    %reduce_min3A_27 = vector.multi_reduction <minsi>, %select_n3A_25, %reduce_min3A_26 [1] : vector<512x256xi32> to vector<512xi32>
    %broadcast_in_dim3A_28 = vector.shape_cast %reduce_min3A_27 : vector<512xi32> to vector<512x1xi32>
    %ne3A_29 = vector.broadcast %broadcast_in_dim3A_28 : vector<512x1xi32> to vector<512x256xi32>
    %ne3A_30 = arith.cmpi ne, %iota3A, %ne3A_29 : vector<512x256xi32>
    %and3A_31 = arith.andi %and3A, %ne3A_30 : vector<512x256xi1>
    %jit3A_32 = arith.constant 0x7F800000 : f32
    %broadcast_in_dim3A_33 = vector.broadcast %jit3A_32 : f32 to vector<512x256xf32>
    %select_n3A_34 = arith.select %and3A_31, %get3A_3, %broadcast_in_dim3A_33 : vector<512x256xi1>, vector<512x256xf32>
    %reduce_min3A_35 = arith.constant dense<0x7F800000> : vector<512xf32>
    %reduce_min3A_36 = vector.multi_reduction <minimumf>, %select_n3A_34, %reduce_min3A_35 [1] : vector<512x256xf32> to vector<512xf32>
    %broadcast_in_dim3A_37 = vector.shape_cast %reduce_min3A_36 : vector<512xf32> to vector<512x1xf32>
    %eq3A_38 = vector.broadcast %broadcast_in_dim3A_37 : vector<512x1xf32> to vector<512x256xf32>
    %eq3A_39 = arith.cmpf oeq, %select_n3A_34, %eq3A_38 : vector<512x256xf32>
    %jit3A_40 = arith.constant 256 : i32
    %broadcast_in_dim3A_41 = vector.broadcast %jit3A_40 : i32 to vector<512x256xi32>
    %select_n3A_42 = arith.select %eq3A_39, %iota3A, %broadcast_in_dim3A_41 : vector<512x256xi1>, vector<512x256xi32>
    %reduce_min3A_43 = arith.constant dense<2147483647> : vector<512xi32>
    %reduce_min3A_44 = vector.multi_reduction <minsi>, %select_n3A_42, %reduce_min3A_43 [1] : vector<512x256xi32> to vector<512xi32>
    %broadcast_in_dim3A_45 = vector.shape_cast %reduce_min3A_44 : vector<512xi32> to vector<512x1xi32>
    %concatenate3A = tpu.concatenate %broadcast_in_dim3A_13, %broadcast_in_dim3A_28, %broadcast_in_dim3A_45 in 1 : vector<512x1xi32>, vector<512x1xi32>, vector<512x1xi32> -> vector<512x3xi32>
    %swap3A = arith.constant 0 : index
    %swap3A_46 = arith.constant 0 : index
    %swap3A_47 = arith.constant 0 : index
    %swap3A_48 = vector.load %arg3[%swap3A, %swap3A_46, %swap3A_47] : memref<1x512x3xi32, #tpu.memory_space<vmem>>, vector<1x512x3xi32>
    %swap3A_49 = vector.shape_cast %swap3A_48 : vector<1x512x3xi32> to vector<512x3xi32>
    %swap3A_50 = vector.shape_cast %concatenate3A : vector<512x3xi32> to vector<1x512x3xi32>
    tpu.vector_store %arg3[%swap3A, %swap3A_46, %swap3A_47], %swap3A_50 {strides = array<i32>} : memref<1x512x3xi32, #tpu.memory_space<vmem>>, vector<1x512x3xi32>,
    %concatenate3A_51 = tpu.concatenate %broadcast_in_dim3A_5, %broadcast_in_dim3A_20, %broadcast_in_dim3A_37 in 1 : vector<512x1xf32>, vector<512x1xf32>, vector<512x1xf32> -> vector<512x3xf32>
    %swap3A_52 = arith.constant 0 : index
    %swap3A_53 = arith.constant 0 : index
    %swap3A_54 = arith.constant 0 : index
    %swap3A_55 = vector.load %arg4[%swap3A_52, %swap3A_53, %swap3A_54] : memref<1x512x3xf32, #tpu.memory_space<vmem>>, vector<1x512x3xf32>
    %swap3A_56 = vector.shape_cast %swap3A_55 : vector<1x512x3xf32> to vector<512x3xf32>
    %swap3A_57 = vector.shape_cast %concatenate3A_51 : vector<512x3xf32> to vector<1x512x3xf32>
    tpu.vector_store %arg4[%swap3A_52, %swap3A_53, %swap3A_54], %swap3A_57 {strides = array<i32>} : memref<1x512x3xf32, #tpu.memory_space<vmem>>, vector<1x512x3xf32>,
    return
  }
  func.func @transform_0(%arg0: i32, %arg1: i32) -> (i32, i32, i32) {
    %c0_i32 = arith.constant 0 : i32
    %c0_i32_0 = arith.constant 0 : i32
    return %arg0, %arg1, %c0_i32 : i32, i32, i32
  }
  func.func @transform_1(%arg0: i32, %arg1: i32) -> (i32, i32, i32) {
    %c0_i32 = arith.constant 0 : i32
    %c0_i32_0 = arith.constant 0 : i32
    return %arg0, %arg1, %c0_i32 : i32, i32, i32
  }
  func.func @transform_2(%arg0: i32, %arg1: i32) -> (i32, i32, i32) {
    %c0_i32 = arith.constant 0 : i32
    %c0_i32_0 = arith.constant 0 : i32
    return %arg0, %arg1, %c0_i32 : i32, i32, i32
  }
}

module attributes {stable_mosaic.version = 14 : i64} {
  func.func @_knn3_kernel(%arg0: i32, %arg1: i32, %arg2: memref<1x512x512xf32, #tpu.memory_space<vmem>>, %arg3: memref<1x512x3xi32, #tpu.memory_space<vmem>>, %arg4: memref<1x512x3xf32, #tpu.memory_space<vmem>>) attributes {dimension_semantics = [#tpu.dimension_semantics<arbitrary>, #tpu.dimension_semantics<arbitrary>], iteration_bounds = array<i64: 4, 2>, scalar_prefetch = 0 : i64, scratch_operands = 0 : i64, tpu.core_type = #tpu.core_type<tc>, window_params = [{transform_indices = @transform_0, window_bounds = array<i64: 1, 512, 512>}, {transform_indices = @transform_1, window_bounds = array<i64: 1, 512, 3>}, {transform_indices = @transform_2, window_bounds = array<i64: 1, 512, 3>}]} {
    %get3A = arith.constant 0 : index
    %get3A_0 = arith.constant 0 : index
    %get3A_1 = arith.constant 0 : index
    %get3A_2 = vector.load %arg2[%get3A, %get3A_0, %get3A_1] : memref<1x512x512xf32, #tpu.memory_space<vmem>>, vector<1x512x512xf32>
    %get3A_3 = vector.shape_cast %get3A_2 : vector<1x512x512xf32> to vector<512x512xf32>
    %iota3A = tpu.iota {dimensions = array<i32: 1>} : vector<512x512xi32>
    %eq3A = arith.cmpi eq, %iota3A, %iota3A : vector<512x512xi32>
    %jit3A = arith.constant 0x7F800000 : f32
    %broadcast_in_dim3A = vector.broadcast %jit3A : f32 to vector<512x512xf32>
    %select_n3A = arith.select %eq3A, %get3A_3, %broadcast_in_dim3A : vector<512x512xi1>, vector<512x512xf32>
    %reduce_min3A = arith.constant dense<0x7F800000> : vector<512xf32>
    %reduce_min3A_4 = vector.multi_reduction <minimumf>, %select_n3A, %reduce_min3A [1] : vector<512x512xf32> to vector<512xf32>
    %broadcast_in_dim3A_5 = vector.shape_cast %reduce_min3A_4 : vector<512xf32> to vector<512x1xf32>
    %eq3A_6 = vector.broadcast %broadcast_in_dim3A_5 : vector<512x1xf32> to vector<512x512xf32>
    %eq3A_7 = arith.cmpf oeq, %select_n3A, %eq3A_6 : vector<512x512xf32>
    %jit3A_8 = arith.constant 512 : i32
    %broadcast_in_dim3A_9 = vector.broadcast %jit3A_8 : i32 to vector<512x512xi32>
    %select_n3A_10 = arith.select %eq3A_7, %iota3A, %broadcast_in_dim3A_9 : vector<512x512xi1>, vector<512x512xi32>
    %reduce_min3A_11 = arith.constant dense<2147483647> : vector<512xi32>
    %reduce_min3A_12 = vector.multi_reduction <minsi>, %select_n3A_10, %reduce_min3A_11 [1] : vector<512x512xi32> to vector<512xi32>
    %broadcast_in_dim3A_13 = vector.shape_cast %reduce_min3A_12 : vector<512xi32> to vector<512x1xi32>
    %ne3A = vector.broadcast %broadcast_in_dim3A_13 : vector<512x1xi32> to vector<512x512xi32>
    %ne3A_14 = arith.cmpi ne, %iota3A, %ne3A : vector<512x512xi32>
    %and3A = arith.andi %eq3A, %ne3A_14 : vector<512x512xi1>
    %jit3A_15 = arith.constant 0x7F800000 : f32
    %broadcast_in_dim3A_16 = vector.broadcast %jit3A_15 : f32 to vector<512x512xf32>
    %select_n3A_17 = arith.select %and3A, %get3A_3, %broadcast_in_dim3A_16 : vector<512x512xi1>, vector<512x512xf32>
    %reduce_min3A_18 = arith.constant dense<0x7F800000> : vector<512xf32>
    %reduce_min3A_19 = vector.multi_reduction <minimumf>, %select_n3A_17, %reduce_min3A_18 [1] : vector<512x512xf32> to vector<512xf32>
    %broadcast_in_dim3A_20 = vector.shape_cast %reduce_min3A_19 : vector<512xf32> to vector<512x1xf32>
    %eq3A_21 = vector.broadcast %broadcast_in_dim3A_20 : vector<512x1xf32> to vector<512x512xf32>
    %eq3A_22 = arith.cmpf oeq, %select_n3A_17, %eq3A_21 : vector<512x512xf32>
    %jit3A_23 = arith.constant 512 : i32
    %broadcast_in_dim3A_24 = vector.broadcast %jit3A_23 : i32 to vector<512x512xi32>
    %select_n3A_25 = arith.select %eq3A_22, %iota3A, %broadcast_in_dim3A_24 : vector<512x512xi1>, vector<512x512xi32>
    %reduce_min3A_26 = arith.constant dense<2147483647> : vector<512xi32>
    %reduce_min3A_27 = vector.multi_reduction <minsi>, %select_n3A_25, %reduce_min3A_26 [1] : vector<512x512xi32> to vector<512xi32>
    %broadcast_in_dim3A_28 = vector.shape_cast %reduce_min3A_27 : vector<512xi32> to vector<512x1xi32>
    %ne3A_29 = vector.broadcast %broadcast_in_dim3A_28 : vector<512x1xi32> to vector<512x512xi32>
    %ne3A_30 = arith.cmpi ne, %iota3A, %ne3A_29 : vector<512x512xi32>
    %and3A_31 = arith.andi %and3A, %ne3A_30 : vector<512x512xi1>
    %jit3A_32 = arith.constant 0x7F800000 : f32
    %broadcast_in_dim3A_33 = vector.broadcast %jit3A_32 : f32 to vector<512x512xf32>
    %select_n3A_34 = arith.select %and3A_31, %get3A_3, %broadcast_in_dim3A_33 : vector<512x512xi1>, vector<512x512xf32>
    %reduce_min3A_35 = arith.constant dense<0x7F800000> : vector<512xf32>
    %reduce_min3A_36 = vector.multi_reduction <minimumf>, %select_n3A_34, %reduce_min3A_35 [1] : vector<512x512xf32> to vector<512xf32>
    %broadcast_in_dim3A_37 = vector.shape_cast %reduce_min3A_36 : vector<512xf32> to vector<512x1xf32>
    %eq3A_38 = vector.broadcast %broadcast_in_dim3A_37 : vector<512x1xf32> to vector<512x512xf32>
    %eq3A_39 = arith.cmpf oeq, %select_n3A_34, %eq3A_38 : vector<512x512xf32>
    %jit3A_40 = arith.constant 512 : i32
    %broadcast_in_dim3A_41 = vector.broadcast %jit3A_40 : i32 to vector<512x512xi32>
    %select_n3A_42 = arith.select %eq3A_39, %iota3A, %broadcast_in_dim3A_41 : vector<512x512xi1>, vector<512x512xi32>
    %reduce_min3A_43 = arith.constant dense<2147483647> : vector<512xi32>
    %reduce_min3A_44 = vector.multi_reduction <minsi>, %select_n3A_42, %reduce_min3A_43 [1] : vector<512x512xi32> to vector<512xi32>
    %broadcast_in_dim3A_45 = vector.shape_cast %reduce_min3A_44 : vector<512xi32> to vector<512x1xi32>
    %concatenate3A = tpu.concatenate %broadcast_in_dim3A_13, %broadcast_in_dim3A_28, %broadcast_in_dim3A_45 in 1 : vector<512x1xi32>, vector<512x1xi32>, vector<512x1xi32> -> vector<512x3xi32>
    %swap3A = arith.constant 0 : index
    %swap3A_46 = arith.constant 0 : index
    %swap3A_47 = arith.constant 0 : index
    %swap3A_48 = vector.load %arg3[%swap3A, %swap3A_46, %swap3A_47] : memref<1x512x3xi32, #tpu.memory_space<vmem>>, vector<1x512x3xi32>
    %swap3A_49 = vector.shape_cast %swap3A_48 : vector<1x512x3xi32> to vector<512x3xi32>
    %swap3A_50 = vector.shape_cast %concatenate3A : vector<512x3xi32> to vector<1x512x3xi32>
    tpu.vector_store %arg3[%swap3A, %swap3A_46, %swap3A_47], %swap3A_50 {strides = array<i32>} : memref<1x512x3xi32, #tpu.memory_space<vmem>>, vector<1x512x3xi32>,
    %concatenate3A_51 = tpu.concatenate %broadcast_in_dim3A_5, %broadcast_in_dim3A_20, %broadcast_in_dim3A_37 in 1 : vector<512x1xf32>, vector<512x1xf32>, vector<512x1xf32> -> vector<512x3xf32>
    %swap3A_52 = arith.constant 0 : index
    %swap3A_53 = arith.constant 0 : index
    %swap3A_54 = arith.constant 0 : index
    %swap3A_55 = vector.load %arg4[%swap3A_52, %swap3A_53, %swap3A_54] : memref<1x512x3xf32, #tpu.memory_space<vmem>>, vector<1x512x3xf32>
    %swap3A_56 = vector.shape_cast %swap3A_55 : vector<1x512x3xf32> to vector<512x3xf32>
    %swap3A_57 = vector.shape_cast %concatenate3A_51 : vector<512x3xf32> to vector<1x512x3xf32>
    tpu.vector_store %arg4[%swap3A_52, %swap3A_53, %swap3A_54], %swap3A_57 {strides = array<i32>} : memref<1x512x3xf32, #tpu.memory_space<vmem>>, vector<1x512x3xf32>,
    return
  }
  func.func @transform_0(%arg0: i32, %arg1: i32) -> (i32, i32, i32) {
    %c0_i32 = arith.constant 0 : i32
    %c0_i32_0 = arith.constant 0 : i32
    return %arg0, %arg1, %c0_i32 : i32, i32, i32
  }
  func.func @transform_1(%arg0: i32, %arg1: i32) -> (i32, i32, i32) {
    %c0_i32 = arith.constant 0 : i32
    %c0_i32_0 = arith.constant 0 : i32
    return %arg0, %arg1, %c0_i32 : i32, i32, i32
  }
  func.func @transform_2(%arg0: i32, %arg1: i32) -> (i32, i32, i32) {
    %c0_i32 = arith.constant 0 : i32
    %c0_i32_0 = arith.constant 0 : i32
    return %arg0, %arg1, %c0_i32 : i32, i32, i32
  }
}

</mosaic_0001>

<sc_bundles>
// kernel: gather_offload_async_start.1
scs
__scs_entry_jumppad:
0x0: {  	(pc) =	sbr.rel $0x88, $3  }
0x1: {  	(tag) =	ssettag $0x0;
	lr =	simm.s32 $0x1  }
0x2: {  	[smem:$0x3F39] =	sst lr;
	_ =	strace $0xD0000000  }
0x3: {  	_ = 	snop  }
0x4: {  	_ = 	snop  }
0x5: {  	_ = 	snop  }
0x6: {  	_ = 	snop  }
0x7: {  	_ = 	snop  }
__scs_overlays_trampoline_lowered:
0x8: {  	[smem:$0x3F48] =	sst s0  }
0x9: {  	[smem:$0x3F49] =	sst s1  }
0xa: {  	[smem:$0x3F4A] =	sst s2  }
0xb: {  	[smem:$0x3F4B] =	sst s3  }
0xc: {  	[smem:$0x3F4C] =	sst s4  }
0xd: {  	[smem:$0x3F4D] =	sst s5  }
0xe: {  	[smem:$0x3F4E] =	sst s6  }
0xf: {  	[smem:$0x3F4F] =	sst s7  }
0x10: {  	[smem:$0x3F50] =	sst s8  }
0x11: {  	[smem:$0x3F51] =	sst s9;
	s0 =	simm.s32 @!p0 $0x0  }
0x12: {  	s1 =	sld [smem:$0x3F37];
	s0 =	simm.s32 @p0 $0x1  }
0x13: {  	[smem:$0x3F52] =	sst s0;
	s0 =	simm.s32 @!p1 $0x0  }
0x14: {  	s2 =	sld [smem:$0x3F36];
	s0 =	simm.s32 @p1 $0x1  }
0x15: {  	[smem:$0x3F53] =	sst s0;
	s0 =	simm.s32 @!p2 $0x0  }
0x16: {  	s3 =	sld [smem:$0x3FDB];
	s0 =	simm.s32 @p2 $0x1  }
0x17: {  	s4 =	simm.s32 $0x1BF5;
	[smem:$0x3F55] =	sst s0  }
0x18: {  	s0 =	sld [smem:$0x3F38];
	_ =	swait.ge [sflag:s4], $0x0  }
0x19: {  	s7 =	sld [smem:$0x3F39]  }
0x1a: {  	s8 =	sadd.s32 $0xFFFFE003, lr  }
0x1b: {  	s9 =	sadd.s32 $0xFFFFFEF7, lr;
	s5 =	simm.s32 $0xFFFFFFFF;
	p2 =	slt.u32 s8, $0xFFFFF086  }
0x1c: {  	p1 =	slt.u32 s9, $0xF7A;
	s5 =	simm.s32 @!p2 $0x0  }
0x1d: {  	s5 =	simm.s32 @p1 $0x1;
	p0 =	seq.s32 s7, s2  }
0x1e: {  	s7 =	smul.u32 @!p0 $0xF7A, s2;
	p2 =	seq.s32 @!p0 s5, $0x0  }
0x1f: {  	s9 =	smul.u32 $0xF7A, s1;
	s8 =	simm.s32 @!p0 $0x1BF5;
	p2 =	por !p2, p0  }
0x20: {  	[sflag:s8] =	ssyncset.s32 @!p0 $0xFFFFF086;
	s6 =	sadd.s32 @!p0 s3, s7;
	s7 =	simm.s32 @!p0 $0x108  }
0x21: {  	s3 =	sadd.s32 s3, s9;
	s6 =	sadd.s32 @!p0 $0x88, s6;
	s7 =	simm.s32 @p2 $0x1082  }
0x22: {  	[simem:s7], [sflag:s8] =	dma.local @!p0 [hbm:s6], $0xF7A  }
0x23: {  	s9 =	sor.u32 $0xD0000000, s2;
	s6 =	simm.s32 $0x108;
	_ =	swait.ge @!p0 [sflag:s8], $0x0  }
0x24: {  	s3 =	sadd.s32 $0x88, s3;
	s6 =	simm.s32 @!p1 $0x1082;
	[sflag:s4] =	ssyncset.s32 $0xFFFFF086  }
0x25: {  	[simem:s6], [sflag:s4] =	dma.local [hbm:s3], $0xF7A  }
0x26: {  	[smem:$0x3F39] =	sst s1;
	(tag) =	ssettag s2;
	_ =	strace s9  }
0x27: {  	s1 =	sld [smem:$0x3F49]  }
0x28: {  	s2 =	sld [smem:$0x3F4A]  }
0x29: {  	s4 =	sld [smem:$0x3F4C]  }
0x2a: {  	p0 =	seq.s32 s5, $0x0;
	s5 =	sld [smem:$0x3F4D]  }
0x2b: {  	s6 =	sld [smem:$0x3F4E]  }
0x2c: {  	s7 =	sld [smem:$0x3F4F]  }
0x2d: {  	s3 =	simm.s32 $0x108;
	s8 =	sld [smem:$0x3F50]  }
0x2e: {  	s3 =	simm.s32 @!p0 $0x1082;
	s9 =	sld [smem:$0x3F51]  }
0x2f: {  	lr =	sadd.s32 s0, s3;
	s0 =	sld [smem:$0x3F48]  }
0x30: {  	s3 =	sld [smem:$0x3F4B]  }
0x31: {  	[smem:$0x3F54] =	sst s10  }
0x32: {  	s10 =	sld [smem:$0x3F52];
	_ =	sdelay $0x3  }
0x33: {  	p0 =	seq.s32 s10, $0x1;
	s10 =	sld [smem:$0x3F54];
	_ =	sdelay $0x3  }
0x34: {  	[smem:$0x3F54] =	sst s10  }
0x35: {  	s10 =	sld [smem:$0x3F53];
	_ =	sdelay $0x3  }
0x36: {  	p1 =	seq.s32 s10, $0x1;
	s10 =	sld [smem:$0x3F54];
	_ =	sdelay $0x3  }
0x37: {  	[smem:$0x3F54] =	sst s10  }
0x38: {  	s10 =	sld [smem:$0x3F55]  }
0x39: {  	_ = 	snop;
	(pc) =	sbr.ind lr, $3  }
0x3a: {  	_ = 	snop  }
0x3b: {  	_ = 	snop  }
0x3c: {  	p2 =	seq.s32 s10, $0x1;
	s10 =	sld [smem:$0x3F54]  }
0x3d: {  	_ =	shalt  }
0x3e: {  	_ =	shalt  }
0x3f: {  	_ =	shalt  }
0x40: {  	_ =	shalt  }
0x41: {  	_ =	shalt  }
0x42: {  	_ =	shalt  }
0x43: {  	_ =	shalt  }
0x44: {  	_ =	shalt  }
0x45: {  	_ =	shalt  }
0x46: {  	_ =	shalt  }
0x47: {  	_ =	shalt  }
0x48: {  	_ =	shalt  }
0x49: {  	_ =	shalt  }
0x4a: {  	_ =	shalt  }
0x4b: {  	_ =	shalt  }
0x4c: {  	_ =	shalt  }
0x4d: {  	_ =	shalt  }
0x4e: {  	_ =	shalt  }
0x4f: {  	_ =	shalt  }
0x50: {  	_ =	shalt  }
0x51: {  	_ =	shalt  }
0x52: {  	_ =	shalt  }
0x53: {  	_ =	shalt  }
0x54: {  	_ =	shalt  }
0x55: {  	_ =	shalt  }
0x56: {  	_ =	shalt  }
0x57: {  	_ =	shalt  }
0x58: {  	_ =	shalt  }
0x59: {  	_ =	shalt  }
0x5a: {  	_ =	shalt  }
0x5b: {  	_ =	shalt  }
0x5c: {  	_ =	shalt  }
0x5d: {  	_ =	shalt  }
0x5e: {  	_ =	shalt  }
0x5f: {  	_ =	shalt  }
0x60: {  	_ =	shalt  }
0x61: {  	_ =	shalt  }
0x62: {  	_ =	shalt  }
0x63: {  	_ =	shalt  }
0x64: {  	_ =	shalt  }
0x65: {  	_ =	shalt  }
0x66: {  	_ =	shalt  }
0x67: {  	_ =	shalt  }
0x68: {  	_ =	shalt  }
0x69: {  	_ =	shalt  }
0x6a: {  	_ =	shalt  }
0x6b: {  	_ =	shalt  }
0x6c: {  	_ =	shalt  }
0x6d: {  	_ =	shalt  }
0x6e: {  	_ =	shalt  }
0x6f: {  	_ =	shalt  }
0x70: {  	_ =	shalt  }
0x71: {  	_ =	shalt  }
0x72: {  	_ =	shalt  }
0x73: {  	_ =	shalt  }
0x74: {  	_ =	shalt  }
0x75: {  	_ =	shalt  }
0x76: {  	_ =	shalt  }
0x77: {  	_ =	shalt  }
0x78: {  	_ =	shalt  }
0x79: {  	_ =	shalt  }
0x7a: {  	_ =	shalt  }
0x7b: {  	_ =	shalt  }
0x7c: {  	_ =	shalt  }
0x7d: {  	_ =	shalt  }
0x7e: {  	_ =	shalt  }
0x7f: {  	_ =	shalt  }
0x80: {  	_ =	shalt  }
0x81: {  	_ =	shalt  }
0x82: {  	_ =	shalt  }
0x83: {  	_ =	shalt  }
0x84: {  	_ =	shalt  }
0x85: {  	_ =	shalt  }
0x86: {  	_ =	shalt  }
0x87: {  	_ =	shalt  }
.Lfunc_end0:
.L_simem_size_0:
called_computation.1_lowered:
.L_overlay_start_0:
0x88: {  	s2 =	sld [smem:$0x3FD9]  }
0x89: {  	s3 =	sld [smem:$0x3FFE];
	_ =	sdelay $0x1  }
0x8a: {  	s1 =	srdreg.scid  }
0x8b: {  	s0 =	sand.u32 $0x1, s1  }
0x8c: {  	s14 =	sshll.u32 s0, $0xA;
	s2 =	sadd.s32 s3, s2  }
0x8d: {  	s2 =	sadd.s32 s2, s14  }
0x8e: {  	[smem:$0x3F60] =	sst s2  }
0x8f: {  	_ = 	snop  }
0x90: {  	s2 =	sld [smem:$0x3FD0];
	_ =	sdelay $0x2  }
0x91: {  	s15 =	simm.s32 $0xA;
	s4 =	simm.s32 $0x10  }
0x92: {  	[smem:s4], [sflag:s15] =	dma.local [hbm:s2], $0x1  }
0x93: {  	_ =	swait.eq [sflag:s15], $0x1  }
0x94: {  	[sflag:s15] =	ssyncset.done $0x0  }
0x95: {  	[sflag:s15] =	ssyncadd.s32 $0xFFFFFFFF  }
0x96: {  	s16 =	sld [smem:$0x10];
	(tm) =	ssettm $0x1  }
0x97: {  	s17 =	sld [smem:$0x3FFB];
	_ =	sdelay $0x3  }
0x98: {  	_ =	strace s17  }
0x99: {  	s3 =	sld [smem:$0x3FFC];
	_ =	sdelay $0x3  }
0x9a: {  	_ =	strace s3  }
0x9b: {  	s3 =	sld [smem:$0x3FFD];
	_ =	sdelay $0x3  }
0x9c: {  	_ =	strace s3  }
0x9d: {  	_ =	strace $0x8FFFFFFF  }
0x9e: {  	s18 =	sld [smem:$0x3FDB];
	_ =	sdelay $0x1  }
0x9f: {  	s19 =	simm.s32 $_scs_section_size  }
0xa0: {  	s5 =	simm.s32 $_size__tile_overlayer_lowered;
	s6 =	simm.s32 $_tile_overlayer_lowered  }
0xa1: {  	s22 =	simm.s32 $0x1BFF;
	s21 =	sshll.u32 s6, $0x1;
	s3 =	sadd.s32 s19, s18  }
0xa2: {  	s7 =	simm.s32 $0x0;
	s20 =	sshll.u32 s5, $0x1;
	s5 =	sadd.s32 s21, s3  }
0xa3: {  	[timem:s7], [sflag:s22] =	dma.local [hbm:s5], s20  }
0xa4: {  	_ =	swait.ge [sflag:s22], s20  }
0xa5: {  	s4 =	ssub.s32 $0x0, s20;
	[sflag:s22] =	ssyncset.done $0x0  }
0xa6: {  	[sflag:s22] =	ssyncadd.s32 s4;
	_ =	sdelay $0x1  }
0xa7: {  	s23 =	simm.s32 $0x1B8B  }
0xa8: {  	_ =	swait.ge [sflag:s23], $0x1  }
0xa9: {  	[sflag:s23] =	ssyncset.done $0x0  }
0xaa: {  	s25 =	simm.s32 $0x1B8E;
	s24 =	sld [smem:$0x3FFE];
	[sflag:s23] =	ssyncadd.s32 $0xFFFFFFFF  }
0xab: {  	s26 =	simm.s32 $execute0_lowered;
	[smem:$0x3FD2] =	sst s25  }
0xac: {  	s5 =	sshll.u32 s26, $0x1;
	_ =	strace $0x80000046;
	[dreg:$0x1] =	wrdreg $0xFFFFFFFF  }
0xad: {  	s28 =	simm.s32 $_size_execute0_lowered;
	s3 =	sadd.s32 s3, s5;
	[dreg:$0x0] =	wrdreg $0x0  }
0xae: {  	s5 =	sshll.u32 s28, $0x1;
	[dreg:$0x2] =	wrdreg s3  }
0xaf: {  	[dreg:$0x3] =	wrdreg s5  }
0xb0: {  	[dreg:$0x4] =	wrdreg $0xC0  }
0xb1: {  	_ =	task [dreg:s7], $0x5FFFF  }
0xb2: {  	[dreg:$0x1] =	wrdreg $0xFFFFFFFF  }
0xb3: {  	[dreg:$0x0] =	wrdreg $0x60  }
0xb4: {  	[dreg:$0x2] =	wrdreg s24  }
0xb5: {  	[dreg:$0x3] =	wrdreg s16  }
0xb6: {  	[dreg:$0x4] =	wrdreg $0x9  }
0xb7: {  	_ =	task.clear_ibuf [dreg:s7], $0x5FFFF;
	_ =	strace $0x90000046  }
0xb8: {  	s29 =	simm.s32 $0x9;
	_ =	strace $0x80000048  }
0xb9: {  	_ =	swait.ge [sflag:s29], $0x1  }
0xba: {  	[sflag:s29] =	ssyncadd.s32 $0xFFFFFFFF  }
0xbb: {  	_ =	strace $0x90000048  }
0xbc: {  	_ =	sfence  }
0xbd: {  	s30 =	sld [smem:$0x0];
	_ =	sdelay $0x2  }
0xbe: {  	s31 =	sshll.u32 s1, $0xD;
	s1 =	sshrl.u32 s1, $0x2  }
0xbf: {  	s3 =	sand.u32 $0x4000, s31;
	s1 =	sadd.s32 s1, s30  }
0xc0: {  	s0 =	sor.u32 s3, s0;
	s1 =	sshll.u32 s1, $0x11  }
0xc1: {  	s0 =	sor.u32 s1, s0  }
0xc2: {  	s0 =	sadd.s32 $0x8F2B, s0  }
0xc3: {  	[sflag:s0] =	ssyncadd.remote.s32 $0x1  }
0xc4: {  	_ =	sfence.sel $0xFFFF  }
0xc5: {  	[dreg:$0x0] =	wrdreg $0xFFFFFFFF;
	(pc) =	sbr.abs _section_cstart, $3  }
0xc6: {  	[dreg:$0x1] =	wrdreg $0xFFFFFFFF  }
0xc7: {  	_ =	task.clear_ibuf [dreg:s7], $0x2FFFF;
	_ =	strace $0x9FFFFFFF  }
0xc8: {  	(tm) =	ssettm $0x7FFFFFFF  }
0xc9: {  	_ =	shalt  }
tec
execute0_lowered:
.L_overlay_start_1:
0x0: {  	(tag) =	ssettag $0x1  }
0x1: {  	s7 =	rddreg [dreg:$0x0]  }
0x2: {  	s2 =	rddreg [dreg:$0x1]  }
0x3: {  	s0 =	rddreg [dreg:$0x2]  }
0x4: {  	s1 =	srdreg.scid;
	_ =	strace $0x80000047;
	s4 =	simm.s32 $0x1  }
0x5: {  	s9 =	simm.s32 $0x3;
	s12 =	simm.s32 $0x0;
	s5 =	sshll.u32 s1, $0x4  }
.Ltmp0:
0x6: {  	s1 =	stileid.u32;
	s5 =	sand.u32 $0x10, s5;
	(pc) =	sbr.rel .LBB2_1-.Ltmp0, $4  }
0x7: {  	s10 =	simm.s32 $0x0;
	s3 =	sadd.s32 $0xC00, s7;
	s6 =	sor.u32 s1, s5  }
0x8: {  	[sflag:s4] =	ssyncpa.u1 $0x0;
	s5 =	simm.s32 $0x2;
	s6 =	sshll.u32 s6, $0x7  }
0x9: {  	s7 =	sadd.s32 $0x40C00, s7;
	[sflag:s5] =	ssyncpa.u1 $0x0;
	s8 =	sadd.s32 $0x80, s6  }
0xa: {  	vm0 =	vmmov $0xff;
	vm1 =	vcmask $0x3F20;
	[sflag:s9] =	ssyncpa.u1 $0x0;
	s9 =	simm.s32 $0x80;
	s11 =	smov.u32 s6  }
.LBB2_9:
0xb: {  	p0 =	seq.s32 s10, $0x2  }
.Ltmp1:
0xc: {  	_ = 	snop;
	(pc) =	sbr.rel @p0 .LBB2_11-.Ltmp1, $1  }
0xd: {  	_ =	sdelay $0x3  }
.LBB2_10:
0xe: {  	s12 =	sadd.s32 $0x80, s11  }
0xf: {  	s13 =	smov.u32 s6;
	p0 =	slt.s32 s12, s8  }
0x10: {  	s13 =	smov.u32 @p0 s12  }
0x11: {  	s10 =	sadd.s32 $0x1, s10;
	s12 =	smov.u32 s11;
	s11 =	smov.u32 s13  }
.LBB2_1:
0x12: {  	p0 =	sne.s32 s10, $0x0  }
.Ltmp2:
0x13: {  	_ = 	snop;
	(pc) =	sbr.rel @!p0 .LBB2_2-.Ltmp2, $1  }
0x14: {  	_ =	sdelay $0x3  }
0x15: {  	s13 =	sand.u32 $0x1, s10  }
0x16: {  	p0 =	seq.s32 s13, $0x0  }
.Ltmp3:
0x17: {  	_ = 	snop;
	(pc) =	sbr.rel @p0 .LBB2_9-.Ltmp3, $1  }
0x18: {  	_ =	sdelay $0x3  }
0x19: {  	_ =	swait.ge [sflag:s5], $0x80  }
0x1a: {  	[sflag:s5] =	ssyncset.done $0x0  }
0x1b: {  	s13 =	simm.s32 $0x0;
	[sflag:s5] =	ssyncadd.s32 $0xFFFFFF80  }
0x1c: {  	v0 =	vld.msk [tilespmem:s13+$0x80 ss:$0x1], $0xffff;
	_ =	sdelay $0x4  }
0x1d: {  	v1 =	vshll.u32 v0, $0x5  }
0x1e: {  	vm2 =	veq.s32 v0, $0x80000000;
	v0 =	vshll.u32 v0, $0x13;
	v1 =	vand.u32 $0x7FF80, v1  }
0x1f: {  	v0 =	vand.u32 $0x180000, v0;
	v1 =	vsel vm2, $0xFFFFFF80, v1  }
0x20: {  	v0 =	vsel vm2, $0xFFF80000, v0;
	v2 =	vand.u32 $0xFFFFFC00, v1  }
0x21: {  	v1 =	vand.u32 $0x380, v1;
	v0 =	vadd.s32 v0, v2  }
0x22: {  	v0 =	vor.u32 v1, v0  }
0x23: {  	v0 =	vshrl.u32 v0, $0x3;
	_ =	sdelay $0x3  }
0x24: {  	s13 =	simm.s32 $0x4100  }
0x25: {  	[tilespmem:s13], [sflag:$0x1] =	stream.indirect_vreg.gather [hbm:s3], $0x80, v0, vm0, $0x38;
	[tilespmem:$0x8100] =	vst v63  }
0x26: {  	s14 =	simm.s32 $0x4500;
	s31 =	simm.s32 $0x10  }
0x27: {  	[tilespmem:s14], [sflag:$0x1] =	stream.indirect_vreg.gather [hbm:s3], $0x80, v0, vm1, $0x38;
	[tilespmem:$0x8100] =	vst v63  }
0x28: {  	s14 =	simm.s32 $0x80;
	v0 =	vld.msk [tilespmem:s31+$0x80 ss:$0x1], $0xffff  }
.LBB2_5:
0x29: {  	p0 =	sne.s32 s14, $0x1C0;
	_ =	sdelay $0x4  }
0x2a: {  	v1 =	vshll.u32 v0, $0x5  }
0x2b: {  	vm2 =	veq.s32 v0, $0x80000000;
	v0 =	vshll.u32 v0, $0x13;
	v1 =	vand.u32 $0x7FF80, v1  }
0x2c: {  	v0 =	vand.u32 $0x180000, v0;
	v1 =	vsel vm2, $0xFFFFFF80, v1  }
0x2d: {  	v0 =	vsel vm2, $0xFFF80000, v0;
	v2 =	vand.u32 $0xFFFFFC00, v1  }
0x2e: {  	v1 =	vand.u32 $0x380, v1;
	v0 =	vadd.s32 v0, v2  }
0x2f: {  	v0 =	vor.u32 v1, v0  }
0x30: {  	v0 =	vshrl.u32 v0, $0x3;
	_ =	sdelay $0x3  }
.Ltmp4:
0x31: {  	s13 =	sadd.s32 $0x800, s13;
	(pc) =	sbr.rel @p0 .LBB2_5-.Ltmp4, $4  }
0x32: {  	[tilespmem:s13], [sflag:$0x1] =	stream.indirect_vreg.gather [hbm:s3], $0x80, v0, vm0, $0x38;
	[tilespmem:$0x8100] =	vst v63  }
0x33: {  	s15 =	sshra.s32 s14, $0x2;
	s16 =	sadd.s32 $0x400, s13  }
0x34: {  	[tilespmem:s16], [sflag:$0x1] =	stream.indirect_vreg.gather [hbm:s3], $0x80, v0, vm1, $0x38;
	[tilespmem:$0x8100] =	vst v63  }
0x35: {  	s14 =	sadd.s32 $0x40, s14;
	v0 =	vld.msk [tilespmem:s15+$0x80 ss:$0x1], $0xffff  }
0x36: {  	_ =	sdelay $0x3  }
0x37: {  	v1 =	vshll.u32 v0, $0x5  }
0x38: {  	vm2 =	veq.s32 v0, $0x80000000;
	v63 =	vshll.u32 v0, $0x13;
	v1 =	vand.u32 $0x7FF80, v1  }
0x39: {  	v0 =	vand.u32 $0x180000, v63;
	v1 =	vsel vm2, $0xFFFFFF80, v1  }
0x3a: {  	v0 =	vsel vm2, $0xFFF80000, v0;
	v2 =	vand.u32 $0xFFFFFC00, v1  }
0x3b: {  	v1 =	vand.u32 $0x380, v1;
	v0 =	vadd.s32 v0, v2  }
0x3c: {  	v0 =	vor.u32 v1, v0  }
0x3d: {  	v0 =	vshrl.u32 v0, $0x3;
	_ =	sdelay $0x3  }
0x3e: {  	s13 =	sadd.s32 $0x800, s13  }
0x3f: {  	[tilespmem:s13], [sflag:$0x1] =	stream.indirect_vreg.gather [hbm:s3], $0x80, v0, vm0, $0x38;
	[tilespmem:$0x8100] =	vst v63  }
0x40: {  	s13 =	sadd.s32 $0x400, s13  }
0x41: {  	[tilespmem:s13], [sflag:$0x1] =	stream.indirect_vreg.gather [hbm:s3], $0x80, v0, vm1, $0x38;
	[tilespmem:$0x8100] =	vst v63  }
0x42: {  	s12 =	sshll.u32 s12, $0x4;
	s14 =	simm.s32 $0x80;
	_ =	swait.ge [sflag:s4], $0x4000  }
0x43: {  	s15 =	simm.s32 $0x4500;
	s12 =	sadd.s32 s12, s7;
	[sflag:s4] =	ssyncset.done $0x0  }
0x44: {  	s16 =	sadd.s32 $0x0, s12;
	s13 =	simm.s32 $0x4100;
	[sflag:s4] =	ssyncadd.s32 $0xFFFFC000  }
.LBB2_7:
0x45: {  	[hbm:s16] =	stream.linear.scatter [tilespmem:s13], [sflag:$0x3], $0x400, $0x38;
	[tilespmem:$0x8100] =	vst v63  }
0x46: {  	s16 =	smov.u32 s14;
	s13 =	smov.u32 s15;
	p0 =	sne.s32 s14, $0x780  }
.Ltmp5:
0x47: {  	s14 =	sadd.s32 $0x80, s14;
	(pc) =	sbr.rel @p0 .LBB2_7-.Ltmp5, $2  }
0x48: {  	_ =	sdelay $0x2  }
0x49: {  	s15 =	sadd.s32 $0x400, s15;
	s16 =	sadd.s32 s16, s12  }
.Ltmp6:
0x4a: {  	(pc) =	sbr.rel .LBB2_9-.Ltmp6, $2  }
0x4b: {  	_ =	sdelay $0x2  }
0x4c: {  	[hbm:s16] =	stream.linear.scatter [tilespmem:s13], [sflag:$0x3], $0x400, $0x38;
	[tilespmem:$0x8100] =	vst v63  }
.LBB2_2:
.Ltmp7:
0x4d: {  	(pc) =	sbr.rel .LBB2_10-.Ltmp7, $4  }
0x4e: {  	_ = 	snop  }
0x4f: {  	s12 =	sshrl.u32 s11, $0x3  }
0x50: {  	s13 =	sand.u32 $0x7, s11;
	s12 =	sadd.s32 s2, s12  }
0x51: {  	[tilespmem:s9], [sflag:$0x2] =	stream.linear.gather [hbm4b:s12+s13], $0x80, $0x38;
	[tilespmem:$0x8100] =	vst v63  }
.LBB2_11:
0x52: {  	s2 =	simm.s32 $0x3  }
0x53: {  	_ =	swait.ge [sflag:s2], $0x4000  }
0x54: {  	[sflag:s2] =	ssyncset.done $0x0  }
0x55: {  	[sflag:s2] =	ssyncadd.s32 $0xFFFFC000  }
0x56: {  	_ =	sfence.sel $0x180000  }
0x57: {  	s3 =	simm.s32 $0x2;
	[bflag:$0x0] =	sbarrier.arrive $0xFFFF  }
0x58: {  	[sflag:s3] =	ssyncpa.u1 $0x1  }
0x59: {  	s31 =	simm.s32 $0x1;
	[sflag:s2] =	ssyncpa.u1 $0x1  }
0x5a: {  	[sflag:s31] =	ssyncpa.u1 $0x1  }
0x5b: {  	p0 =	sne.s32 s1, $0x0;
	_ =	strace $0x90000047  }
0x5c: {  	s0 =	sadd.s32 @!p0 $0x100000, s0;
	[bflag:$0x2] =	sbarrier.arrive $0xFFFF  }
0x5d: {  	[sflag:s0] =	ssyncadd.tile.s32 @!p0 $0x1;
	_ =	shalt  }
.Lfunc_end2:
_tile_overlayer_lowered:
.L_overlay_start_2:
0x5e: {  	(tag) =	ssettag $0x2  }
0x5f: {  	s0 =	rddreg [dreg:$0x0];
	s2 =	stileid.u32  }
0x60: {  	s1 =	rddreg [dreg:$0x1];
	p0 =	sne.s32 s2, $0x0  }
0x61: {  	s3 =	rddreg [dreg:$0x2];
	[bflag:$0x3] =	sbarrier.arrive $0xFFFF;
	s2 =	simm.s32 @!p0 $0x1C01  }
0x62: {  	[timem:s3], [sflag:s2] =	dma.local @!p0 [hbm:s0], s1  }
0x63: {  	s0 =	simm.s32 @!p0 $0x1  }
0x64: {  	_ =	swait.ge @!p0 [sflag:s0], s1  }
0x65: {  	s1 =	ssub.s32 @!p0 $0x0, s1;
	[sflag:s0] =	ssyncset.done @!p0 $0x0  }
0x66: {  	[sflag:s0] =	ssyncadd.s32 @!p0 s1  }
0x67: {  	[bflag:$0x3] =	sbarrier.arrive $0xFFFF  }
0x68: {  	_ =	shalt  }

// kernel: gather_offload_async_start.2
scs
__scs_entry_jumppad:
0x0: {  	(pc) =	sbr.rel $0x88, $3  }
0x1: {  	(tag) =	ssettag $0x0;
	lr =	simm.s32 $0x1  }
0x2: {  	[smem:$0x3F39] =	sst lr;
	_ =	strace $0xD0000000  }
0x3: {  	_ = 	snop  }
0x4: {  	_ = 	snop  }
0x5: {  	_ = 	snop  }
0x6: {  	_ = 	snop  }
0x7: {  	_ = 	snop  }
__scs_overlays_trampoline_lowered:
0x8: {  	[smem:$0x3F48] =	sst s0  }
0x9: {  	[smem:$0x3F49] =	sst s1  }
0xa: {  	[smem:$0x3F4A] =	sst s2  }
0xb: {  	[smem:$0x3F4B] =	sst s3  }
0xc: {  	[smem:$0x3F4C] =	sst s4  }
0xd: {  	[smem:$0x3F4D] =	sst s5  }
0xe: {  	[smem:$0x3F4E] =	sst s6  }
0xf: {  	[smem:$0x3F4F] =	sst s7  }
0x10: {  	[smem:$0x3F50] =	sst s8  }
0x11: {  	[smem:$0x3F51] =	sst s9;
	s0 =	simm.s32 @!p0 $0x0  }
0x12: {  	s1 =	sld [smem:$0x3F37];
	s0 =	simm.s32 @p0 $0x1  }
0x13: {  	[smem:$0x3F52] =	sst s0;
	s0 =	simm.s32 @!p1 $0x0  }
0x14: {  	s2 =	sld [smem:$0x3F36];
	s0 =	simm.s32 @p1 $0x1  }
0x15: {  	[smem:$0x3F53] =	sst s0;
	s0 =	simm.s32 @!p2 $0x0  }
0x16: {  	s3 =	sld [smem:$0x3FDB];
	s0 =	simm.s32 @p2 $0x1  }
0x17: {  	s4 =	simm.s32 $0x1BF5;
	[smem:$0x3F55] =	sst s0  }
0x18: {  	s0 =	sld [smem:$0x3F38];
	_ =	swait.ge [sflag:s4], $0x0  }
0x19: {  	s7 =	sld [smem:$0x3F39]  }
0x1a: {  	s8 =	sadd.s32 $0xFFFFE003, lr  }
0x1b: {  	s9 =	sadd.s32 $0xFFFFFEF7, lr;
	s5 =	simm.s32 $0xFFFFFFFF;
	p2 =	slt.u32 s8, $0xFFFFF086  }
0x1c: {  	p1 =	slt.u32 s9, $0xF7A;
	s5 =	simm.s32 @!p2 $0x0  }
0x1d: {  	s5 =	simm.s32 @p1 $0x1;
	p0 =	seq.s32 s7, s2  }
0x1e: {  	s7 =	smul.u32 @!p0 $0xF7A, s2;
	p2 =	seq.s32 @!p0 s5, $0x0  }
0x1f: {  	s9 =	smul.u32 $0xF7A, s1;
	s8 =	simm.s32 @!p0 $0x1BF5;
	p2 =	por !p2, p0  }
0x20: {  	[sflag:s8] =	ssyncset.s32 @!p0 $0xFFFFF086;
	s6 =	sadd.s32 @!p0 s3, s7;
	s7 =	simm.s32 @!p0 $0x108  }
0x21: {  	s3 =	sadd.s32 s3, s9;
	s6 =	sadd.s32 @!p0 $0x88, s6;
	s7 =	simm.s32 @p2 $0x1082  }
0x22: {  	[simem:s7], [sflag:s8] =	dma.local @!p0 [hbm:s6], $0xF7A  }
0x23: {  	s9 =	sor.u32 $0xD0000000, s2;
	s6 =	simm.s32 $0x108;
	_ =	swait.ge @!p0 [sflag:s8], $0x0  }
0x24: {  	s3 =	sadd.s32 $0x88, s3;
	s6 =	simm.s32 @!p1 $0x1082;
	[sflag:s4] =	ssyncset.s32 $0xFFFFF086  }
0x25: {  	[simem:s6], [sflag:s4] =	dma.local [hbm:s3], $0xF7A  }
0x26: {  	[smem:$0x3F39] =	sst s1;
	(tag) =	ssettag s2;
	_ =	strace s9  }
0x27: {  	s1 =	sld [smem:$0x3F49]  }
0x28: {  	s2 =	sld [smem:$0x3F4A]  }
0x29: {  	s4 =	sld [smem:$0x3F4C]  }
0x2a: {  	p0 =	seq.s32 s5, $0x0;
	s5 =	sld [smem:$0x3F4D]  }
0x2b: {  	s6 =	sld [smem:$0x3F4E]  }
0x2c: {  	s7 =	sld [smem:$0x3F4F]  }
0x2d: {  	s3 =	simm.s32 $0x108;
	s8 =	sld [smem:$0x3F50]  }
0x2e: {  	s3 =	simm.s32 @!p0 $0x1082;
	s9 =	sld [smem:$0x3F51]  }
0x2f: {  	lr =	sadd.s32 s0, s3;
	s0 =	sld [smem:$0x3F48]  }
0x30: {  	s3 =	sld [smem:$0x3F4B]  }
0x31: {  	[smem:$0x3F54] =	sst s10  }
0x32: {  	s10 =	sld [smem:$0x3F52];
	_ =	sdelay $0x3  }
0x33: {  	p0 =	seq.s32 s10, $0x1;
	s10 =	sld [smem:$0x3F54];
	_ =	sdelay $0x3  }
0x34: {  	[smem:$0x3F54] =	sst s10  }
0x35: {  	s10 =	sld [smem:$0x3F53];
	_ =	sdelay $0x3  }
0x36: {  	p1 =	seq.s32 s10, $0x1;
	s10 =	sld [smem:$0x3F54];
	_ =	sdelay $0x3  }
0x37: {  	[smem:$0x3F54] =	sst s10  }
0x38: {  	s10 =	sld [smem:$0x3F55]  }
0x39: {  	_ = 	snop;
	(pc) =	sbr.ind lr, $3  }
0x3a: {  	_ = 	snop  }
0x3b: {  	_ = 	snop  }
0x3c: {  	p2 =	seq.s32 s10, $0x1;
	s10 =	sld [smem:$0x3F54]  }
0x3d: {  	_ =	shalt  }
0x3e: {  	_ =	shalt  }
0x3f: {  	_ =	shalt  }
0x40: {  	_ =	shalt  }
0x41: {  	_ =	shalt  }
0x42: {  	_ =	shalt  }
0x43: {  	_ =	shalt  }
0x44: {  	_ =	shalt  }
0x45: {  	_ =	shalt  }
0x46: {  	_ =	shalt  }
0x47: {  	_ =	shalt  }
0x48: {  	_ =	shalt  }
0x49: {  	_ =	shalt  }
0x4a: {  	_ =	shalt  }
0x4b: {  	_ =	shalt  }
0x4c: {  	_ =	shalt  }
0x4d: {  	_ =	shalt  }
0x4e: {  	_ =	shalt  }
0x4f: {  	_ =	shalt  }
0x50: {  	_ =	shalt  }
0x51: {  	_ =	shalt  }
0x52: {  	_ =	shalt  }
0x53: {  	_ =	shalt  }
0x54: {  	_ =	shalt  }
0x55: {  	_ =	shalt  }
0x56: {  	_ =	shalt  }
0x57: {  	_ =	shalt  }
0x58: {  	_ =	shalt  }
0x59: {  	_ =	shalt  }
0x5a: {  	_ =	shalt  }
0x5b: {  	_ =	shalt  }
0x5c: {  	_ =	shalt  }
0x5d: {  	_ =	shalt  }
0x5e: {  	_ =	shalt  }
0x5f: {  	_ =	shalt  }
0x60: {  	_ =	shalt  }
0x61: {  	_ =	shalt  }
0x62: {  	_ =	shalt  }
0x63: {  	_ =	shalt  }
0x64: {  	_ =	shalt  }
0x65: {  	_ =	shalt  }
0x66: {  	_ =	shalt  }
0x67: {  	_ =	shalt  }
0x68: {  	_ =	shalt  }
0x69: {  	_ =	shalt  }
0x6a: {  	_ =	shalt  }
0x6b: {  	_ =	shalt  }
0x6c: {  	_ =	shalt  }
0x6d: {  	_ =	shalt  }
0x6e: {  	_ =	shalt  }
0x6f: {  	_ =	shalt  }
0x70: {  	_ =	shalt  }
0x71: {  	_ =	shalt  }
0x72: {  	_ =	shalt  }
0x73: {  	_ =	shalt  }
0x74: {  	_ =	shalt  }
0x75: {  	_ =	shalt  }
0x76: {  	_ =	shalt  }
0x77: {  	_ =	shalt  }
0x78: {  	_ =	shalt  }
0x79: {  	_ =	shalt  }
0x7a: {  	_ =	shalt  }
0x7b: {  	_ =	shalt  }
0x7c: {  	_ =	shalt  }
0x7d: {  	_ =	shalt  }
0x7e: {  	_ =	shalt  }
0x7f: {  	_ =	shalt  }
0x80: {  	_ =	shalt  }
0x81: {  	_ =	shalt  }
0x82: {  	_ =	shalt  }
0x83: {  	_ =	shalt  }
0x84: {  	_ =	shalt  }
0x85: {  	_ =	shalt  }
0x86: {  	_ =	shalt  }
0x87: {  	_ =	shalt  }
.Lfunc_end0:
.L_simem_size_0:
called_computation.2_lowered:
.L_overlay_start_0:
0x88: {  	s2 =	sld [smem:$0x3FD9]  }
0x89: {  	s3 =	sld [smem:$0x3FFE];
	_ =	sdelay $0x1  }
0x8a: {  	s1 =	srdreg.scid  }
0x8b: {  	s0 =	sand.u32 $0x1, s1  }
0x8c: {  	s14 =	sshll.u32 s0, $0xA;
	s2 =	sadd.s32 s3, s2  }
0x8d: {  	s2 =	sadd.s32 s2, s14  }
0x8e: {  	[smem:$0x3F60] =	sst s2  }
0x8f: {  	_ = 	snop  }
0x90: {  	s2 =	sld [smem:$0x3FD0];
	_ =	sdelay $0x2  }
0x91: {  	s15 =	simm.s32 $0xA;
	s4 =	simm.s32 $0x10  }
0x92: {  	[smem:s4], [sflag:s15] =	dma.local [hbm:s2], $0x1  }
0x93: {  	_ =	swait.eq [sflag:s15], $0x1  }
0x94: {  	[sflag:s15] =	ssyncset.done $0x0  }
0x95: {  	[sflag:s15] =	ssyncadd.s32 $0xFFFFFFFF  }
0x96: {  	s16 =	sld [smem:$0x10];
	(tm) =	ssettm $0x1  }
0x97: {  	s17 =	sld [smem:$0x3FFB];
	_ =	sdelay $0x3  }
0x98: {  	_ =	strace s17  }
0x99: {  	s3 =	sld [smem:$0x3FFC];
	_ =	sdelay $0x3  }
0x9a: {  	_ =	strace s3  }
0x9b: {  	s3 =	sld [smem:$0x3FFD];
	_ =	sdelay $0x3  }
0x9c: {  	_ =	strace s3  }
0x9d: {  	_ =	strace $0x8FFFFFFF  }
0x9e: {  	s18 =	sld [smem:$0x3FDB];
	_ =	sdelay $0x1  }
0x9f: {  	s19 =	simm.s32 $_scs_section_size  }
0xa0: {  	s5 =	simm.s32 $_size__tile_overlayer_lowered;
	s6 =	simm.s32 $_tile_overlayer_lowered  }
0xa1: {  	s22 =	simm.s32 $0x1BFF;
	s21 =	sshll.u32 s6, $0x1;
	s3 =	sadd.s32 s19, s18  }
0xa2: {  	s7 =	simm.s32 $0x0;
	s20 =	sshll.u32 s5, $0x1;
	s5 =	sadd.s32 s21, s3  }
0xa3: {  	[timem:s7], [sflag:s22] =	dma.local [hbm:s5], s20  }
0xa4: {  	_ =	swait.ge [sflag:s22], s20  }
0xa5: {  	s4 =	ssub.s32 $0x0, s20;
	[sflag:s22] =	ssyncset.done $0x0  }
0xa6: {  	[sflag:s22] =	ssyncadd.s32 s4;
	_ =	sdelay $0x1  }
0xa7: {  	s23 =	simm.s32 $0x1B8B  }
0xa8: {  	_ =	swait.ge [sflag:s23], $0x1  }
0xa9: {  	[sflag:s23] =	ssyncset.done $0x0  }
0xaa: {  	s25 =	simm.s32 $0x1B8E;
	s24 =	sld [smem:$0x3FFE];
	[sflag:s23] =	ssyncadd.s32 $0xFFFFFFFF  }
0xab: {  	s26 =	simm.s32 $execute0_lowered;
	[smem:$0x3FD2] =	sst s25  }
0xac: {  	s5 =	sshll.u32 s26, $0x1;
	_ =	strace $0x80000049;
	[dreg:$0x1] =	wrdreg $0xFFFFFFFF  }
0xad: {  	s28 =	simm.s32 $_size_execute0_lowered;
	s3 =	sadd.s32 s3, s5;
	[dreg:$0x0] =	wrdreg $0x0  }
0xae: {  	s5 =	sshll.u32 s28, $0x1;
	[dreg:$0x2] =	wrdreg s3  }
0xaf: {  	[dreg:$0x3] =	wrdreg s5  }
0xb0: {  	[dreg:$0x4] =	wrdreg $0xC0  }
0xb1: {  	_ =	task [dreg:s7], $0x5FFFF  }
0xb2: {  	[dreg:$0x1] =	wrdreg $0xFFFFFFFF  }
0xb3: {  	[dreg:$0x0] =	wrdreg $0x60  }
0xb4: {  	[dreg:$0x2] =	wrdreg s24  }
0xb5: {  	[dreg:$0x3] =	wrdreg s16  }
0xb6: {  	[dreg:$0x4] =	wrdreg $0x9  }
0xb7: {  	_ =	task.clear_ibuf [dreg:s7], $0x5FFFF;
	_ =	strace $0x90000049  }
0xb8: {  	s29 =	simm.s32 $0x9;
	_ =	strace $0x8000004B  }
0xb9: {  	_ =	swait.ge [sflag:s29], $0x1  }
0xba: {  	[sflag:s29] =	ssyncadd.s32 $0xFFFFFFFF  }
0xbb: {  	_ =	strace $0x9000004B  }
0xbc: {  	_ =	sfence  }
0xbd: {  	s30 =	sld [smem:$0x0];
	_ =	sdelay $0x2  }
0xbe: {  	s31 =	sshll.u32 s1, $0xD;
	s1 =	sshrl.u32 s1, $0x2  }
0xbf: {  	s3 =	sand.u32 $0x4000, s31;
	s1 =	sadd.s32 s1, s30  }
0xc0: {  	s0 =	sor.u32 s3, s0;
	s1 =	sshll.u32 s1, $0x11  }
0xc1: {  	s0 =	sor.u32 s1, s0  }
0xc2: {  	s0 =	sadd.s32 $0x8F2B, s0  }
0xc3: {  	[sflag:s0] =	ssyncadd.remote.s32 $0x1  }
0xc4: {  	_ =	sfence.sel $0xFFFF  }
0xc5: {  	[dreg:$0x0] =	wrdreg $0xFFFFFFFF;
	(pc) =	sbr.abs _section_cstart, $3  }
0xc6: {  	[dreg:$0x1] =	wrdreg $0xFFFFFFFF  }
0xc7: {  	_ =	task.clear_ibuf [dreg:s7], $0x2FFFF;
	_ =	strace $0x9FFFFFFF  }
0xc8: {  	(tm) =	ssettm $0x7FFFFFFF  }
0xc9: {  	_ =	shalt  }
tec
execute0_lowered:
.L_overlay_start_1:
0x0: {  	(tag) =	ssettag $0x1  }
0x1: {  	s7 =	rddreg [dreg:$0x0]  }
0x2: {  	s2 =	rddreg [dreg:$0x1]  }
0x3: {  	s0 =	rddreg [dreg:$0x2]  }
0x4: {  	s1 =	srdreg.scid;
	_ =	strace $0x8000004A;
	s4 =	simm.s32 $0x1  }
0x5: {  	s9 =	simm.s32 $0x3;
	s12 =	simm.s32 $0x0;
	s5 =	sshll.u32 s1, $0x4  }
.Ltmp0:
0x6: {  	s1 =	stileid.u32;
	s5 =	sand.u32 $0x10, s5;
	(pc) =	sbr.rel .LBB2_1-.Ltmp0, $4  }
0x7: {  	s10 =	simm.s32 $0x0;
	s3 =	sadd.s32 $0x40C00, s7;
	s6 =	sor.u32 s1, s5  }
0x8: {  	[sflag:s4] =	ssyncpa.u1 $0x0;
	s5 =	simm.s32 $0x2;
	s6 =	sshll.u32 s6, $0x6  }
0x9: {  	s7 =	sadd.s32 $0x50E00, s7;
	[sflag:s5] =	ssyncpa.u1 $0x0;
	s8 =	sadd.s32 $0x40, s6  }
0xa: {  	vm0 =	vmmov $0xff;
	vm1 =	vcmask $0x3F20;
	[sflag:s9] =	ssyncpa.u1 $0x0;
	s9 =	simm.s32 $0x40;
	s11 =	smov.u32 s6  }
.LBB2_9:
0xb: {  	p0 =	seq.s32 s10, $0x2  }
.Ltmp1:
0xc: {  	_ = 	snop;
	(pc) =	sbr.rel @p0 .LBB2_11-.Ltmp1, $1  }
0xd: {  	_ =	sdelay $0x3  }
.LBB2_10:
0xe: {  	s12 =	sadd.s32 $0x40, s11  }
0xf: {  	s13 =	smov.u32 s6;
	p0 =	slt.s32 s12, s8  }
0x10: {  	s13 =	smov.u32 @p0 s12  }
0x11: {  	s10 =	sadd.s32 $0x1, s10;
	s12 =	smov.u32 s11;
	s11 =	smov.u32 s13  }
.LBB2_1:
0x12: {  	p0 =	sne.s32 s10, $0x0  }
.Ltmp2:
0x13: {  	_ = 	snop;
	(pc) =	sbr.rel @!p0 .LBB2_2-.Ltmp2, $1  }
0x14: {  	_ =	sdelay $0x3  }
0x15: {  	s13 =	sand.u32 $0x1, s10  }
0x16: {  	p0 =	seq.s32 s13, $0x0  }
.Ltmp3:
0x17: {  	_ = 	snop;
	(pc) =	sbr.rel @p0 .LBB2_9-.Ltmp3, $1  }
0x18: {  	_ =	sdelay $0x3  }
0x19: {  	_ =	swait.ge [sflag:s5], $0x40  }
0x1a: {  	[sflag:s5] =	ssyncset.done $0x0  }
0x1b: {  	s13 =	simm.s32 $0x0;
	[sflag:s5] =	ssyncadd.s32 $0xFFFFFFC0  }
0x1c: {  	v0 =	vld.msk [tilespmem:s13+$0x40 ss:$0x1], $0xffff;
	_ =	sdelay $0x4  }
0x1d: {  	v1 =	vshll.u32 v0, $0x5  }
0x1e: {  	vm2 =	veq.s32 v0, $0x80000000;
	v0 =	vshll.u32 v0, $0x11;
	v1 =	vand.u32 $0x1FF80, v1  }
0x1f: {  	v0 =	vand.u32 $0x60000, v0;
	v1 =	vsel vm2, $0xFFFFFF80, v1  }
0x20: {  	v0 =	vsel vm2, $0xFFFE0000, v0;
	v2 =	vand.u32 $0xFFFFFC00, v1  }
0x21: {  	v1 =	vand.u32 $0x380, v1;
	v0 =	vadd.s32 v0, v2  }
0x22: {  	v0 =	vor.u32 v1, v0  }
0x23: {  	v0 =	vshrl.u32 v0, $0x3;
	_ =	sdelay $0x3  }
0x24: {  	s13 =	simm.s32 $0x2080  }
0x25: {  	[tilespmem:s13], [sflag:$0x1] =	stream.indirect_vreg.gather [hbm:s3], $0x80, v0, vm0, $0x38;
	[tilespmem:$0x4080] =	vst v63  }
0x26: {  	s14 =	simm.s32 $0x2480;
	s31 =	simm.s32 $0x10  }
0x27: {  	[tilespmem:s14], [sflag:$0x1] =	stream.indirect_vreg.gather [hbm:s3], $0x80, v0, vm1, $0x38;
	[tilespmem:$0x4080] =	vst v63  }
0x28: {  	s14 =	simm.s32 $0x80;
	v0 =	vld.msk [tilespmem:s31+$0x40 ss:$0x1], $0xffff  }
.LBB2_5:
0x29: {  	p0 =	sne.s32 s14, $0xC0;
	_ =	sdelay $0x4  }
0x2a: {  	v1 =	vshll.u32 v0, $0x5  }
0x2b: {  	vm2 =	veq.s32 v0, $0x80000000;
	v0 =	vshll.u32 v0, $0x11;
	v1 =	vand.u32 $0x1FF80, v1  }
0x2c: {  	v0 =	vand.u32 $0x60000, v0;
	v1 =	vsel vm2, $0xFFFFFF80, v1  }
0x2d: {  	v0 =	vsel vm2, $0xFFFE0000, v0;
	v2 =	vand.u32 $0xFFFFFC00, v1  }
0x2e: {  	v1 =	vand.u32 $0x380, v1;
	v0 =	vadd.s32 v0, v2  }
0x2f: {  	v0 =	vor.u32 v1, v0  }
0x30: {  	v0 =	vshrl.u32 v0, $0x3;
	_ =	sdelay $0x3  }
.Ltmp4:
0x31: {  	s13 =	sadd.s32 $0x800, s13;
	(pc) =	sbr.rel @p0 .LBB2_5-.Ltmp4, $4  }
0x32: {  	[tilespmem:s13], [sflag:$0x1] =	stream.indirect_vreg.gather [hbm:s3], $0x80, v0, vm0, $0x38;
	[tilespmem:$0x4080] =	vst v63  }
0x33: {  	s15 =	sshra.s32 s14, $0x2;
	s16 =	sadd.s32 $0x400, s13  }
0x34: {  	[tilespmem:s16], [sflag:$0x1] =	stream.indirect_vreg.gather [hbm:s3], $0x80, v0, vm1, $0x38;
	[tilespmem:$0x4080] =	vst v63  }
0x35: {  	s14 =	sadd.s32 $0x40, s14;
	v0 =	vld.msk [tilespmem:s15+$0x40 ss:$0x1], $0xffff  }
0x36: {  	_ =	sdelay $0x3  }
0x37: {  	v1 =	vshll.u32 v0, $0x5  }
0x38: {  	vm2 =	veq.s32 v0, $0x80000000;
	v63 =	vshll.u32 v0, $0x11;
	v1 =	vand.u32 $0x1FF80, v1  }
0x39: {  	v0 =	vand.u32 $0x60000, v63;
	v1 =	vsel vm2, $0xFFFFFF80, v1  }
0x3a: {  	v0 =	vsel vm2, $0xFFFE0000, v0;
	v2 =	vand.u32 $0xFFFFFC00, v1  }
0x3b: {  	v1 =	vand.u32 $0x380, v1;
	v0 =	vadd.s32 v0, v2  }
0x3c: {  	v0 =	vor.u32 v1, v0  }
0x3d: {  	v0 =	vshrl.u32 v0, $0x3;
	_ =	sdelay $0x3  }
0x3e: {  	s13 =	sadd.s32 $0x800, s13  }
0x3f: {  	[tilespmem:s13], [sflag:$0x1] =	stream.indirect_vreg.gather [hbm:s3], $0x80, v0, vm0, $0x38;
	[tilespmem:$0x4080] =	vst v63  }
0x40: {  	s13 =	sadd.s32 $0x400, s13  }
0x41: {  	[tilespmem:s13], [sflag:$0x1] =	stream.indirect_vreg.gather [hbm:s3], $0x80, v0, vm1, $0x38;
	[tilespmem:$0x4080] =	vst v63  }
0x42: {  	s12 =	sshll.u32 s12, $0x4;
	s14 =	simm.s32 $0x80;
	_ =	swait.ge [sflag:s4], $0x2000  }
0x43: {  	s15 =	simm.s32 $0x2480;
	s12 =	sadd.s32 s12, s2;
	[sflag:s4] =	ssyncset.done $0x0  }
0x44: {  	s16 =	sadd.s32 $0x0, s12;
	s13 =	simm.s32 $0x2080;
	[sflag:s4] =	ssyncadd.s32 $0xFFFFE000  }
.LBB2_7:
0x45: {  	[hbm:s16] =	stream.linear.scatter [tilespmem:s13], [sflag:$0x3], $0x400, $0x38;
	[tilespmem:$0x4080] =	vst v63  }
0x46: {  	s16 =	smov.u32 s14;
	s13 =	smov.u32 s15;
	p0 =	sne.s32 s14, $0x380  }
.Ltmp5:
0x47: {  	s14 =	sadd.s32 $0x80, s14;
	(pc) =	sbr.rel @p0 .LBB2_7-.Ltmp5, $2  }
0x48: {  	_ =	sdelay $0x2  }
0x49: {  	s15 =	sadd.s32 $0x400, s15;
	s16 =	sadd.s32 s16, s12  }
.Ltmp6:
0x4a: {  	(pc) =	sbr.rel .LBB2_9-.Ltmp6, $2  }
0x4b: {  	_ =	sdelay $0x2  }
0x4c: {  	[hbm:s16] =	stream.linear.scatter [tilespmem:s13], [sflag:$0x3], $0x400, $0x38;
	[tilespmem:$0x4080] =	vst v63  }
.LBB2_2:
.Ltmp7:
0x4d: {  	(pc) =	sbr.rel .LBB2_10-.Ltmp7, $4  }
0x4e: {  	_ = 	snop  }
0x4f: {  	s12 =	sshrl.u32 s11, $0x3  }
0x50: {  	s13 =	sand.u32 $0x7, s11;
	s12 =	sadd.s32 s7, s12  }
0x51: {  	[tilespmem:s9], [sflag:$0x2] =	stream.linear.gather [hbm4b:s12+s13], $0x40, $0x38;
	[tilespmem:$0x4080] =	vst v63  }
.LBB2_11:
0x52: {  	s2 =	simm.s32 $0x3  }
0x53: {  	_ =	swait.ge [sflag:s2], $0x2000  }
0x54: {  	[sflag:s2] =	ssyncset.done $0x0  }
0x55: {  	[sflag:s2] =	ssyncadd.s32 $0xFFFFE000  }
0x56: {  	_ =	sfence.sel $0x180000  }
0x57: {  	s3 =	simm.s32 $0x2;
	[bflag:$0x0] =	sbarrier.arrive $0xFFFF  }
0x58: {  	[sflag:s3] =	ssyncpa.u1 $0x1  }
0x59: {  	s31 =	simm.s32 $0x1;
	[sflag:s2] =	ssyncpa.u1 $0x1  }
0x5a: {  	[sflag:s31] =	ssyncpa.u1 $0x1  }
0x5b: {  	p0 =	sne.s32 s1, $0x0;
	_ =	strace $0x9000004A  }
0x5c: {  	s0 =	sadd.s32 @!p0 $0x100000, s0;
	[bflag:$0x2] =	sbarrier.arrive $0xFFFF  }
0x5d: {  	[sflag:s0] =	ssyncadd.tile.s32 @!p0 $0x1;
	_ =	shalt  }
.Lfunc_end2:
_tile_overlayer_lowered:
.L_overlay_start_2:
0x5e: {  	(tag) =	ssettag $0x2  }
0x5f: {  	s0 =	rddreg [dreg:$0x0];
	s2 =	stileid.u32  }
0x60: {  	s1 =	rddreg [dreg:$0x1];
	p0 =	sne.s32 s2, $0x0  }
0x61: {  	s3 =	rddreg [dreg:$0x2];
	[bflag:$0x3] =	sbarrier.arrive $0xFFFF;
	s2 =	simm.s32 @!p0 $0x1C01  }
0x62: {  	[timem:s3], [sflag:s2] =	dma.local @!p0 [hbm:s0], s1  }
0x63: {  	s0 =	simm.s32 @!p0 $0x1  }
0x64: {  	_ =	swait.ge @!p0 [sflag:s0], s1  }
0x65: {  	s1 =	ssub.s32 @!p0 $0x0, s1;
	[sflag:s0] =	ssyncset.done @!p0 $0x0  }
0x66: {  	[sflag:s0] =	ssyncadd.s32 @!p0 s1  }
0x67: {  	[bflag:$0x3] =	sbarrier.arrive $0xFFFF  }
0x68: {  	_ =	shalt  }

// kernel: gather_offload_async_start
scs
__scs_entry_jumppad:
0x0: {  	(pc) =	sbr.rel $0x88, $3  }
0x1: {  	(tag) =	ssettag $0x0;
	lr =	simm.s32 $0x1  }
0x2: {  	[smem:$0x3F39] =	sst lr;
	_ =	strace $0xD0000000  }
0x3: {  	_ = 	snop  }
0x4: {  	_ = 	snop  }
0x5: {  	_ = 	snop  }
0x6: {  	_ = 	snop  }
0x7: {  	_ = 	snop  }
__scs_overlays_trampoline_lowered:
0x8: {  	[smem:$0x3F48] =	sst s0  }
0x9: {  	[smem:$0x3F49] =	sst s1  }
0xa: {  	[smem:$0x3F4A] =	sst s2  }
0xb: {  	[smem:$0x3F4B] =	sst s3  }
0xc: {  	[smem:$0x3F4C] =	sst s4  }
0xd: {  	[smem:$0x3F4D] =	sst s5  }
0xe: {  	[smem:$0x3F4E] =	sst s6  }
0xf: {  	[smem:$0x3F4F] =	sst s7  }
0x10: {  	[smem:$0x3F50] =	sst s8  }
0x11: {  	[smem:$0x3F51] =	sst s9;
	s0 =	simm.s32 @!p0 $0x0  }
0x12: {  	s1 =	sld [smem:$0x3F37];
	s0 =	simm.s32 @p0 $0x1  }
0x13: {  	[smem:$0x3F52] =	sst s0;
	s0 =	simm.s32 @!p1 $0x0  }
0x14: {  	s2 =	sld [smem:$0x3F36];
	s0 =	simm.s32 @p1 $0x1  }
0x15: {  	[smem:$0x3F53] =	sst s0;
	s0 =	simm.s32 @!p2 $0x0  }
0x16: {  	s3 =	sld [smem:$0x3FDB];
	s0 =	simm.s32 @p2 $0x1  }
0x17: {  	s4 =	simm.s32 $0x1BF5;
	[smem:$0x3F55] =	sst s0  }
0x18: {  	s0 =	sld [smem:$0x3F38];
	_ =	swait.ge [sflag:s4], $0x0  }
0x19: {  	s7 =	sld [smem:$0x3F39]  }
0x1a: {  	s8 =	sadd.s32 $0xFFFFE003, lr  }
0x1b: {  	s9 =	sadd.s32 $0xFFFFFEF7, lr;
	s5 =	simm.s32 $0xFFFFFFFF;
	p2 =	slt.u32 s8, $0xFFFFF086  }
0x1c: {  	p1 =	slt.u32 s9, $0xF7A;
	s5 =	simm.s32 @!p2 $0x0  }
0x1d: {  	s5 =	simm.s32 @p1 $0x1;
	p0 =	seq.s32 s7, s2  }
0x1e: {  	s7 =	smul.u32 @!p0 $0xF7A, s2;
	p2 =	seq.s32 @!p0 s5, $0x0  }
0x1f: {  	s9 =	smul.u32 $0xF7A, s1;
	s8 =	simm.s32 @!p0 $0x1BF5;
	p2 =	por !p2, p0  }
0x20: {  	[sflag:s8] =	ssyncset.s32 @!p0 $0xFFFFF086;
	s6 =	sadd.s32 @!p0 s3, s7;
	s7 =	simm.s32 @!p0 $0x108  }
0x21: {  	s3 =	sadd.s32 s3, s9;
	s6 =	sadd.s32 @!p0 $0x88, s6;
	s7 =	simm.s32 @p2 $0x1082  }
0x22: {  	[simem:s7], [sflag:s8] =	dma.local @!p0 [hbm:s6], $0xF7A  }
0x23: {  	s9 =	sor.u32 $0xD0000000, s2;
	s6 =	simm.s32 $0x108;
	_ =	swait.ge @!p0 [sflag:s8], $0x0  }
0x24: {  	s3 =	sadd.s32 $0x88, s3;
	s6 =	simm.s32 @!p1 $0x1082;
	[sflag:s4] =	ssyncset.s32 $0xFFFFF086  }
0x25: {  	[simem:s6], [sflag:s4] =	dma.local [hbm:s3], $0xF7A  }
0x26: {  	[smem:$0x3F39] =	sst s1;
	(tag) =	ssettag s2;
	_ =	strace s9  }
0x27: {  	s1 =	sld [smem:$0x3F49]  }
0x28: {  	s2 =	sld [smem:$0x3F4A]  }
0x29: {  	s4 =	sld [smem:$0x3F4C]  }
0x2a: {  	p0 =	seq.s32 s5, $0x0;
	s5 =	sld [smem:$0x3F4D]  }
0x2b: {  	s6 =	sld [smem:$0x3F4E]  }
0x2c: {  	s7 =	sld [smem:$0x3F4F]  }
0x2d: {  	s3 =	simm.s32 $0x108;
	s8 =	sld [smem:$0x3F50]  }
0x2e: {  	s3 =	simm.s32 @!p0 $0x1082;
	s9 =	sld [smem:$0x3F51]  }
0x2f: {  	lr =	sadd.s32 s0, s3;
	s0 =	sld [smem:$0x3F48]  }
0x30: {  	s3 =	sld [smem:$0x3F4B]  }
0x31: {  	[smem:$0x3F54] =	sst s10  }
0x32: {  	s10 =	sld [smem:$0x3F52];
	_ =	sdelay $0x3  }
0x33: {  	p0 =	seq.s32 s10, $0x1;
	s10 =	sld [smem:$0x3F54];
	_ =	sdelay $0x3  }
0x34: {  	[smem:$0x3F54] =	sst s10  }
0x35: {  	s10 =	sld [smem:$0x3F53];
	_ =	sdelay $0x3  }
0x36: {  	p1 =	seq.s32 s10, $0x1;
	s10 =	sld [smem:$0x3F54];
	_ =	sdelay $0x3  }
0x37: {  	[smem:$0x3F54] =	sst s10  }
0x38: {  	s10 =	sld [smem:$0x3F55]  }
0x39: {  	_ = 	snop;
	(pc) =	sbr.ind lr, $3  }
0x3a: {  	_ = 	snop  }
0x3b: {  	_ = 	snop  }
0x3c: {  	p2 =	seq.s32 s10, $0x1;
	s10 =	sld [smem:$0x3F54]  }
0x3d: {  	_ =	shalt  }
0x3e: {  	_ =	shalt  }
0x3f: {  	_ =	shalt  }
0x40: {  	_ =	shalt  }
0x41: {  	_ =	shalt  }
0x42: {  	_ =	shalt  }
0x43: {  	_ =	shalt  }
0x44: {  	_ =	shalt  }
0x45: {  	_ =	shalt  }
0x46: {  	_ =	shalt  }
0x47: {  	_ =	shalt  }
0x48: {  	_ =	shalt  }
0x49: {  	_ =	shalt  }
0x4a: {  	_ =	shalt  }
0x4b: {  	_ =	shalt  }
0x4c: {  	_ =	shalt  }
0x4d: {  	_ =	shalt  }
0x4e: {  	_ =	shalt  }
0x4f: {  	_ =	shalt  }
0x50: {  	_ =	shalt  }
0x51: {  	_ =	shalt  }
0x52: {  	_ =	shalt  }
0x53: {  	_ =	shalt  }
0x54: {  	_ =	shalt  }
0x55: {  	_ =	shalt  }
0x56: {  	_ =	shalt  }
0x57: {  	_ =	shalt  }
0x58: {  	_ =	shalt  }
0x59: {  	_ =	shalt  }
0x5a: {  	_ =	shalt  }
0x5b: {  	_ =	shalt  }
0x5c: {  	_ =	shalt  }
0x5d: {  	_ =	shalt  }
0x5e: {  	_ =	shalt  }
0x5f: {  	_ =	shalt  }
0x60: {  	_ =	shalt  }
0x61: {  	_ =	shalt  }
0x62: {  	_ =	shalt  }
0x63: {  	_ =	shalt  }
0x64: {  	_ =	shalt  }
0x65: {  	_ =	shalt  }
0x66: {  	_ =	shalt  }
0x67: {  	_ =	shalt  }
0x68: {  	_ =	shalt  }
0x69: {  	_ =	shalt  }
0x6a: {  	_ =	shalt  }
0x6b: {  	_ =	shalt  }
0x6c: {  	_ =	shalt  }
0x6d: {  	_ =	shalt  }
0x6e: {  	_ =	shalt  }
0x6f: {  	_ =	shalt  }
0x70: {  	_ =	shalt  }
0x71: {  	_ =	shalt  }
0x72: {  	_ =	shalt  }
0x73: {  	_ =	shalt  }
0x74: {  	_ =	shalt  }
0x75: {  	_ =	shalt  }
0x76: {  	_ =	shalt  }
0x77: {  	_ =	shalt  }
0x78: {  	_ =	shalt  }
0x79: {  	_ =	shalt  }
0x7a: {  	_ =	shalt  }
0x7b: {  	_ =	shalt  }
0x7c: {  	_ =	shalt  }
0x7d: {  	_ =	shalt  }
0x7e: {  	_ =	shalt  }
0x7f: {  	_ =	shalt  }
0x80: {  	_ =	shalt  }
0x81: {  	_ =	shalt  }
0x82: {  	_ =	shalt  }
0x83: {  	_ =	shalt  }
0x84: {  	_ =	shalt  }
0x85: {  	_ =	shalt  }
0x86: {  	_ =	shalt  }
0x87: {  	_ =	shalt  }
.Lfunc_end0:
.L_simem_size_0:
called_computation_lowered:
.L_overlay_start_0:
0x88: {  	s2 =	sld [smem:$0x3FD9]  }
0x89: {  	s3 =	sld [smem:$0x3FFE];
	_ =	sdelay $0x1  }
0x8a: {  	s1 =	srdreg.scid  }
0x8b: {  	s0 =	sand.u32 $0x1, s1  }
0x8c: {  	s16 =	sshll.u32 s0, $0xA;
	s2 =	sadd.s32 s3, s2  }
0x8d: {  	s2 =	sadd.s32 s2, s16  }
0x8e: {  	[smem:$0x3F60] =	sst s2  }
0x8f: {  	_ = 	snop  }
0x90: {  	(tm) =	ssettm $0x1  }
0x91: {  	s17 =	sld [smem:$0x3FFB];
	_ =	sdelay $0x3  }
0x92: {  	_ =	strace s17  }
0x93: {  	s2 =	sld [smem:$0x3FFC];
	_ =	sdelay $0x3  }
0x94: {  	_ =	strace s2  }
0x95: {  	s2 =	sld [smem:$0x3FFD];
	_ =	sdelay $0x3  }
0x96: {  	_ =	strace s2  }
0x97: {  	_ =	strace $0x8FFFFFFF  }
0x98: {  	s18 =	sld [smem:$0x3FDB];
	_ =	sdelay $0x1  }
0x99: {  	s19 =	simm.s32 $_scs_section_size  }
0x9a: {  	s4 =	simm.s32 $_size__tile_overlayer_lowered;
	s5 =	simm.s32 $_tile_overlayer_lowered  }
0x9b: {  	s22 =	simm.s32 $0x1BFF;
	s21 =	sshll.u32 s5, $0x1;
	s2 =	sadd.s32 s19, s18  }
0x9c: {  	s6 =	simm.s32 $0x0;
	s20 =	sshll.u32 s4, $0x1;
	s4 =	sadd.s32 s21, s2  }
0x9d: {  	[timem:s6], [sflag:s22] =	dma.local [hbm:s4], s20  }
0x9e: {  	_ =	swait.ge [sflag:s22], s20  }
0x9f: {  	s3 =	ssub.s32 $0x0, s20;
	[sflag:s22] =	ssyncset.done $0x0  }
0xa0: {  	[sflag:s22] =	ssyncadd.s32 s3;
	_ =	sdelay $0x1  }
0xa1: {  	s23 =	simm.s32 $0x1B8B  }
0xa2: {  	_ =	swait.ge [sflag:s23], $0x1  }
0xa3: {  	[sflag:s23] =	ssyncset.done $0x0  }
0xa4: {  	s25 =	simm.s32 $0x1B8E;
	s24 =	sld [smem:$0x3FFE];
	[sflag:s23] =	ssyncadd.s32 $0xFFFFFFFF  }
0xa5: {  	s26 =	simm.s32 $execute0_lowered;
	[smem:$0x3FD2] =	sst s25  }
0xa6: {  	s4 =	sshll.u32 s26, $0x1;
	_ =	strace $0x8000004C;
	[dreg:$0x1] =	wrdreg $0xFFFFFFFF  }
0xa7: {  	s28 =	simm.s32 $_size_execute0_lowered;
	s2 =	sadd.s32 s2, s4;
	[dreg:$0x0] =	wrdreg $0x0  }
0xa8: {  	s4 =	sshll.u32 s28, $0x1;
	[dreg:$0x2] =	wrdreg s2  }
0xa9: {  	[dreg:$0x3] =	wrdreg s4  }
0xaa: {  	[dreg:$0x4] =	wrdreg $0xC0  }
0xab: {  	_ =	task [dreg:s6], $0x5FFFF  }
0xac: {  	[dreg:$0x1] =	wrdreg $0xFFFFFFFF  }
0xad: {  	[dreg:$0x0] =	wrdreg $0x60  }
0xae: {  	[dreg:$0x2] =	wrdreg s24  }
0xaf: {  	[dreg:$0x3] =	wrdreg $0x9  }
0xb0: {  	_ =	task.clear_ibuf [dreg:s6], $0x4FFFF;
	_ =	strace $0x9000004C  }
0xb1: {  	s29 =	simm.s32 $0x9;
	_ =	strace $0x8000004E  }
0xb2: {  	_ =	swait.ge [sflag:s29], $0x1  }
0xb3: {  	[sflag:s29] =	ssyncadd.s32 $0xFFFFFFFF  }
0xb4: {  	_ =	strace $0x9000004E  }
0xb5: {  	_ =	sfence  }
0xb6: {  	s30 =	sld [smem:$0x0];
	_ =	sdelay $0x2  }
0xb7: {  	s31 =	sshll.u32 s1, $0xD;
	s1 =	sshrl.u32 s1, $0x2  }
0xb8: {  	s3 =	sand.u32 $0x4000, s31;
	s1 =	sadd.s32 s1, s30  }
0xb9: {  	s0 =	sor.u32 s3, s0;
	s1 =	sshll.u32 s1, $0x11  }
0xba: {  	s0 =	sor.u32 s1, s0  }
0xbb: {  	s0 =	sadd.s32 $0x8F2B, s0  }
0xbc: {  	[sflag:s0] =	ssyncadd.remote.s32 $0x1  }
0xbd: {  	_ =	sfence.sel $0xFFFF  }
0xbe: {  	[dreg:$0x0] =	wrdreg $0xFFFFFFFF;
	(pc) =	sbr.abs _section_cstart, $3  }
0xbf: {  	[dreg:$0x1] =	wrdreg $0xFFFFFFFF  }
0xc0: {  	_ =	task.clear_ibuf [dreg:s6], $0x2FFFF;
	_ =	strace $0x9FFFFFFF  }
0xc1: {  	(tm) =	ssettm $0x7FFFFFFF  }
tec
execute0_lowered:
.L_overlay_start_1:
0x0: {  	(tag) =	ssettag $0x1  }
0x1: {  	s7 =	rddreg [dreg:$0x0]  }
0x2: {  	s1 =	srdreg.scid;
	s0 =	rddreg [dreg:$0x1]  }
0x3: {  	_ =	strace $0x8000004D;
	s3 =	simm.s32 $0x1;
	s5 =	simm.s32 $0x2  }
0x4: {  	s9 =	simm.s32 $0x3;
	s11 =	simm.s32 $0x0;
	s2 =	sshll.u32 s1, $0x4  }
.Ltmp0:
0x5: {  	s1 =	stileid.u32;
	s4 =	sand.u32 $0x10, s2;
	(pc) =	sbr.rel .LBB2_1-.Ltmp0, $4  }
0x6: {  	p0 =	por $0x0, $0x0;
	[sflag:s3] =	ssyncpa.u1 $0x0;
	s4 =	sor.u32 s1, s4  }
0x7: {  	s6 =	sadd.s32 $0x74C00, s7;
	[sflag:s5] =	ssyncpa.u1 $0x0;
	s4 =	smul.u32 $0x380, s4  }
0x8: {  	s2 =	sadd.s32 $0xC00, s7;
	s7 =	sadd.s32 $0x76800, s7;
	[sflag:s9] =	ssyncpa.u1 $0x0  }
0x9: {  	vm0 =	vmmov $0xff;
	vm1 =	vcmask $0x3F20;
	s9 =	simm.s32 $0x0;
	s8 =	sadd.s32 $0x380, s4;
	s10 =	smov.u32 s4  }
.LBB2_6:
0xa: {  	[hbm:s15] =	stream.linear.scatter [tilespmem:s12], [sflag:$0x3], $0x400, $0x38;
	[tilespmem:$0x1C380] =	vst v63  }
.LBB2_7:
0xb: {  	p1 =	slt.u32 s9, $0x2;
	s11 =	sadd.s32 $0x1C0, s10  }
0xc: {  	s13 =	smov.u32 s4;
	s9 =	sadd.s32 $0x1, s9;
	p2 =	slt.s32 s11, s8  }
0xd: {  	s13 =	smov.u32 @p2 s11;
	p2 =	sne.s32 s9, $0x4  }
.Ltmp1:
0xe: {  	_ = 	snop;
	(pc) =	sbr.rel @!p2 .LBB2_8-.Ltmp1, $4  }
0xf: {  	s12 =	simm.s32 @!p1 $0x3  }
0x10: {  	_ =	swait.ge @!p1 [sflag:s12], $0xE000  }
0x11: {  	p0 =	por !p0, !p0;
	[sflag:s12] =	ssyncset.done @!p1 $0x0  }
0x12: {  	s11 =	smov.u32 s10;
	s10 =	smov.u32 s13;
	[sflag:s12] =	ssyncadd.s32 @!p1 $0xFFFF2000  }
.LBB2_1:
0x13: {  	p1 =	sgt.u32 s9, $0x1  }
0x14: {  	s12 =	sxor.u32 @!p1 $0x1, s9  }
0x15: {  	s12 =	smul.u32 @!p1 $0x700, s12  }
0x16: {  	s31 =	sadd.s32 $0xFFFFFFFF, s9;
	s13 =	sshrl.u32 @!p1 s10, $0x3  }
0x17: {  	s14 =	sand.u32 @!p1 $0x7, s10;
	s13 =	sadd.s32 @!p1 s6, s13;
	s12 =	sshra.s32 @!p1 s12, $0x2  }
0x18: {  	[tilespmem:s12], [sflag:$0x2] =	stream.linear.gather @!p1 [hbm4b:s13+s14], $0x1C0, $0x38;
	[tilespmem:$0x1C380] =	vst v63  }
0x19: {  	p1 =	sgt.u32 s31, $0x1  }
.Ltmp2:
0x1a: {  	_ = 	snop;
	(pc) =	sbr.rel @p1 .LBB2_7-.Ltmp2, $1  }
0x1b: {  	_ =	sdelay $0x3  }
0x1c: {  	s12 =	simm.s32 $0x1  }
0x1d: {  	s12 =	simm.s32 @!p0 $0x0  }
0x1e: {  	s13 =	smul.u32 $0x700, s12  }
0x1f: {  	_ =	swait.ge [sflag:s5], $0x1C0  }
0x20: {  	[sflag:s5] =	ssyncset.done $0x0;
	s14 =	sshrl.u32 s13, $0x2  }
0x21: {  	[sflag:s5] =	ssyncadd.s32 $0xFFFFFE40;
	s13 =	sadd.s32 $0x0, s14  }
0x22: {  	v0 =	vld.msk [tilespmem:s13+$0x0 ss:$0x1], $0xffff;
	_ =	sdelay $0x4  }
0x23: {  	v1 =	vshll.u32 v0, $0x5  }
0x24: {  	vm2 =	veq.s32 v0, $0x80000000;
	v0 =	vshll.u32 v0, $0x13;
	v1 =	vand.u32 $0x7FF80, v1  }
0x25: {  	v0 =	vand.u32 $0x180000, v0;
	v1 =	vsel vm2, $0xFFFFFF80, v1  }
0x26: {  	v0 =	vsel vm2, $0xFFF80000, v0;
	v2 =	vand.u32 $0xFFFFFC00, v1  }
0x27: {  	v1 =	vand.u32 $0x380, v1;
	v0 =	vadd.s32 v0, v2  }
0x28: {  	v0 =	vor.u32 v1, v0  }
0x29: {  	v0 =	vshrl.u32 v0, $0x3  }
0x2a: {  	s12 =	smul.u32 $0x38000, s12;
	_ =	sdelay $0x1  }
0x2b: {  	s12 =	sshrl.u32 s12, $0x2  }
0x2c: {  	s12 =	sor.u32 $0x380, s12  }
0x2d: {  	[tilespmem:s12], [sflag:$0x1] =	stream.indirect_vreg.gather [hbm:s2], $0x80, v0, vm0, $0x38;
	[tilespmem:$0x1C380] =	vst v63  }
0x2e: {  	s15 =	sadd.s32 $0x10, s14;
	s13 =	sadd.s32 $0x400, s12  }
0x2f: {  	[tilespmem:s13], [sflag:$0x1] =	stream.indirect_vreg.gather [hbm:s2], $0x80, v0, vm1, $0x38;
	[tilespmem:$0x1C380] =	vst v63  }
0x30: {  	s16 =	simm.s32 $0x80;
	v0 =	vld.msk [tilespmem:s15+$0x0 ss:$0x1], $0xffff;
	s15 =	smov.u32 s12  }
.LBB2_3:
0x31: {  	p1 =	sne.s32 s16, $0x6C0;
	_ =	sdelay $0x4  }
0x32: {  	v1 =	vshll.u32 v0, $0x5  }
0x33: {  	vm2 =	veq.s32 v0, $0x80000000;
	v0 =	vshll.u32 v0, $0x13;
	v1 =	vand.u32 $0x7FF80, v1  }
0x34: {  	v0 =	vand.u32 $0x180000, v0;
	v1 =	vsel vm2, $0xFFFFFF80, v1  }
0x35: {  	v0 =	vsel vm2, $0xFFF80000, v0;
	v2 =	vand.u32 $0xFFFFFC00, v1  }
0x36: {  	v1 =	vand.u32 $0x380, v1;
	v0 =	vadd.s32 v0, v2  }
0x37: {  	v0 =	vor.u32 v1, v0  }
0x38: {  	v0 =	vshrl.u32 v0, $0x3;
	_ =	sdelay $0x3  }
.Ltmp3:
0x39: {  	s17 =	sshra.s32 s16, $0x2;
	s15 =	sadd.s32 $0x800, s15;
	(pc) =	sbr.rel @p1 .LBB2_3-.Ltmp3, $4  }
0x3a: {  	[tilespmem:s15], [sflag:$0x1] =	stream.indirect_vreg.gather [hbm:s2], $0x80, v0, vm0, $0x38;
	[tilespmem:$0x1C380] =	vst v63  }
0x3b: {  	s17 =	sadd.s32 s17, s14;
	s18 =	sadd.s32 $0x400, s15  }
0x3c: {  	[tilespmem:s18], [sflag:$0x1] =	stream.indirect_vreg.gather [hbm:s2], $0x80, v0, vm1, $0x38;
	[tilespmem:$0x1C380] =	vst v63  }
0x3d: {  	s16 =	sadd.s32 $0x40, s16;
	v0 =	vld.msk [tilespmem:s17+$0x0 ss:$0x1], $0xffff  }
0x3e: {  	_ =	sdelay $0x3  }
0x3f: {  	v1 =	vshll.u32 v0, $0x5  }
0x40: {  	vm2 =	veq.s32 v0, $0x80000000;
	v63 =	vshll.u32 v0, $0x13;
	v1 =	vand.u32 $0x7FF80, v1  }
0x41: {  	v0 =	vand.u32 $0x180000, v63;
	v1 =	vsel vm2, $0xFFFFFF80, v1  }
0x42: {  	v0 =	vsel vm2, $0xFFF80000, v0;
	v2 =	vand.u32 $0xFFFFFC00, v1  }
0x43: {  	v1 =	vand.u32 $0x380, v1;
	v0 =	vadd.s32 v0, v2  }
0x44: {  	v0 =	vor.u32 v1, v0  }
0x45: {  	v0 =	vshrl.u32 v0, $0x3;
	_ =	sdelay $0x3  }
0x46: {  	s14 =	sadd.s32 $0x800, s15  }
0x47: {  	[tilespmem:s14], [sflag:$0x1] =	stream.indirect_vreg.gather [hbm:s2], $0x80, v0, vm0, $0x38;
	[tilespmem:$0x1C380] =	vst v63  }
0x48: {  	s14 =	sadd.s32 $0x400, s14  }
0x49: {  	[tilespmem:s14], [sflag:$0x1] =	stream.indirect_vreg.gather [hbm:s2], $0x80, v0, vm1, $0x38;
	[tilespmem:$0x1C380] =	vst v63  }
0x4a: {  	s11 =	sshll.u32 s11, $0x4;
	_ =	swait.ge [sflag:s3], $0xE000  }
0x4b: {  	s11 =	sadd.s32 s11, s7;
	[sflag:s3] =	ssyncset.done $0x0  }
0x4c: {  	s15 =	sadd.s32 $0x0, s11;
	s14 =	simm.s32 $0x80;
	[sflag:s3] =	ssyncadd.s32 $0xFFFF2000  }
.LBB2_5:
0x4d: {  	[hbm:s15] =	stream.linear.scatter [tilespmem:s12], [sflag:$0x3], $0x400, $0x38;
	[tilespmem:$0x1C380] =	vst v63  }
0x4e: {  	s15 =	smov.u32 s14;
	s12 =	smov.u32 s13;
	p1 =	sne.s32 s14, $0x1B80  }
.Ltmp4:
0x4f: {  	s14 =	sadd.s32 $0x80, s14;
	(pc) =	sbr.rel @p1 .LBB2_5-.Ltmp4, $2  }
0x50: {  	_ =	sdelay $0x2  }
0x51: {  	s13 =	sadd.s32 $0x400, s13;
	s15 =	sadd.s32 s15, s11  }
.Ltmp5:
0x52: {  	_ = 	snop;
	(pc) =	sbr.rel .LBB2_6-.Ltmp5, $1  }
0x53: {  	_ =	sdelay $0x3  }
.LBB2_8:
0x54: {  	_ =	sfence.sel $0x180000  }
0x55: {  	s2 =	simm.s32 $0x2;
	[bflag:$0x0] =	sbarrier.arrive $0xFFFF  }
0x56: {  	s30 =	simm.s32 $0x3;
	[sflag:s2] =	ssyncpa.u1 $0x1  }
0x57: {  	s31 =	simm.s32 $0x1;
	[sflag:s30] =	ssyncpa.u1 $0x1  }
0x58: {  	[sflag:s31] =	ssyncpa.u1 $0x1  }
0x59: {  	p0 =	sne.s32 s1, $0x0;
	_ =	strace $0x9000004D  }
0x5a: {  	s0 =	sadd.s32 @!p0 $0x100000, s0;
	[bflag:$0x2] =	sbarrier.arrive $0xFFFF  }
0x5b: {  	[sflag:s0] =	ssyncadd.tile.s32 @!p0 $0x1;
	_ =	shalt  }
.Lfunc_end2:
_tile_overlayer_lowered:
.L_overlay_start_2:
0x5c: {  	(tag) =	ssettag $0x2  }
0x5d: {  	s0 =	rddreg [dreg:$0x0];
	s2 =	stileid.u32  }
0x5e: {  	s1 =	rddreg [dreg:$0x1];
	p0 =	sne.s32 s2, $0x0  }
0x5f: {  	s3 =	rddreg [dreg:$0x2];
	[bflag:$0x3] =	sbarrier.arrive $0xFFFF;
	s2 =	simm.s32 @!p0 $0x1C01  }
0x60: {  	[timem:s3], [sflag:s2] =	dma.local @!p0 [hbm:s0], s1  }
0x61: {  	s0 =	simm.s32 @!p0 $0x1  }
0x62: {  	_ =	swait.ge @!p0 [sflag:s0], s1  }
0x63: {  	s1 =	ssub.s32 @!p0 $0x0, s1;
	[sflag:s0] =	ssyncset.done @!p0 $0x0  }
0x64: {  	[sflag:s0] =	ssyncadd.s32 @!p0 s1  }
0x65: {  	[bflag:$0x3] =	sbarrier.arrive $0xFFFF  }
0x66: {  	_ =	shalt  }

</sc_bundles>
